<compile_context>
chip_gen: v7x
topology: tpu7x:2x2x1
jax: 0.10.2.dev20260603
libtpu: 0.0.44.dev20260713+nightly
codegen_flags: <defaults>
</compile_context>

<pallas_src>
import functools

import jax
import jax.numpy as jnp
from jax import lax
from jax.experimental import pallas as pl
from jax.experimental.pallas import tpu as pltpu
from jax.experimental.pallas import tpu_sc as plsc

_N = 10000
_M = 10000
_E = 320000
_D = 128
_C = 128
_NEG = 0.2
_EPS = 1e-5

_NP = 10240
_NSUB = 16
_EPS_DEN = 1e-16
_E_SUB = _E // _NSUB
_E_WIN = _E_SUB + 96
_NVEC = _E_SUB // 16
_NVEC0 = 625
_W0 = 10112
_W1 = _E_WIN - _W0
_CH = _NP // _NSUB
_CHV = _CH // 16


def _pre_body(ix, iea, ex_, eea, Wi, atti, We, atte,
              gwi, gbi, gmi, gwe, gbe, gme,
              s_all_o, auxi_o, auxe_o):
    def frame(x_ref, ea_ref, W_ref, att_ref, gw_ref, gb_ref, gms_ref,
              s_o, sbase, aux_o):
        x = x_ref[...]
        ea = ea_ref[...]
        W = W_ref[...]
        att = att_ref[...]
        gw = gw_ref[...]
        gb = gb_ref[...]
        gms = gms_ref[...]
        mean = jnp.mean(x, axis=0)
        ex2 = jnp.mean(x * x, axis=0)
        var = ex2 - (2.0 - gms) * gms * mean * mean
        scale = gw / jnp.sqrt(var + _EPS)
        off = gb - scale * gms * mean
        v12 = jnp.dot(att, W)
        v1 = v12[0]
        zpad = jnp.zeros((_NP - _N,), jnp.float32)
        dnums = (((1,), (1,)), ((), ()))
        s1row = lax.dot_general((scale * v1).reshape(1, _D), x, dnums)
        s2row = lax.dot_general(v12[1:2], ea, dnums)
        s_o[pl.ds(sbase, _NP)] = jnp.concatenate([s1row.reshape(_N), zpad])
        c1 = jnp.sum(off * v1)
        s_o[pl.ds(sbase, _NP)] = s_o[pl.ds(sbase, _NP)] + c1
        s_o[pl.ds(sbase + _NP, _NP)] = jnp.concatenate(
            [s2row.reshape(_N), zpad])
        aux_o[0, :] = scale
        aux_o[1, :] = off
        aux_o[2, :] = mean

    frame(ix, iea, Wi, atti, gwi, gbi, gmi, s_all_o, 0, auxi_o)
    frame(ex_, eea, We, atte, gwe, gbe, gme, s_all_o, 2 * _NP, auxe_o)


_pre_call = pl.pallas_call(
    _pre_body,
    out_shape=[
        jax.ShapeDtypeStruct((4 * _NP,), jnp.float32),
        jax.ShapeDtypeStruct((3, _D), jnp.float32),
        jax.ShapeDtypeStruct((3, _D), jnp.float32),
    ],
)


_sc_mesh = plsc.VectorSubcoreMesh(core_axis_name="c", subcore_axis_name="s")


@functools.partial(
    pl.kernel,
    out_type=jax.ShapeDtypeStruct((2 * _NP,), jnp.float32),
    mesh=_sc_mesh,
    compiler_params=pltpu.CompilerParams(needs_layout_passes=False),
    scratch_types=[
        pltpu.VMEM((_NP,), jnp.float32),
        pltpu.VMEM((_NP,), jnp.float32),
        pltpu.VMEM((_NP,), jnp.float32),
        pltpu.VMEM((_NP,), jnp.float32),
        pltpu.VMEM((_E_SUB,), jnp.float32),
        pltpu.VMEM((2, _E_WIN), jnp.int32),
        pltpu.VMEM((_NSUB, _CH), jnp.float32),
        pltpu.VMEM((_CH,), jnp.float32),
        pltpu.VMEM_SHARED((_NSUB, _NP), jnp.float32),
        pltpu.VMEM_SHARED((_NP,), jnp.float32),
        pltpu.SemaphoreType.DMA,
        pltpu.SemaphoreType.DMA,
    ],
)
def _edge_call(s_all, ei_intra, ei_inter, w_out,
               s1_v, s2_v, den_v, w_v, ex_v, sd_v,
               stage_v, acc_v, stage_sh, sum_sh, esem0, esem1):
    cid = lax.axis_index("c")
    sid = lax.axis_index("s")
    ebase = sid * _E_SUB
    roff = lax.rem(ebase, 128)
    astart = pl.multiple_of(ebase - roff, 128)

    sbase = pl.multiple_of(cid * (2 * _NP), 8)

    @pl.when(cid == 0)
    def _():
        pltpu.async_copy(ei_intra.at[:, pl.ds(astart, _W0)],
                         sd_v.at[:, pl.ds(0, _W0)], esem0)
        pltpu.async_copy(ei_intra.at[:, pl.ds(astart + _W0, _W1)],
                         sd_v.at[:, pl.ds(_W0, _W1)], esem1)

    @pl.when(cid != 0)
    def _():
        pltpu.async_copy(ei_inter.at[:, pl.ds(astart, 5120)],
                         sd_v.at[:, pl.ds(0, 5120)], esem0)
        pltpu.async_copy(ei_inter.at[:, pl.ds(astart + 5120, _W0 - 5120)],
                         sd_v.at[:, pl.ds(5120, _W0 - 5120)], esem0)
        pltpu.async_copy(ei_inter.at[:, pl.ds(astart + _W0, 4992)],
                         sd_v.at[:, pl.ds(_W0, 4992)], esem1)
        pltpu.async_copy(ei_inter.at[:, pl.ds(astart + _W0 + 4992, _W1 - 4992)],
                         sd_v.at[:, pl.ds(_W0 + 4992, _W1 - 4992)], esem1)

    @pl.when(sid == 0)
    def _():
        pltpu.sync_copy(s_all.at[pl.ds(sbase, _NP)], stage_sh.at[0])
        pltpu.sync_copy(s_all.at[pl.ds(sbase + _NP, _NP)], stage_sh.at[1])

    plsc.subcore_barrier()
    pltpu.sync_copy(stage_sh.at[0], s1_v)
    pltpu.sync_copy(stage_sh.at[1], s2_v)
    plsc.subcore_barrier()

    zeros16 = jnp.zeros((16,), jnp.float32)

    @plsc.parallel_loop(0, _NP // 16, unroll=8)
    def _zero(i):
        sl = pl.ds(i * 16, 16)
        den_v[sl] = zeros16
        w_v[sl] = zeros16

    pltpu.make_async_copy(ei_inter.at[:, pl.ds(astart, _W0)],
                          sd_v.at[:, pl.ds(0, _W0)], esem0).wait()


    def _bpass(i):
        src = sd_v[0, pl.ds(roff + i * 16, 16)]
        dst = sd_v[1, pl.ds(roff + i * 16, 16)]
        a1 = plsc.load_gather(s1_v, [src])
        a2 = plsc.load_gather(s2_v, [dst])
        al = a1 + a2
        al = jnp.where(al >= 0.0, al, _NEG * al)
        exv = jnp.exp(al)
        ex_v[pl.ds(i * 16, 16)] = exv
        plsc.addupdate_scatter(den_v, [dst], exv)

    plsc.parallel_loop(0, _NVEC0, 1, unroll=5)(_bpass)
    pltpu.make_async_copy(ei_inter.at[:, pl.ds(astart + _W0, _W1)],
                          sd_v.at[:, pl.ds(_W0, _W1)], esem1).wait()
    plsc.parallel_loop(_NVEC0, _NVEC, 1, unroll=5)(_bpass)

    def _combine(local_v):
        pltpu.sync_copy(local_v, stage_sh.at[sid])
        plsc.subcore_barrier()
        pltpu.sync_copy(stage_sh.at[:, pl.ds(sid * _CH, _CH)], stage_v)

        @plsc.parallel_loop(0, _CHV, unroll=4)
        def _sum(j):
            sl = pl.ds(j * 16, 16)
            acc = stage_v[0, sl]
            for r in range(1, _NSUB):
                acc = acc + stage_v[r, sl]
            acc_v[sl] = acc

    _combine(den_v)
    pltpu.sync_copy(acc_v, sum_sh.at[pl.ds(sid * _CH, _CH)])
    plsc.subcore_barrier()
    pltpu.sync_copy(sum_sh, den_v)

    @plsc.parallel_loop(0, _NP // 16, unroll=8)
    def _inv(i):
        sl = pl.ds(i * 16, 16)
        den_v[sl] = 1.0 / (den_v[sl] + _EPS_DEN)

    @plsc.parallel_loop(0, _NVEC, unroll=10)
    def _cpass(i):
        src = sd_v[0, pl.ds(roff + i * 16, 16)]
        dst = sd_v[1, pl.ds(roff + i * 16, 16)]
        exv = ex_v[pl.ds(i * 16, 16)]
        dinv = plsc.load_gather(den_v, [dst])
        plsc.addupdate_scatter(w_v, [src], exv * dinv)

    _combine(w_v)
    wbase = pl.multiple_of(cid * _NP + sid * _CH, 8)
    pltpu.sync_copy(acc_v, w_out.at[pl.ds(wbase, _CH)])


def _post_body(ix, ex_, w_ref, auxi, auxe, Wi, bi, We, be, out_ref):
    def frame(x_ref, wbase, aux_ref, W_ref, b_ref):
        x = x_ref[...]
        w2 = w_ref[pl.ds(wbase, _N)].reshape(1, _N)
        scale = aux_ref[0, :]
        off = aux_ref[1, :]
        W = W_ref[...]
        u_raw = jnp.dot(w2, x)
        s_tot = jnp.sum(w2)
        u = scale[None, :] * u_raw + (off * s_tot)[None, :]
        f = lax.dot_general(u, W, (((1,), (1,)), ((), ())))
        return f[0] * (1.0 / _M) + b_ref[...]

    fi = frame(ix, 0, auxi, Wi, bi)
    fe = frame(ex_, _NP, auxe, We, be)
    out_ref[...] = jnp.concatenate(
        [fi, fe, auxi[2, :], auxe[2, :]], axis=0)


_post_call = pl.pallas_call(
    _post_body,
    out_shape=jax.ShapeDtypeStruct((4 * _D,), jnp.float32),
)


def kernel(intra_x, intra_edge_attr, inter_x, inter_edge_attr,
           gn_intra_weight, gn_intra_bias, gn_intra_mean_scale,
           gn_inter_weight, gn_inter_bias, gn_inter_mean_scale,
           W_intra, att_intra, b_intra, W_inter, att_inter, b_inter,
           intra_edge_index, inter_edge_index):
    atti = att_intra.reshape(2, _C)
    atte = att_inter.reshape(2, _C)
    s_all, auxi, auxe = _pre_call(
        intra_x, intra_edge_attr, inter_x, inter_edge_attr,
        W_intra, atti, W_inter, atte,
        gn_intra_weight, gn_intra_bias, gn_intra_mean_scale,
        gn_inter_weight, gn_inter_bias, gn_inter_mean_scale)
    w_all = _edge_call(s_all, intra_edge_index, inter_edge_index)

    return _post_call(intra_x, inter_x, w_all, auxi, auxe,
                      W_intra, b_intra, W_inter, b_inter)

# --- scband reference (transcript-rebuilt; emitter-appended) ---
"""Pipeline reference for scband-semantic-fusion-module-11235634446448 (READ-ONLY COPY).

The authoritative reference and input builder live on the scoring server;
editing this copy changes nothing except your own understanding.
"""

import jax, jax.numpy as jnp
import numpy as np

N = 10000
M = 10000
E = 320000
D = 128
H = 1
C = 128
NEG = 0.2
EPS = 1e-5


def graph_norm(x, w, b, ms):
    mean = jnp.mean(x, axis=0, keepdims=True)
    out = x - ms * mean
    var = jnp.mean(out * out, axis=0, keepdims=True)
    return w * out / jnp.sqrt(var + EPS) + b


def frame_update(x, edge_index, edge_attr, W, att, bias):
    xl = (x @ W.T).reshape(-1, H, C)
    al = (edge_attr @ W.T).reshape(-1, H, C)
    src = edge_index[0]
    dst = edge_index[1]
    x_i = xl[src]
    x_j = al[dst]
    alpha = jnp.sum(jnp.concatenate([x_i, x_j], axis=-1) * att, axis=-1)
    alpha = jnp.where(alpha >= 0, alpha, NEG * alpha)
    amax = jax.ops.segment_max(alpha, dst, num_segments=M)
    amax = jnp.where(jnp.isfinite(amax), amax, 0.0)
    ex = jnp.exp(alpha - amax[dst])
    den = jax.ops.segment_sum(ex, dst, num_segments=M)
    a = ex / (den[dst] + 1e-16)
    msg = a[..., None] * xl[src]
    out = jax.ops.segment_sum(msg, dst, num_segments=M)
    return out.reshape(-1, H * C) + bias


def setup_inputs(seed: int = 0):
    key = jax.random.key(seed)
    ks = jax.random.split(key, 12)
    return {
        'intra_x': jax.random.normal(ks[0], (N, D), dtype=jnp.float32),
        'intra_edge_attr': jax.random.normal(ks[1], (M, D), dtype=jnp.float32),
        'inter_x': jax.random.normal(ks[2], (N, D), dtype=jnp.float32),
        'inter_edge_attr': jax.random.normal(ks[3], (M, D), dtype=jnp.float32),
        'gn_intra_weight': jnp.ones((D,), jnp.float32),
        'gn_intra_bias': jnp.zeros((D,), jnp.float32),
        'gn_intra_mean_scale': jnp.ones((D,), jnp.float32),
        'gn_inter_weight': jnp.ones((D,), jnp.float32),
        'gn_inter_bias': jnp.zeros((D,), jnp.float32),
        'gn_inter_mean_scale': jnp.ones((D,), jnp.float32),
        'W_intra': jax.random.normal(ks[4], (H * C, D), dtype=jnp.float32) * 0.05,
        'att_intra': jax.random.normal(ks[5], (1, H, 2 * C), dtype=jnp.float32) * 0.05,
        'b_intra': jnp.zeros((H * C,), jnp.float32),
        'W_inter': jax.random.normal(ks[6], (H * C, D), dtype=jnp.float32) * 0.05,
        'att_inter': jax.random.normal(ks[7], (1, H, 2 * C), dtype=jnp.float32) * 0.05,
        'b_inter': jnp.zeros((H * C,), jnp.float32),
        'intra_edge_index': jax.random.randint(ks[8], (2, E), 0, N, dtype=jnp.int32),
        'inter_edge_index': jax.random.randint(ks[9], (2, E), 0, N, dtype=jnp.int32),
    }


def reference(intra_x, intra_edge_attr, inter_x, inter_edge_attr,
              gn_intra_weight, gn_intra_bias, gn_intra_mean_scale,
              gn_inter_weight, gn_inter_bias, gn_inter_mean_scale,
              W_intra, att_intra, b_intra, W_inter, att_inter, b_inter,
              intra_edge_index, inter_edge_index):
    xi = graph_norm(intra_x, gn_intra_weight, gn_intra_bias, gn_intra_mean_scale)
    xe = graph_norm(inter_x, gn_inter_weight, gn_inter_bias, gn_inter_mean_scale)
    f_intra = frame_update(xi, intra_edge_index, intra_edge_attr, W_intra, att_intra, b_intra)
    f_inter = frame_update(xe, inter_edge_index, inter_edge_attr, W_inter, att_inter, b_inter)
    fusion = jnp.concatenate([jnp.mean(f_intra, axis=0), jnp.mean(f_inter, axis=0),
                              jnp.mean(intra_x, axis=0), jnp.mean(inter_x, axis=0)], axis=-1)
    return fusion

if __name__ == "__main__":
    import jax
    _d = setup_inputs()
    print(jax.jit(kernel)(*tuple(_d.values())))

</pallas_src>

<mosaic_0001>
#map = affine_map<(d0, d1) -> (0)>
#map1 = affine_map<(d0, d1) -> (0, 0)>
module attributes {stable_mosaic.version = 14 : i64} {
  func.func @_edge_call(%arg0: i32, %arg1: i32, %arg2: memref<40960xf32, #tpu.memory_space<hbm>>, %arg3: memref<2x320000xi32, #tpu.memory_space<hbm>>, %arg4: memref<2x320000xi32, #tpu.memory_space<hbm>>, %arg5: memref<20480xf32, #tpu.memory_space<hbm>>, %arg6: memref<10240xf32, #tpu.memory_space<vmem>>, %arg7: memref<10240xf32, #tpu.memory_space<vmem>>, %arg8: memref<10240xf32, #tpu.memory_space<vmem>>, %arg9: memref<10240xf32, #tpu.memory_space<vmem>>, %arg10: memref<20000xf32, #tpu.memory_space<vmem>>, %arg11: memref<2x20096xi32, #tpu.memory_space<vmem>>, %arg12: memref<16x640xf32, #tpu.memory_space<vmem>>, %arg13: memref<640xf32, #tpu.memory_space<vmem>>, %arg14: memref<16x10240xf32, #tpu.memory_space<vmem_shared>>, %arg15: memref<10240xf32, #tpu.memory_space<vmem_shared>>, %arg16: memref<!tpu.dma_semaphore, #tpu.memory_space<semaphore_mem>>, %arg17: memref<!tpu.dma_semaphore, #tpu.memory_space<semaphore_mem>>) attributes {dimension_semantics = [#tpu.dimension_semantics<core_parallel>, #tpu.dimension_semantics<subcore_parallel>], iteration_bounds = array<i64: 2, 16>, scalar_prefetch = 0 : i64, scratch_operands = 12 : i64, tpu.core_type = #tpu.core_type<sc_vector_subcore>, window_params = [{transform_indices = #map}, {transform_indices = #map1}, {transform_indices = #map1}, {transform_indices = #map}]} {
    %mul3A = arith.constant 20000 : i32
    %mul3A_0 = arith.muli %arg1, %mul3A : i32
    %rem3A = arith.constant 128 : i32
    %rem3A_1 = arith.remsi %mul3A_0, %rem3A : i32
    %sub3A = arith.subi %mul3A_0, %rem3A_1 : i32
    %multiple_of3A = tpu.assume_multiple %sub3A, 128 : i32
    %mul3A_2 = arith.constant 20480 : i32
    %mul3A_3 = arith.muli %arg0, %mul3A_2 : i32
    %multiple_of3A_4 = tpu.assume_multiple %mul3A_3, 8 : i32
    %eq3A = arith.constant 0 : i32
    %eq3A_5 = arith.cmpi eq, %arg0, %eq3A : i32
    %convert_element_type3A = arith.extui %eq3A_5 : i1 to i32
    %cond3A = arith.constant 0 : i32
    %cond3A_6 = arith.cmpi ne, %convert_element_type3A, %cond3A : i32
    scf.if %cond3A_6 {
      %dma_start3A = arith.constant 0 : i32
      %dma_start3A_74 = arith.constant 0 : i32
      %dma_start3A_75 = tpu.memref_slice %arg11[%dma_start3A, %dma_start3A_74] : memref<2x20096xi32, #tpu.memory_space<vmem>> -> memref<2x10112xi32, #tpu.memory_space<vmem>>
      %dma_start3A_76 = arith.constant 0 : i32
      %dma_start3A_77 = tpu.memref_slice %arg3[%dma_start3A_76, %multiple_of3A] : memref<2x320000xi32, #tpu.memory_space<hbm>> -> memref<2x10112xi32, #tpu.memory_space<hbm>>
      %dma_start3A_78 = arith.constant 0 : i32
      %dma_start3A_79 = arith.constant 0 : i32
      %dma_start3A_80 = tpu.memref_slice %arg11[%dma_start3A_78, %dma_start3A_79] : memref<2x20096xi32, #tpu.memory_space<vmem>> -> memref<2x10112xi32, #tpu.memory_space<vmem>>
      %dma_start3A_81 = arith.constant 0 : i32
      %dma_start3A_82 = tpu.memref_slice %arg3[%dma_start3A_81, %multiple_of3A] : memref<2x320000xi32, #tpu.memory_space<hbm>> -> memref<2x10112xi32, #tpu.memory_space<hbm>>
      tpu.enqueue_dma source(%dma_start3A_82 : memref<2x10112xi32, #tpu.memory_space<hbm>>) target(%dma_start3A_80 : memref<2x10112xi32, #tpu.memory_space<vmem>>) target_semaphore(%arg16 : memref<!tpu.dma_semaphore, #tpu.memory_space<semaphore_mem>>)
      %add3A_83 = arith.constant 10112 : i32
      %add3A_84 = arith.addi %multiple_of3A, %add3A_83 : i32
      %dma_start3A_85 = arith.constant 0 : i32
      %dma_start3A_86 = arith.constant 10112 : i32
      %dma_start3A_87 = tpu.memref_slice %arg11[%dma_start3A_85, %dma_start3A_86] : memref<2x20096xi32, #tpu.memory_space<vmem>> -> memref<2x9984xi32, #tpu.memory_space<vmem>>
      %dma_start3A_88 = arith.constant 0 : i32
      %dma_start3A_89 = tpu.memref_slice %arg3[%dma_start3A_88, %add3A_84] : memref<2x320000xi32, #tpu.memory_space<hbm>> -> memref<2x9984xi32, #tpu.memory_space<hbm>>
      %dma_start3A_90 = arith.constant 0 : i32
      %dma_start3A_91 = arith.constant 10112 : i32
      %dma_start3A_92 = tpu.memref_slice %arg11[%dma_start3A_90, %dma_start3A_91] : memref<2x20096xi32, #tpu.memory_space<vmem>> -> memref<2x9984xi32, #tpu.memory_space<vmem>>
      %dma_start3A_93 = arith.constant 0 : i32
      %dma_start3A_94 = tpu.memref_slice %arg3[%dma_start3A_93, %add3A_84] : memref<2x320000xi32, #tpu.memory_space<hbm>> -> memref<2x9984xi32, #tpu.memory_space<hbm>>
      tpu.enqueue_dma source(%dma_start3A_94 : memref<2x9984xi32, #tpu.memory_space<hbm>>) target(%dma_start3A_92 : memref<2x9984xi32, #tpu.memory_space<vmem>>) target_semaphore(%arg17 : memref<!tpu.dma_semaphore, #tpu.memory_space<semaphore_mem>>)
    } else {
    }
    %ne3A = arith.constant 0 : i32
    %ne3A_7 = arith.cmpi ne, %arg0, %ne3A : i32
    %convert_element_type3A_8 = arith.extui %ne3A_7 : i1 to i32
    %cond3A_9 = arith.constant 0 : i32
    %cond3A_10 = arith.cmpi ne, %convert_element_type3A_8, %cond3A_9 : i32
    scf.if %cond3A_10 {
      %dma_start3A = arith.constant 0 : i32
      %dma_start3A_74 = arith.constant 0 : i32
      %dma_start3A_75 = tpu.memref_slice %arg11[%dma_start3A, %dma_start3A_74] : memref<2x20096xi32, #tpu.memory_space<vmem>> -> memref<2x5120xi32, #tpu.memory_space<vmem>>
      %dma_start3A_76 = arith.constant 0 : i32
      %dma_start3A_77 = tpu.memref_slice %arg4[%dma_start3A_76, %multiple_of3A] : memref<2x320000xi32, #tpu.memory_space<hbm>> -> memref<2x5120xi32, #tpu.memory_space<hbm>>
      %dma_start3A_78 = arith.constant 0 : i32
      %dma_start3A_79 = arith.constant 0 : i32
      %dma_start3A_80 = tpu.memref_slice %arg11[%dma_start3A_78, %dma_start3A_79] : memref<2x20096xi32, #tpu.memory_space<vmem>> -> memref<2x5120xi32, #tpu.memory_space<vmem>>
      %dma_start3A_81 = arith.constant 0 : i32
      %dma_start3A_82 = tpu.memref_slice %arg4[%dma_start3A_81, %multiple_of3A] : memref<2x320000xi32, #tpu.memory_space<hbm>> -> memref<2x5120xi32, #tpu.memory_space<hbm>>
      tpu.enqueue_dma source(%dma_start3A_82 : memref<2x5120xi32, #tpu.memory_space<hbm>>) target(%dma_start3A_80 : memref<2x5120xi32, #tpu.memory_space<vmem>>) target_semaphore(%arg16 : memref<!tpu.dma_semaphore, #tpu.memory_space<semaphore_mem>>)
      %add3A_83 = arith.constant 5120 : i32
      %add3A_84 = arith.addi %multiple_of3A, %add3A_83 : i32
      %dma_start3A_85 = arith.constant 0 : i32
      %dma_start3A_86 = arith.constant 5120 : i32
      %dma_start3A_87 = tpu.memref_slice %arg11[%dma_start3A_85, %dma_start3A_86] : memref<2x20096xi32, #tpu.memory_space<vmem>> -> memref<2x4992xi32, #tpu.memory_space<vmem>>
      %dma_start3A_88 = arith.constant 0 : i32
      %dma_start3A_89 = tpu.memref_slice %arg4[%dma_start3A_88, %add3A_84] : memref<2x320000xi32, #tpu.memory_space<hbm>> -> memref<2x4992xi32, #tpu.memory_space<hbm>>
      %dma_start3A_90 = arith.constant 0 : i32
      %dma_start3A_91 = arith.constant 5120 : i32
      %dma_start3A_92 = tpu.memref_slice %arg11[%dma_start3A_90, %dma_start3A_91] : memref<2x20096xi32, #tpu.memory_space<vmem>> -> memref<2x4992xi32, #tpu.memory_space<vmem>>
      %dma_start3A_93 = arith.constant 0 : i32
      %dma_start3A_94 = tpu.memref_slice %arg4[%dma_start3A_93, %add3A_84] : memref<2x320000xi32, #tpu.memory_space<hbm>> -> memref<2x4992xi32, #tpu.memory_space<hbm>>
      tpu.enqueue_dma source(%dma_start3A_94 : memref<2x4992xi32, #tpu.memory_space<hbm>>) target(%dma_start3A_92 : memref<2x4992xi32, #tpu.memory_space<vmem>>) target_semaphore(%arg16 : memref<!tpu.dma_semaphore, #tpu.memory_space<semaphore_mem>>)
      %add3A_95 = arith.constant 10112 : i32
      %add3A_96 = arith.addi %multiple_of3A, %add3A_95 : i32
      %dma_start3A_97 = arith.constant 0 : i32
      %dma_start3A_98 = arith.constant 10112 : i32
      %dma_start3A_99 = tpu.memref_slice %arg11[%dma_start3A_97, %dma_start3A_98] : memref<2x20096xi32, #tpu.memory_space<vmem>> -> memref<2x4992xi32, #tpu.memory_space<vmem>>
      %dma_start3A_100 = arith.constant 0 : i32
      %dma_start3A_101 = tpu.memref_slice %arg4[%dma_start3A_100, %add3A_96] : memref<2x320000xi32, #tpu.memory_space<hbm>> -> memref<2x4992xi32, #tpu.memory_space<hbm>>
      %dma_start3A_102 = arith.constant 0 : i32
      %dma_start3A_103 = arith.constant 10112 : i32
      %dma_start3A_104 = tpu.memref_slice %arg11[%dma_start3A_102, %dma_start3A_103] : memref<2x20096xi32, #tpu.memory_space<vmem>> -> memref<2x4992xi32, #tpu.memory_space<vmem>>
      %dma_start3A_105 = arith.constant 0 : i32
      %dma_start3A_106 = tpu.memref_slice %arg4[%dma_start3A_105, %add3A_96] : memref<2x320000xi32, #tpu.memory_space<hbm>> -> memref<2x4992xi32, #tpu.memory_space<hbm>>
      tpu.enqueue_dma source(%dma_start3A_106 : memref<2x4992xi32, #tpu.memory_space<hbm>>) target(%dma_start3A_104 : memref<2x4992xi32, #tpu.memory_space<vmem>>) target_semaphore(%arg17 : memref<!tpu.dma_semaphore, #tpu.memory_space<semaphore_mem>>)
      %add3A_107 = arith.constant 10112 : i32
      %add3A_108 = arith.addi %multiple_of3A, %add3A_107 : i32
      %add3A_109 = arith.constant 4992 : i32
      %add3A_110 = arith.addi %add3A_108, %add3A_109 : i32
      %dma_start3A_111 = arith.constant 0 : i32
      %dma_start3A_112 = arith.constant 15104 : i32
      %dma_start3A_113 = tpu.memref_slice %arg11[%dma_start3A_111, %dma_start3A_112] : memref<2x20096xi32, #tpu.memory_space<vmem>> -> memref<2x4992xi32, #tpu.memory_space<vmem>>
      %dma_start3A_114 = arith.constant 0 : i32
      %dma_start3A_115 = tpu.memref_slice %arg4[%dma_start3A_114, %add3A_110] : memref<2x320000xi32, #tpu.memory_space<hbm>> -> memref<2x4992xi32, #tpu.memory_space<hbm>>
      %dma_start3A_116 = arith.constant 0 : i32
      %dma_start3A_117 = arith.constant 15104 : i32
      %dma_start3A_118 = tpu.memref_slice %arg11[%dma_start3A_116, %dma_start3A_117] : memref<2x20096xi32, #tpu.memory_space<vmem>> -> memref<2x4992xi32, #tpu.memory_space<vmem>>
      %dma_start3A_119 = arith.constant 0 : i32
      %dma_start3A_120 = tpu.memref_slice %arg4[%dma_start3A_119, %add3A_110] : memref<2x320000xi32, #tpu.memory_space<hbm>> -> memref<2x4992xi32, #tpu.memory_space<hbm>>
      tpu.enqueue_dma source(%dma_start3A_120 : memref<2x4992xi32, #tpu.memory_space<hbm>>) target(%dma_start3A_118 : memref<2x4992xi32, #tpu.memory_space<vmem>>) target_semaphore(%arg17 : memref<!tpu.dma_semaphore, #tpu.memory_space<semaphore_mem>>)
    } else {
    }
    %eq3A_11 = arith.constant 0 : i32
    %eq3A_12 = arith.cmpi eq, %arg1, %eq3A_11 : i32
    %convert_element_type3A_13 = arith.extui %eq3A_12 : i1 to i32
    %cond3A_14 = arith.constant 0 : i32
    %cond3A_15 = arith.cmpi ne, %convert_element_type3A_13, %cond3A_14 : i32
    scf.if %cond3A_15 {
      %run_scoped3A_74 = arith.constant 0 : i32
      "tpu.region"() ({
        %run_scoped3A_78 = tpu.sem_alloc : memref<!tpu.dma_semaphore, #tpu.memory_space<semaphore_mem>>
        %dma_start3A = arith.constant 0 : i32
        %dma_start3A_79 = tpu.memref_slice %arg14[%run_scoped3A_74, %dma_start3A] : memref<16x10240xf32, #tpu.memory_space<vmem_shared>> -> memref<1x10240xf32, #tpu.memory_space<vmem_shared>>
        %dma_start3A_80 = tpu.memref_squeeze %dma_start3A_79 : memref<1x10240xf32, #tpu.memory_space<vmem_shared>> -> memref<10240xf32, #tpu.memory_space<vmem_shared>>
        %dma_start3A_81 = tpu.memref_slice %arg2[%multiple_of3A_4] : memref<40960xf32, #tpu.memory_space<hbm>> -> memref<10240xf32, #tpu.memory_space<hbm>>
        tpu.enqueue_dma source(%dma_start3A_81 : memref<10240xf32, #tpu.memory_space<hbm>>) target(%dma_start3A_80 : memref<10240xf32, #tpu.memory_space<vmem_shared>>) target_semaphore(%run_scoped3A_78 : memref<!tpu.dma_semaphore, #tpu.memory_space<semaphore_mem>>)
        %dma_wait3A_82 = arith.constant 0 : i32
        %dma_wait3A_83 = tpu.memref_slice %arg14[%run_scoped3A_74, %dma_wait3A_82] : memref<16x10240xf32, #tpu.memory_space<vmem_shared>> -> memref<1x10240xf32, #tpu.memory_space<vmem_shared>>
        %dma_wait3A_84 = tpu.memref_squeeze %dma_wait3A_83 : memref<1x10240xf32, #tpu.memory_space<vmem_shared>> -> memref<10240xf32, #tpu.memory_space<vmem_shared>>
        %dma_wait3A_85 = tpu.memref_slice %arg2[%multiple_of3A_4] : memref<40960xf32, #tpu.memory_space<hbm>> -> memref<10240xf32, #tpu.memory_space<hbm>>
        tpu.wait_dma2 semaphore(%run_scoped3A_78 : memref<!tpu.dma_semaphore, #tpu.memory_space<semaphore_mem>>) src(%dma_wait3A_85 : memref<10240xf32, #tpu.memory_space<hbm>>) dst(%dma_wait3A_84 : memref<10240xf32, #tpu.memory_space<vmem_shared>>)
        tpu.yield
      }) : () -> ()
      %add3A_75 = arith.constant 10240 : i32
      %add3A_76 = arith.addi %multiple_of3A_4, %add3A_75 : i32
      %run_scoped3A_77 = arith.constant 1 : i32
      "tpu.region"() ({
        %run_scoped3A_78 = tpu.sem_alloc : memref<!tpu.dma_semaphore, #tpu.memory_space<semaphore_mem>>
        %dma_start3A = arith.constant 0 : i32
        %dma_start3A_79 = tpu.memref_slice %arg14[%run_scoped3A_77, %dma_start3A] : memref<16x10240xf32, #tpu.memory_space<vmem_shared>> -> memref<1x10240xf32, #tpu.memory_space<vmem_shared>>
        %dma_start3A_80 = tpu.memref_squeeze %dma_start3A_79 : memref<1x10240xf32, #tpu.memory_space<vmem_shared>> -> memref<10240xf32, #tpu.memory_space<vmem_shared>>
        %dma_start3A_81 = tpu.memref_slice %arg2[%add3A_76] : memref<40960xf32, #tpu.memory_space<hbm>> -> memref<10240xf32, #tpu.memory_space<hbm>>
        tpu.enqueue_dma source(%dma_start3A_81 : memref<10240xf32, #tpu.memory_space<hbm>>) target(%dma_start3A_80 : memref<10240xf32, #tpu.memory_space<vmem_shared>>) target_semaphore(%run_scoped3A_78 : memref<!tpu.dma_semaphore, #tpu.memory_space<semaphore_mem>>)
        %dma_wait3A_82 = arith.constant 0 : i32
        %dma_wait3A_83 = tpu.memref_slice %arg14[%run_scoped3A_77, %dma_wait3A_82] : memref<16x10240xf32, #tpu.memory_space<vmem_shared>> -> memref<1x10240xf32, #tpu.memory_space<vmem_shared>>
        %dma_wait3A_84 = tpu.memref_squeeze %dma_wait3A_83 : memref<1x10240xf32, #tpu.memory_space<vmem_shared>> -> memref<10240xf32, #tpu.memory_space<vmem_shared>>
        %dma_wait3A_85 = tpu.memref_slice %arg2[%add3A_76] : memref<40960xf32, #tpu.memory_space<hbm>> -> memref<10240xf32, #tpu.memory_space<hbm>>
        tpu.wait_dma2 semaphore(%run_scoped3A_78 : memref<!tpu.dma_semaphore, #tpu.memory_space<semaphore_mem>>) src(%dma_wait3A_85 : memref<10240xf32, #tpu.memory_space<hbm>>) dst(%dma_wait3A_84 : memref<10240xf32, #tpu.memory_space<vmem_shared>>)
        tpu.yield
      }) : () -> ()
    } else {
    }
    %barrier3A = arith.constant 0 : index
    tpu.barrier barrier_id(%barrier3A)
    %run_scoped3A = arith.constant 0 : i32
    "tpu.region"() ({
      %run_scoped3A_74 = tpu.sem_alloc : memref<!tpu.dma_semaphore, #tpu.memory_space<semaphore_mem>>
      %dma_start3A = arith.constant 0 : i32
      %dma_start3A_75 = tpu.memref_slice %arg14[%run_scoped3A, %dma_start3A] : memref<16x10240xf32, #tpu.memory_space<vmem_shared>> -> memref<1x10240xf32, #tpu.memory_space<vmem_shared>>
      %dma_start3A_76 = tpu.memref_squeeze %dma_start3A_75 : memref<1x10240xf32, #tpu.memory_space<vmem_shared>> -> memref<10240xf32, #tpu.memory_space<vmem_shared>>
      %dma_start3A_77 = arith.constant 0 : i32
      %dma_start3A_78 = tpu.memref_slice %arg14[%run_scoped3A, %dma_start3A_77] : memref<16x10240xf32, #tpu.memory_space<vmem_shared>> -> memref<1x10240xf32, #tpu.memory_space<vmem_shared>>
      %dma_start3A_79 = tpu.memref_squeeze %dma_start3A_78 : memref<1x10240xf32, #tpu.memory_space<vmem_shared>> -> memref<10240xf32, #tpu.memory_space<vmem_shared>>
      tpu.enqueue_dma source(%dma_start3A_79 : memref<10240xf32, #tpu.memory_space<vmem_shared>>) target(%arg6 : memref<10240xf32, #tpu.memory_space<vmem>>) target_semaphore(%run_scoped3A_74 : memref<!tpu.dma_semaphore, #tpu.memory_space<semaphore_mem>>)
      %dma_wait3A_80 = arith.constant 0 : i32
      %dma_wait3A_81 = tpu.memref_slice %arg14[%run_scoped3A, %dma_wait3A_80] : memref<16x10240xf32, #tpu.memory_space<vmem_shared>> -> memref<1x10240xf32, #tpu.memory_space<vmem_shared>>
      %dma_wait3A_82 = tpu.memref_squeeze %dma_wait3A_81 : memref<1x10240xf32, #tpu.memory_space<vmem_shared>> -> memref<10240xf32, #tpu.memory_space<vmem_shared>>
      %dma_wait3A_83 = arith.constant 0 : i32
      %dma_wait3A_84 = tpu.memref_slice %arg14[%run_scoped3A, %dma_wait3A_83] : memref<16x10240xf32, #tpu.memory_space<vmem_shared>> -> memref<1x10240xf32, #tpu.memory_space<vmem_shared>>
      %dma_wait3A_85 = tpu.memref_squeeze %dma_wait3A_84 : memref<1x10240xf32, #tpu.memory_space<vmem_shared>> -> memref<10240xf32, #tpu.memory_space<vmem_shared>>
      tpu.wait_dma2 semaphore(%run_scoped3A_74 : memref<!tpu.dma_semaphore, #tpu.memory_space<semaphore_mem>>) src(%dma_wait3A_85 : memref<10240xf32, #tpu.memory_space<vmem_shared>>) dst(%arg6 : memref<10240xf32, #tpu.memory_space<vmem>>)
      tpu.yield
    }) : () -> ()
    %run_scoped3A_16 = arith.constant 1 : i32
    "tpu.region"() ({
      %run_scoped3A_74 = tpu.sem_alloc : memref<!tpu.dma_semaphore, #tpu.memory_space<semaphore_mem>>
      %dma_start3A = arith.constant 0 : i32
      %dma_start3A_75 = tpu.memref_slice %arg14[%run_scoped3A_16, %dma_start3A] : memref<16x10240xf32, #tpu.memory_space<vmem_shared>> -> memref<1x10240xf32, #tpu.memory_space<vmem_shared>>
      %dma_start3A_76 = tpu.memref_squeeze %dma_start3A_75 : memref<1x10240xf32, #tpu.memory_space<vmem_shared>> -> memref<10240xf32, #tpu.memory_space<vmem_shared>>
      %dma_start3A_77 = arith.constant 0 : i32
      %dma_start3A_78 = tpu.memref_slice %arg14[%run_scoped3A_16, %dma_start3A_77] : memref<16x10240xf32, #tpu.memory_space<vmem_shared>> -> memref<1x10240xf32, #tpu.memory_space<vmem_shared>>
      %dma_start3A_79 = tpu.memref_squeeze %dma_start3A_78 : memref<1x10240xf32, #tpu.memory_space<vmem_shared>> -> memref<10240xf32, #tpu.memory_space<vmem_shared>>
      tpu.enqueue_dma source(%dma_start3A_79 : memref<10240xf32, #tpu.memory_space<vmem_shared>>) target(%arg7 : memref<10240xf32, #tpu.memory_space<vmem>>) target_semaphore(%run_scoped3A_74 : memref<!tpu.dma_semaphore, #tpu.memory_space<semaphore_mem>>)
      %dma_wait3A_80 = arith.constant 0 : i32
      %dma_wait3A_81 = tpu.memref_slice %arg14[%run_scoped3A_16, %dma_wait3A_80] : memref<16x10240xf32, #tpu.memory_space<vmem_shared>> -> memref<1x10240xf32, #tpu.memory_space<vmem_shared>>
      %dma_wait3A_82 = tpu.memref_squeeze %dma_wait3A_81 : memref<1x10240xf32, #tpu.memory_space<vmem_shared>> -> memref<10240xf32, #tpu.memory_space<vmem_shared>>
      %dma_wait3A_83 = arith.constant 0 : i32
      %dma_wait3A_84 = tpu.memref_slice %arg14[%run_scoped3A_16, %dma_wait3A_83] : memref<16x10240xf32, #tpu.memory_space<vmem_shared>> -> memref<1x10240xf32, #tpu.memory_space<vmem_shared>>
      %dma_wait3A_85 = tpu.memref_squeeze %dma_wait3A_84 : memref<1x10240xf32, #tpu.memory_space<vmem_shared>> -> memref<10240xf32, #tpu.memory_space<vmem_shared>>
      tpu.wait_dma2 semaphore(%run_scoped3A_74 : memref<!tpu.dma_semaphore, #tpu.memory_space<semaphore_mem>>) src(%dma_wait3A_85 : memref<10240xf32, #tpu.memory_space<vmem_shared>>) dst(%arg7 : memref<10240xf32, #tpu.memory_space<vmem>>)
      tpu.yield
    }) : () -> ()
    %barrier3A_17 = arith.constant 0 : index
    tpu.barrier barrier_id(%barrier3A_17)
    %broadcast_in_dim3A = arith.constant 0.000000e+00 : f32
    %broadcast_in_dim3A_18 = vector.broadcast %broadcast_in_dim3A : f32 to vector<16xf32>
    %parallel_loop3A = arith.constant 0 : i32
    %parallel_loop3A_19 = arith.constant 640 : i32
    %parallel_loop3A_20 = arith.constant 1 : i32
    scf.for %parallel_loop3A_74 = %parallel_loop3A to %parallel_loop3A_19 step %parallel_loop3A_20  : i32 {
      %parallel_loop3A_75 = arith.constant 16 : i32
      %parallel_loop3A_76 = arith.muli %parallel_loop3A_74, %parallel_loop3A_75 : i32
      %parallel_loop3A_77 = arith.index_cast %parallel_loop3A_76 : i32 to index
      %parallel_loop3A_78 = tpu.vector_load %arg8[%parallel_loop3A_77] {strides = array<i32>} : memref<10240xf32, #tpu.memory_space<vmem>>, vector<16xf32>,
      tpu.vector_store %arg8[%parallel_loop3A_77], %broadcast_in_dim3A_18 {strides = array<i32>} : memref<10240xf32, #tpu.memory_space<vmem>>, vector<16xf32>,
      %parallel_loop3A_79 = arith.index_cast %parallel_loop3A_76 : i32 to index
      %parallel_loop3A_80 = tpu.vector_load %arg9[%parallel_loop3A_79] {strides = array<i32>} : memref<10240xf32, #tpu.memory_space<vmem>>, vector<16xf32>,
      tpu.vector_store %arg9[%parallel_loop3A_79], %broadcast_in_dim3A_18 {strides = array<i32>} : memref<10240xf32, #tpu.memory_space<vmem>>, vector<16xf32>,
    } {sc.loop_unroll_factor = 8 : i64, sc.parallel_access}
    %dma_wait3A = arith.constant 0 : i32
    %dma_wait3A_21 = arith.constant 0 : i32
    %dma_wait3A_22 = tpu.memref_slice %arg11[%dma_wait3A, %dma_wait3A_21] : memref<2x20096xi32, #tpu.memory_space<vmem>> -> memref<2x10112xi32, #tpu.memory_space<vmem>>
    %dma_wait3A_23 = arith.constant 0 : i32
    %dma_wait3A_24 = tpu.memref_slice %arg4[%dma_wait3A_23, %multiple_of3A] : memref<2x320000xi32, #tpu.memory_space<hbm>> -> memref<2x10112xi32, #tpu.memory_space<hbm>>
    %dma_wait3A_25 = arith.constant 0 : i32
    %dma_wait3A_26 = arith.constant 0 : i32
    %dma_wait3A_27 = tpu.memref_slice %arg11[%dma_wait3A_25, %dma_wait3A_26] : memref<2x20096xi32, #tpu.memory_space<vmem>> -> memref<2x10112xi32, #tpu.memory_space<vmem>>
    %dma_wait3A_28 = arith.constant 0 : i32
    %dma_wait3A_29 = tpu.memref_slice %arg4[%dma_wait3A_28, %multiple_of3A] : memref<2x320000xi32, #tpu.memory_space<hbm>> -> memref<2x10112xi32, #tpu.memory_space<hbm>>
    tpu.wait_dma2 semaphore(%arg16 : memref<!tpu.dma_semaphore, #tpu.memory_space<semaphore_mem>>) src(%dma_wait3A_29 : memref<2x10112xi32, #tpu.memory_space<hbm>>) dst(%dma_wait3A_27 : memref<2x10112xi32, #tpu.memory_space<vmem>>)
    %parallel_loop3A_30 = arith.constant 0 : i32
    %parallel_loop3A_31 = arith.constant 625 : i32
    %parallel_loop3A_32 = arith.constant 1 : i32
    scf.for %parallel_loop3A_74 = %parallel_loop3A_30 to %parallel_loop3A_31 step %parallel_loop3A_32  : i32 {
      %parallel_loop3A_75 = arith.constant 16 : i32
      %parallel_loop3A_76 = arith.muli %parallel_loop3A_74, %parallel_loop3A_75 : i32
      %parallel_loop3A_77 = arith.addi %rem3A_1, %parallel_loop3A_76 : i32
      %parallel_loop3A_78 = arith.constant 0 : i32
      %parallel_loop3A_79 = arith.index_cast %parallel_loop3A_78 : i32 to index
      %parallel_loop3A_80 = arith.index_cast %parallel_loop3A_77 : i32 to index
      %parallel_loop3A_81 = tpu.vector_load %arg11[%parallel_loop3A_79, %parallel_loop3A_80] {strides = array<i32>} : memref<2x20096xi32, #tpu.memory_space<vmem>>, vector<16xi32>,
      %parallel_loop3A_82 = arith.constant 16 : i32
      %parallel_loop3A_83 = arith.muli %parallel_loop3A_74, %parallel_loop3A_82 : i32
      %parallel_loop3A_84 = arith.addi %rem3A_1, %parallel_loop3A_83 : i32
      %parallel_loop3A_85 = arith.constant 1 : i32
      %parallel_loop3A_86 = arith.index_cast %parallel_loop3A_85 : i32 to index
      %parallel_loop3A_87 = arith.index_cast %parallel_loop3A_84 : i32 to index
      %parallel_loop3A_88 = tpu.vector_load %arg11[%parallel_loop3A_86, %parallel_loop3A_87] {strides = array<i32>} : memref<2x20096xi32, #tpu.memory_space<vmem>>, vector<16xi32>,
      %parallel_loop3A_89 = tpu.vector_load_idx %arg6[%parallel_loop3A_81] : memref<10240xf32, #tpu.memory_space<vmem>>[vector<16xi32>], vector<16xf32>,
      %parallel_loop3A_90 = tpu.vector_load_idx %arg7[%parallel_loop3A_88] : memref<10240xf32, #tpu.memory_space<vmem>>[vector<16xi32>], vector<16xf32>,
      %parallel_loop3A_91 = arith.addf %parallel_loop3A_89, %parallel_loop3A_90 : vector<16xf32>
      %parallel_loop3A_92 = arith.constant 0.000000e+00 : f32
      %parallel_loop3A_93 = vector.broadcast %parallel_loop3A_92 : f32 to vector<16xf32>
      %parallel_loop3A_94 = arith.cmpf oge, %parallel_loop3A_91, %parallel_loop3A_93 : vector<16xf32>
      %parallel_loop3A_95 = arith.constant 2.000000e-01 : f32
      %parallel_loop3A_96 = vector.broadcast %parallel_loop3A_95 : f32 to vector<16xf32>
      %parallel_loop3A_97 = arith.mulf %parallel_loop3A_96, %parallel_loop3A_91 : vector<16xf32>
      %parallel_loop3A_98 = arith.select %parallel_loop3A_94, %parallel_loop3A_91, %parallel_loop3A_97 : vector<16xi1>, vector<16xf32>
      %parallel_loop3A_99 = math.exp %parallel_loop3A_98 : vector<16xf32>
      %parallel_loop3A_100 = arith.constant 16 : i32
      %parallel_loop3A_101 = arith.muli %parallel_loop3A_74, %parallel_loop3A_100 : i32
      %parallel_loop3A_102 = arith.index_cast %parallel_loop3A_101 : i32 to index
      %parallel_loop3A_103 = tpu.vector_load %arg10[%parallel_loop3A_102] {strides = array<i32>} : memref<20000xf32, #tpu.memory_space<vmem>>, vector<16xf32>,
      tpu.vector_store %arg10[%parallel_loop3A_102], %parallel_loop3A_99 {strides = array<i32>} : memref<20000xf32, #tpu.memory_space<vmem>>, vector<16xf32>,
      tpu.vector_store_idx %arg8[%parallel_loop3A_88], %parallel_loop3A_99 {add = true} : memref<10240xf32, #tpu.memory_space<vmem>>[vector<16xi32>], vector<16xf32>,
    } {sc.loop_unroll_factor = 5 : i64, sc.parallel_access}
    %add3A = arith.constant 10112 : i32
    %add3A_33 = arith.addi %multiple_of3A, %add3A : i32
    %dma_wait3A_34 = arith.constant 0 : i32
    %dma_wait3A_35 = arith.constant 10112 : i32
    %dma_wait3A_36 = tpu.memref_slice %arg11[%dma_wait3A_34, %dma_wait3A_35] : memref<2x20096xi32, #tpu.memory_space<vmem>> -> memref<2x9984xi32, #tpu.memory_space<vmem>>
    %dma_wait3A_37 = arith.constant 0 : i32
    %dma_wait3A_38 = tpu.memref_slice %arg4[%dma_wait3A_37, %add3A_33] : memref<2x320000xi32, #tpu.memory_space<hbm>> -> memref<2x9984xi32, #tpu.memory_space<hbm>>
    %dma_wait3A_39 = arith.constant 0 : i32
    %dma_wait3A_40 = arith.constant 10112 : i32
    %dma_wait3A_41 = tpu.memref_slice %arg11[%dma_wait3A_39, %dma_wait3A_40] : memref<2x20096xi32, #tpu.memory_space<vmem>> -> memref<2x9984xi32, #tpu.memory_space<vmem>>
    %dma_wait3A_42 = arith.constant 0 : i32
    %dma_wait3A_43 = tpu.memref_slice %arg4[%dma_wait3A_42, %add3A_33] : memref<2x320000xi32, #tpu.memory_space<hbm>> -> memref<2x9984xi32, #tpu.memory_space<hbm>>
    tpu.wait_dma2 semaphore(%arg17 : memref<!tpu.dma_semaphore, #tpu.memory_space<semaphore_mem>>) src(%dma_wait3A_43 : memref<2x9984xi32, #tpu.memory_space<hbm>>) dst(%dma_wait3A_41 : memref<2x9984xi32, #tpu.memory_space<vmem>>)
    %parallel_loop3A_44 = arith.constant 625 : i32
    %parallel_loop3A_45 = arith.constant 1250 : i32
    %parallel_loop3A_46 = arith.constant 1 : i32
    scf.for %parallel_loop3A_74 = %parallel_loop3A_44 to %parallel_loop3A_45 step %parallel_loop3A_46  : i32 {
      %parallel_loop3A_75 = arith.constant 16 : i32
      %parallel_loop3A_76 = arith.muli %parallel_loop3A_74, %parallel_loop3A_75 : i32
      %parallel_loop3A_77 = arith.addi %rem3A_1, %parallel_loop3A_76 : i32
      %parallel_loop3A_78 = arith.constant 0 : i32
      %parallel_loop3A_79 = arith.index_cast %parallel_loop3A_78 : i32 to index
      %parallel_loop3A_80 = arith.index_cast %parallel_loop3A_77 : i32 to index
      %parallel_loop3A_81 = tpu.vector_load %arg11[%parallel_loop3A_79, %parallel_loop3A_80] {strides = array<i32>} : memref<2x20096xi32, #tpu.memory_space<vmem>>, vector<16xi32>,
      %parallel_loop3A_82 = arith.constant 16 : i32
      %parallel_loop3A_83 = arith.muli %parallel_loop3A_74, %parallel_loop3A_82 : i32
      %parallel_loop3A_84 = arith.addi %rem3A_1, %parallel_loop3A_83 : i32
      %parallel_loop3A_85 = arith.constant 1 : i32
      %parallel_loop3A_86 = arith.index_cast %parallel_loop3A_85 : i32 to index
      %parallel_loop3A_87 = arith.index_cast %parallel_loop3A_84 : i32 to index
      %parallel_loop3A_88 = tpu.vector_load %arg11[%parallel_loop3A_86, %parallel_loop3A_87] {strides = array<i32>} : memref<2x20096xi32, #tpu.memory_space<vmem>>, vector<16xi32>,
      %parallel_loop3A_89 = tpu.vector_load_idx %arg6[%parallel_loop3A_81] : memref<10240xf32, #tpu.memory_space<vmem>>[vector<16xi32>], vector<16xf32>,
      %parallel_loop3A_90 = tpu.vector_load_idx %arg7[%parallel_loop3A_88] : memref<10240xf32, #tpu.memory_space<vmem>>[vector<16xi32>], vector<16xf32>,
      %parallel_loop3A_91 = arith.addf %parallel_loop3A_89, %parallel_loop3A_90 : vector<16xf32>
      %parallel_loop3A_92 = arith.constant 0.000000e+00 : f32
      %parallel_loop3A_93 = vector.broadcast %parallel_loop3A_92 : f32 to vector<16xf32>
      %parallel_loop3A_94 = arith.cmpf oge, %parallel_loop3A_91, %parallel_loop3A_93 : vector<16xf32>
      %parallel_loop3A_95 = arith.constant 2.000000e-01 : f32
      %parallel_loop3A_96 = vector.broadcast %parallel_loop3A_95 : f32 to vector<16xf32>
      %parallel_loop3A_97 = arith.mulf %parallel_loop3A_96, %parallel_loop3A_91 : vector<16xf32>
      %parallel_loop3A_98 = arith.select %parallel_loop3A_94, %parallel_loop3A_91, %parallel_loop3A_97 : vector<16xi1>, vector<16xf32>
      %parallel_loop3A_99 = math.exp %parallel_loop3A_98 : vector<16xf32>
      %parallel_loop3A_100 = arith.constant 16 : i32
      %parallel_loop3A_101 = arith.muli %parallel_loop3A_74, %parallel_loop3A_100 : i32
      %parallel_loop3A_102 = arith.index_cast %parallel_loop3A_101 : i32 to index
      %parallel_loop3A_103 = tpu.vector_load %arg10[%parallel_loop3A_102] {strides = array<i32>} : memref<20000xf32, #tpu.memory_space<vmem>>, vector<16xf32>,
      tpu.vector_store %arg10[%parallel_loop3A_102], %parallel_loop3A_99 {strides = array<i32>} : memref<20000xf32, #tpu.memory_space<vmem>>, vector<16xf32>,
      tpu.vector_store_idx %arg8[%parallel_loop3A_88], %parallel_loop3A_99 {add = true} : memref<10240xf32, #tpu.memory_space<vmem>>[vector<16xi32>], vector<16xf32>,
    } {sc.loop_unroll_factor = 5 : i64, sc.parallel_access}
    "tpu.region"() ({
      %run_scoped3A_74 = tpu.sem_alloc : memref<!tpu.dma_semaphore, #tpu.memory_space<semaphore_mem>>
      %dma_start3A = arith.constant 0 : i32
      %dma_start3A_75 = tpu.memref_slice %arg14[%arg1, %dma_start3A] : memref<16x10240xf32, #tpu.memory_space<vmem_shared>> -> memref<1x10240xf32, #tpu.memory_space<vmem_shared>>
      %dma_start3A_76 = tpu.memref_squeeze %dma_start3A_75 : memref<1x10240xf32, #tpu.memory_space<vmem_shared>> -> memref<10240xf32, #tpu.memory_space<vmem_shared>>
      %dma_start3A_77 = arith.constant 0 : i32
      %dma_start3A_78 = tpu.memref_slice %arg14[%arg1, %dma_start3A_77] : memref<16x10240xf32, #tpu.memory_space<vmem_shared>> -> memref<1x10240xf32, #tpu.memory_space<vmem_shared>>
      %dma_start3A_79 = tpu.memref_squeeze %dma_start3A_78 : memref<1x10240xf32, #tpu.memory_space<vmem_shared>> -> memref<10240xf32, #tpu.memory_space<vmem_shared>>
      tpu.enqueue_dma source(%arg8 : memref<10240xf32, #tpu.memory_space<vmem>>) target(%dma_start3A_79 : memref<10240xf32, #tpu.memory_space<vmem_shared>>) target_semaphore(%run_scoped3A_74 : memref<!tpu.dma_semaphore, #tpu.memory_space<semaphore_mem>>)
      %dma_wait3A_80 = arith.constant 0 : i32
      %dma_wait3A_81 = tpu.memref_slice %arg14[%arg1, %dma_wait3A_80] : memref<16x10240xf32, #tpu.memory_space<vmem_shared>> -> memref<1x10240xf32, #tpu.memory_space<vmem_shared>>
      %dma_wait3A_82 = tpu.memref_squeeze %dma_wait3A_81 : memref<1x10240xf32, #tpu.memory_space<vmem_shared>> -> memref<10240xf32, #tpu.memory_space<vmem_shared>>
      %dma_wait3A_83 = arith.constant 0 : i32
      %dma_wait3A_84 = tpu.memref_slice %arg14[%arg1, %dma_wait3A_83] : memref<16x10240xf32, #tpu.memory_space<vmem_shared>> -> memref<1x10240xf32, #tpu.memory_space<vmem_shared>>
      %dma_wait3A_85 = tpu.memref_squeeze %dma_wait3A_84 : memref<1x10240xf32, #tpu.memory_space<vmem_shared>> -> memref<10240xf32, #tpu.memory_space<vmem_shared>>
      tpu.wait_dma2 semaphore(%run_scoped3A_74 : memref<!tpu.dma_semaphore, #tpu.memory_space<semaphore_mem>>) src(%arg8 : memref<10240xf32, #tpu.memory_space<vmem>>) dst(%dma_wait3A_85 : memref<10240xf32, #tpu.memory_space<vmem_shared>>)
      tpu.yield
    }) : () -> ()
    %barrier3A_47 = arith.constant 0 : index
    tpu.barrier barrier_id(%barrier3A_47)
    %mul3A_48 = arith.constant 640 : i32
    %mul3A_49 = arith.muli %arg1, %mul3A_48 : i32
    "tpu.region"() ({
      %run_scoped3A_74 = tpu.sem_alloc : memref<!tpu.dma_semaphore, #tpu.memory_space<semaphore_mem>>
      %dma_start3A = arith.constant 0 : i32
      %dma_start3A_75 = tpu.memref_slice %arg14[%dma_start3A, %mul3A_49] : memref<16x10240xf32, #tpu.memory_space<vmem_shared>> -> memref<16x640xf32, #tpu.memory_space<vmem_shared>>
      %dma_start3A_76 = arith.constant 0 : i32
      %dma_start3A_77 = tpu.memref_slice %arg14[%dma_start3A_76, %mul3A_49] : memref<16x10240xf32, #tpu.memory_space<vmem_shared>> -> memref<16x640xf32, #tpu.memory_space<vmem_shared>>
      tpu.enqueue_dma source(%dma_start3A_77 : memref<16x640xf32, #tpu.memory_space<vmem_shared>>) target(%arg12 : memref<16x640xf32, #tpu.memory_space<vmem>>) target_semaphore(%run_scoped3A_74 : memref<!tpu.dma_semaphore, #tpu.memory_space<semaphore_mem>>)
      %dma_wait3A_78 = arith.constant 0 : i32
      %dma_wait3A_79 = tpu.memref_slice %arg14[%dma_wait3A_78, %mul3A_49] : memref<16x10240xf32, #tpu.memory_space<vmem_shared>> -> memref<16x640xf32, #tpu.memory_space<vmem_shared>>
      %dma_wait3A_80 = arith.constant 0 : i32
      %dma_wait3A_81 = tpu.memref_slice %arg14[%dma_wait3A_80, %mul3A_49] : memref<16x10240xf32, #tpu.memory_space<vmem_shared>> -> memref<16x640xf32, #tpu.memory_space<vmem_shared>>
      tpu.wait_dma2 semaphore(%run_scoped3A_74 : memref<!tpu.dma_semaphore, #tpu.memory_space<semaphore_mem>>) src(%dma_wait3A_81 : memref<16x640xf32, #tpu.memory_space<vmem_shared>>) dst(%arg12 : memref<16x640xf32, #tpu.memory_space<vmem>>)
      tpu.yield
    }) : () -> ()
    %parallel_loop3A_50 = arith.constant 0 : i32
    %parallel_loop3A_51 = arith.constant 40 : i32
    %parallel_loop3A_52 = arith.constant 1 : i32
    scf.for %parallel_loop3A_74 = %parallel_loop3A_50 to %parallel_loop3A_51 step %parallel_loop3A_52  : i32 {
      %parallel_loop3A_75 = arith.constant 16 : i32
      %parallel_loop3A_76 = arith.muli %parallel_loop3A_74, %parallel_loop3A_75 : i32
      %parallel_loop3A_77 = arith.constant 0 : i32
      %parallel_loop3A_78 = arith.index_cast %parallel_loop3A_77 : i32 to index
      %parallel_loop3A_79 = arith.index_cast %parallel_loop3A_76 : i32 to index
      %parallel_loop3A_80 = tpu.vector_load %arg12[%parallel_loop3A_78, %parallel_loop3A_79] {strides = array<i32>} : memref<16x640xf32, #tpu.memory_space<vmem>>, vector<16xf32>,
      %parallel_loop3A_81 = arith.constant 1 : i32
      %parallel_loop3A_82 = arith.index_cast %parallel_loop3A_81 : i32 to index
      %parallel_loop3A_83 = arith.index_cast %parallel_loop3A_76 : i32 to index
      %parallel_loop3A_84 = tpu.vector_load %arg12[%parallel_loop3A_82, %parallel_loop3A_83] {strides = array<i32>} : memref<16x640xf32, #tpu.memory_space<vmem>>, vector<16xf32>,
      %parallel_loop3A_85 = arith.addf %parallel_loop3A_80, %parallel_loop3A_84 : vector<16xf32>
      %parallel_loop3A_86 = arith.constant 2 : i32
      %parallel_loop3A_87 = arith.index_cast %parallel_loop3A_86 : i32 to index
      %parallel_loop3A_88 = arith.index_cast %parallel_loop3A_76 : i32 to index
      %parallel_loop3A_89 = tpu.vector_load %arg12[%parallel_loop3A_87, %parallel_loop3A_88] {strides = array<i32>} : memref<16x640xf32, #tpu.memory_space<vmem>>, vector<16xf32>,
      %parallel_loop3A_90 = arith.addf %parallel_loop3A_85, %parallel_loop3A_89 : vector<16xf32>
      %parallel_loop3A_91 = arith.constant 3 : i32
      %parallel_loop3A_92 = arith.index_cast %parallel_loop3A_91 : i32 to index
      %parallel_loop3A_93 = arith.index_cast %parallel_loop3A_76 : i32 to index
      %parallel_loop3A_94 = tpu.vector_load %arg12[%parallel_loop3A_92, %parallel_loop3A_93] {strides = array<i32>} : memref<16x640xf32, #tpu.memory_space<vmem>>, vector<16xf32>,
      %parallel_loop3A_95 = arith.addf %parallel_loop3A_90, %parallel_loop3A_94 : vector<16xf32>
      %parallel_loop3A_96 = arith.constant 4 : i32
      %parallel_loop3A_97 = arith.index_cast %parallel_loop3A_96 : i32 to index
      %parallel_loop3A_98 = arith.index_cast %parallel_loop3A_76 : i32 to index
      %parallel_loop3A_99 = tpu.vector_load %arg12[%parallel_loop3A_97, %parallel_loop3A_98] {strides = array<i32>} : memref<16x640xf32, #tpu.memory_space<vmem>>, vector<16xf32>,
      %parallel_loop3A_100 = arith.addf %parallel_loop3A_95, %parallel_loop3A_99 : vector<16xf32>
      %parallel_loop3A_101 = arith.constant 5 : i32
      %parallel_loop3A_102 = arith.index_cast %parallel_loop3A_101 : i32 to index
      %parallel_loop3A_103 = arith.index_cast %parallel_loop3A_76 : i32 to index
      %parallel_loop3A_104 = tpu.vector_load %arg12[%parallel_loop3A_102, %parallel_loop3A_103] {strides = array<i32>} : memref<16x640xf32, #tpu.memory_space<vmem>>, vector<16xf32>,
      %parallel_loop3A_105 = arith.addf %parallel_loop3A_100, %parallel_loop3A_104 : vector<16xf32>
      %parallel_loop3A_106 = arith.constant 6 : i32
      %parallel_loop3A_107 = arith.index_cast %parallel_loop3A_106 : i32 to index
      %parallel_loop3A_108 = arith.index_cast %parallel_loop3A_76 : i32 to index
      %parallel_loop3A_109 = tpu.vector_load %arg12[%parallel_loop3A_107, %parallel_loop3A_108] {strides = array<i32>} : memref<16x640xf32, #tpu.memory_space<vmem>>, vector<16xf32>,
      %parallel_loop3A_110 = arith.addf %parallel_loop3A_105, %parallel_loop3A_109 : vector<16xf32>
      %parallel_loop3A_111 = arith.constant 7 : i32
      %parallel_loop3A_112 = arith.index_cast %parallel_loop3A_111 : i32 to index
      %parallel_loop3A_113 = arith.index_cast %parallel_loop3A_76 : i32 to index
      %parallel_loop3A_114 = tpu.vector_load %arg12[%parallel_loop3A_112, %parallel_loop3A_113] {strides = array<i32>} : memref<16x640xf32, #tpu.memory_space<vmem>>, vector<16xf32>,
      %parallel_loop3A_115 = arith.addf %parallel_loop3A_110, %parallel_loop3A_114 : vector<16xf32>
      %parallel_loop3A_116 = arith.constant 8 : i32
      %parallel_loop3A_117 = arith.index_cast %parallel_loop3A_116 : i32 to index
      %parallel_loop3A_118 = arith.index_cast %parallel_loop3A_76 : i32 to index
      %parallel_loop3A_119 = tpu.vector_load %arg12[%parallel_loop3A_117, %parallel_loop3A_118] {strides = array<i32>} : memref<16x640xf32, #tpu.memory_space<vmem>>, vector<16xf32>,
      %parallel_loop3A_120 = arith.addf %parallel_loop3A_115, %parallel_loop3A_119 : vector<16xf32>
      %parallel_loop3A_121 = arith.constant 9 : i32
      %parallel_loop3A_122 = arith.index_cast %parallel_loop3A_121 : i32 to index
      %parallel_loop3A_123 = arith.index_cast %parallel_loop3A_76 : i32 to index
      %parallel_loop3A_124 = tpu.vector_load %arg12[%parallel_loop3A_122, %parallel_loop3A_123] {strides = array<i32>} : memref<16x640xf32, #tpu.memory_space<vmem>>, vector<16xf32>,
      %parallel_loop3A_125 = arith.addf %parallel_loop3A_120, %parallel_loop3A_124 : vector<16xf32>
      %parallel_loop3A_126 = arith.constant 10 : i32
      %parallel_loop3A_127 = arith.index_cast %parallel_loop3A_126 : i32 to index
      %parallel_loop3A_128 = arith.index_cast %parallel_loop3A_76 : i32 to index
      %parallel_loop3A_129 = tpu.vector_load %arg12[%parallel_loop3A_127, %parallel_loop3A_128] {strides = array<i32>} : memref<16x640xf32, #tpu.memory_space<vmem>>, vector<16xf32>,
      %parallel_loop3A_130 = arith.addf %parallel_loop3A_125, %parallel_loop3A_129 : vector<16xf32>
      %parallel_loop3A_131 = arith.constant 11 : i32
      %parallel_loop3A_132 = arith.index_cast %parallel_loop3A_131 : i32 to index
      %parallel_loop3A_133 = arith.index_cast %parallel_loop3A_76 : i32 to index
      %parallel_loop3A_134 = tpu.vector_load %arg12[%parallel_loop3A_132, %parallel_loop3A_133] {strides = array<i32>} : memref<16x640xf32, #tpu.memory_space<vmem>>, vector<16xf32>,
      %parallel_loop3A_135 = arith.addf %parallel_loop3A_130, %parallel_loop3A_134 : vector<16xf32>
      %parallel_loop3A_136 = arith.constant 12 : i32
      %parallel_loop3A_137 = arith.index_cast %parallel_loop3A_136 : i32 to index
      %parallel_loop3A_138 = arith.index_cast %parallel_loop3A_76 : i32 to index
      %parallel_loop3A_139 = tpu.vector_load %arg12[%parallel_loop3A_137, %parallel_loop3A_138] {strides = array<i32>} : memref<16x640xf32, #tpu.memory_space<vmem>>, vector<16xf32>,
      %parallel_loop3A_140 = arith.addf %parallel_loop3A_135, %parallel_loop3A_139 : vector<16xf32>
      %parallel_loop3A_141 = arith.constant 13 : i32
      %parallel_loop3A_142 = arith.index_cast %parallel_loop3A_141 : i32 to index
      %parallel_loop3A_143 = arith.index_cast %parallel_loop3A_76 : i32 to index
      %parallel_loop3A_144 = tpu.vector_load %arg12[%parallel_loop3A_142, %parallel_loop3A_143] {strides = array<i32>} : memref<16x640xf32, #tpu.memory_space<vmem>>, vector<16xf32>,
      %parallel_loop3A_145 = arith.addf %parallel_loop3A_140, %parallel_loop3A_144 : vector<16xf32>
      %parallel_loop3A_146 = arith.constant 14 : i32
      %parallel_loop3A_147 = arith.index_cast %parallel_loop3A_146 : i32 to index
      %parallel_loop3A_148 = arith.index_cast %parallel_loop3A_76 : i32 to index
      %parallel_loop3A_149 = tpu.vector_load %arg12[%parallel_loop3A_147, %parallel_loop3A_148] {strides = array<i32>} : memref<16x640xf32, #tpu.memory_space<vmem>>, vector<16xf32>,
      %parallel_loop3A_150 = arith.addf %parallel_loop3A_145, %parallel_loop3A_149 : vector<16xf32>
      %parallel_loop3A_151 = arith.constant 15 : i32
      %parallel_loop3A_152 = arith.index_cast %parallel_loop3A_151 : i32 to index
      %parallel_loop3A_153 = arith.index_cast %parallel_loop3A_76 : i32 to index
      %parallel_loop3A_154 = tpu.vector_load %arg12[%parallel_loop3A_152, %parallel_loop3A_153] {strides = array<i32>} : memref<16x640xf32, #tpu.memory_space<vmem>>, vector<16xf32>,
      %parallel_loop3A_155 = arith.addf %parallel_loop3A_150, %parallel_loop3A_154 : vector<16xf32>
      %parallel_loop3A_156 = arith.index_cast %parallel_loop3A_76 : i32 to index
      %parallel_loop3A_157 = tpu.vector_load %arg13[%parallel_loop3A_156] {strides = array<i32>} : memref<640xf32, #tpu.memory_space<vmem>>, vector<16xf32>,
      tpu.vector_store %arg13[%parallel_loop3A_156], %parallel_loop3A_155 {strides = array<i32>} : memref<640xf32, #tpu.memory_space<vmem>>, vector<16xf32>,
    } {sc.loop_unroll_factor = 4 : i64, sc.parallel_access}
    %mul3A_53 = arith.constant 640 : i32
    %mul3A_54 = arith.muli %arg1, %mul3A_53 : i32
    "tpu.region"() ({
      %run_scoped3A_74 = tpu.sem_alloc : memref<!tpu.dma_semaphore, #tpu.memory_space<semaphore_mem>>
      %dma_start3A = tpu.memref_slice %arg15[%mul3A_54] : memref<10240xf32, #tpu.memory_space<vmem_shared>> -> memref<640xf32, #tpu.memory_space<vmem_shared>>
      %dma_start3A_75 = tpu.memref_slice %arg15[%mul3A_54] : memref<10240xf32, #tpu.memory_space<vmem_shared>> -> memref<640xf32, #tpu.memory_space<vmem_shared>>
      tpu.enqueue_dma source(%arg13 : memref<640xf32, #tpu.memory_space<vmem>>) target(%dma_start3A_75 : memref<640xf32, #tpu.memory_space<vmem_shared>>) target_semaphore(%run_scoped3A_74 : memref<!tpu.dma_semaphore, #tpu.memory_space<semaphore_mem>>)
      %dma_wait3A_76 = tpu.memref_slice %arg15[%mul3A_54] : memref<10240xf32, #tpu.memory_space<vmem_shared>> -> memref<640xf32, #tpu.memory_space<vmem_shared>>
      %dma_wait3A_77 = tpu.memref_slice %arg15[%mul3A_54] : memref<10240xf32, #tpu.memory_space<vmem_shared>> -> memref<640xf32, #tpu.memory_space<vmem_shared>>
      tpu.wait_dma2 semaphore(%run_scoped3A_74 : memref<!tpu.dma_semaphore, #tpu.memory_space<semaphore_mem>>) src(%arg13 : memref<640xf32, #tpu.memory_space<vmem>>) dst(%dma_wait3A_77 : memref<640xf32, #tpu.memory_space<vmem_shared>>)
      tpu.yield
    }) : () -> ()
    %barrier3A_55 = arith.constant 0 : index
    tpu.barrier barrier_id(%barrier3A_55)
    "tpu.region"() ({
      %run_scoped3A_74 = tpu.sem_alloc : memref<!tpu.dma_semaphore, #tpu.memory_space<semaphore_mem>>
      tpu.enqueue_dma source(%arg15 : memref<10240xf32, #tpu.memory_space<vmem_shared>>) target(%arg8 : memref<10240xf32, #tpu.memory_space<vmem>>) target_semaphore(%run_scoped3A_74 : memref<!tpu.dma_semaphore, #tpu.memory_space<semaphore_mem>>)
      tpu.wait_dma2 semaphore(%run_scoped3A_74 : memref<!tpu.dma_semaphore, #tpu.memory_space<semaphore_mem>>) src(%arg15 : memref<10240xf32, #tpu.memory_space<vmem_shared>>) dst(%arg8 : memref<10240xf32, #tpu.memory_space<vmem>>)
      tpu.yield
    }) : () -> ()
    %parallel_loop3A_56 = arith.constant 0 : i32
    %parallel_loop3A_57 = arith.constant 640 : i32
    %parallel_loop3A_58 = arith.constant 1 : i32
    scf.for %parallel_loop3A_74 = %parallel_loop3A_56 to %parallel_loop3A_57 step %parallel_loop3A_58  : i32 {
      %parallel_loop3A_75 = arith.constant 16 : i32
      %parallel_loop3A_76 = arith.muli %parallel_loop3A_74, %parallel_loop3A_75 : i32
      %parallel_loop3A_77 = arith.index_cast %parallel_loop3A_76 : i32 to index
      %parallel_loop3A_78 = tpu.vector_load %arg8[%parallel_loop3A_77] {strides = array<i32>} : memref<10240xf32, #tpu.memory_space<vmem>>, vector<16xf32>,
      %parallel_loop3A_79 = arith.constant 1.000000e-16 : f32
      %parallel_loop3A_80 = vector.broadcast %parallel_loop3A_79 : f32 to vector<16xf32>
      %parallel_loop3A_81 = arith.addf %parallel_loop3A_78, %parallel_loop3A_80 : vector<16xf32>
      %parallel_loop3A_82 = arith.constant 1.000000e+00 : f32
      %parallel_loop3A_83 = vector.broadcast %parallel_loop3A_82 : f32 to vector<16xf32>
      %parallel_loop3A_84 = arith.divf %parallel_loop3A_83, %parallel_loop3A_81 : vector<16xf32>
      %parallel_loop3A_85 = arith.index_cast %parallel_loop3A_76 : i32 to index
      %parallel_loop3A_86 = tpu.vector_load %arg8[%parallel_loop3A_85] {strides = array<i32>} : memref<10240xf32, #tpu.memory_space<vmem>>, vector<16xf32>,
      tpu.vector_store %arg8[%parallel_loop3A_85], %parallel_loop3A_84 {strides = array<i32>} : memref<10240xf32, #tpu.memory_space<vmem>>, vector<16xf32>,
    } {sc.loop_unroll_factor = 8 : i64, sc.parallel_access}
    %parallel_loop3A_59 = arith.constant 0 : i32
    %parallel_loop3A_60 = arith.constant 1250 : i32
    %parallel_loop3A_61 = arith.constant 1 : i32
    scf.for %parallel_loop3A_74 = %parallel_loop3A_59 to %parallel_loop3A_60 step %parallel_loop3A_61  : i32 {
      %parallel_loop3A_75 = arith.constant 16 : i32
      %parallel_loop3A_76 = arith.muli %parallel_loop3A_74, %parallel_loop3A_75 : i32
      %parallel_loop3A_77 = arith.addi %rem3A_1, %parallel_loop3A_76 : i32
      %parallel_loop3A_78 = arith.constant 0 : i32
      %parallel_loop3A_79 = arith.index_cast %parallel_loop3A_78 : i32 to index
      %parallel_loop3A_80 = arith.index_cast %parallel_loop3A_77 : i32 to index
      %parallel_loop3A_81 = tpu.vector_load %arg11[%parallel_loop3A_79, %parallel_loop3A_80] {strides = array<i32>} : memref<2x20096xi32, #tpu.memory_space<vmem>>, vector<16xi32>,
      %parallel_loop3A_82 = arith.constant 16 : i32
      %parallel_loop3A_83 = arith.muli %parallel_loop3A_74, %parallel_loop3A_82 : i32
      %parallel_loop3A_84 = arith.addi %rem3A_1, %parallel_loop3A_83 : i32
      %parallel_loop3A_85 = arith.constant 1 : i32
      %parallel_loop3A_86 = arith.index_cast %parallel_loop3A_85 : i32 to index
      %parallel_loop3A_87 = arith.index_cast %parallel_loop3A_84 : i32 to index
      %parallel_loop3A_88 = tpu.vector_load %arg11[%parallel_loop3A_86, %parallel_loop3A_87] {strides = array<i32>} : memref<2x20096xi32, #tpu.memory_space<vmem>>, vector<16xi32>,
      %parallel_loop3A_89 = arith.constant 16 : i32
      %parallel_loop3A_90 = arith.muli %parallel_loop3A_74, %parallel_loop3A_89 : i32
      %parallel_loop3A_91 = arith.index_cast %parallel_loop3A_90 : i32 to index
      %parallel_loop3A_92 = tpu.vector_load %arg10[%parallel_loop3A_91] {strides = array<i32>} : memref<20000xf32, #tpu.memory_space<vmem>>, vector<16xf32>,
      %parallel_loop3A_93 = tpu.vector_load_idx %arg8[%parallel_loop3A_88] : memref<10240xf32, #tpu.memory_space<vmem>>[vector<16xi32>], vector<16xf32>,
      %parallel_loop3A_94 = arith.mulf %parallel_loop3A_92, %parallel_loop3A_93 : vector<16xf32>
      tpu.vector_store_idx %arg9[%parallel_loop3A_81], %parallel_loop3A_94 {add = true} : memref<10240xf32, #tpu.memory_space<vmem>>[vector<16xi32>], vector<16xf32>,
    } {sc.loop_unroll_factor = 10 : i64, sc.parallel_access}
    "tpu.region"() ({
      %run_scoped3A_74 = tpu.sem_alloc : memref<!tpu.dma_semaphore, #tpu.memory_space<semaphore_mem>>
      %dma_start3A = arith.constant 0 : i32
      %dma_start3A_75 = tpu.memref_slice %arg14[%arg1, %dma_start3A] : memref<16x10240xf32, #tpu.memory_space<vmem_shared>> -> memref<1x10240xf32, #tpu.memory_space<vmem_shared>>
      %dma_start3A_76 = tpu.memref_squeeze %dma_start3A_75 : memref<1x10240xf32, #tpu.memory_space<vmem_shared>> -> memref<10240xf32, #tpu.memory_space<vmem_shared>>
      %dma_start3A_77 = arith.constant 0 : i32
      %dma_start3A_78 = tpu.memref_slice %arg14[%arg1, %dma_start3A_77] : memref<16x10240xf32, #tpu.memory_space<vmem_shared>> -> memref<1x10240xf32, #tpu.memory_space<vmem_shared>>
      %dma_start3A_79 = tpu.memref_squeeze %dma_start3A_78 : memref<1x10240xf32, #tpu.memory_space<vmem_shared>> -> memref<10240xf32, #tpu.memory_space<vmem_shared>>
      tpu.enqueue_dma source(%arg9 : memref<10240xf32, #tpu.memory_space<vmem>>) target(%dma_start3A_79 : memref<10240xf32, #tpu.memory_space<vmem_shared>>) target_semaphore(%run_scoped3A_74 : memref<!tpu.dma_semaphore, #tpu.memory_space<semaphore_mem>>)
      %dma_wait3A_80 = arith.constant 0 : i32
      %dma_wait3A_81 = tpu.memref_slice %arg14[%arg1, %dma_wait3A_80] : memref<16x10240xf32, #tpu.memory_space<vmem_shared>> -> memref<1x10240xf32, #tpu.memory_space<vmem_shared>>
      %dma_wait3A_82 = tpu.memref_squeeze %dma_wait3A_81 : memref<1x10240xf32, #tpu.memory_space<vmem_shared>> -> memref<10240xf32, #tpu.memory_space<vmem_shared>>
      %dma_wait3A_83 = arith.constant 0 : i32
      %dma_wait3A_84 = tpu.memref_slice %arg14[%arg1, %dma_wait3A_83] : memref<16x10240xf32, #tpu.memory_space<vmem_shared>> -> memref<1x10240xf32, #tpu.memory_space<vmem_shared>>
      %dma_wait3A_85 = tpu.memref_squeeze %dma_wait3A_84 : memref<1x10240xf32, #tpu.memory_space<vmem_shared>> -> memref<10240xf32, #tpu.memory_space<vmem_shared>>
      tpu.wait_dma2 semaphore(%run_scoped3A_74 : memref<!tpu.dma_semaphore, #tpu.memory_space<semaphore_mem>>) src(%arg9 : memref<10240xf32, #tpu.memory_space<vmem>>) dst(%dma_wait3A_85 : memref<10240xf32, #tpu.memory_space<vmem_shared>>)
      tpu.yield
    }) : () -> ()
    %barrier3A_62 = arith.constant 0 : index
    tpu.barrier barrier_id(%barrier3A_62)
    %mul3A_63 = arith.constant 640 : i32
    %mul3A_64 = arith.muli %arg1, %mul3A_63 : i32
    "tpu.region"() ({
      %run_scoped3A_74 = tpu.sem_alloc : memref<!tpu.dma_semaphore, #tpu.memory_space<semaphore_mem>>
      %dma_start3A = arith.constant 0 : i32
      %dma_start3A_75 = tpu.memref_slice %arg14[%dma_start3A, %mul3A_64] : memref<16x10240xf32, #tpu.memory_space<vmem_shared>> -> memref<16x640xf32, #tpu.memory_space<vmem_shared>>
      %dma_start3A_76 = arith.constant 0 : i32
      %dma_start3A_77 = tpu.memref_slice %arg14[%dma_start3A_76, %mul3A_64] : memref<16x10240xf32, #tpu.memory_space<vmem_shared>> -> memref<16x640xf32, #tpu.memory_space<vmem_shared>>
      tpu.enqueue_dma source(%dma_start3A_77 : memref<16x640xf32, #tpu.memory_space<vmem_shared>>) target(%arg12 : memref<16x640xf32, #tpu.memory_space<vmem>>) target_semaphore(%run_scoped3A_74 : memref<!tpu.dma_semaphore, #tpu.memory_space<semaphore_mem>>)
      %dma_wait3A_78 = arith.constant 0 : i32
      %dma_wait3A_79 = tpu.memref_slice %arg14[%dma_wait3A_78, %mul3A_64] : memref<16x10240xf32, #tpu.memory_space<vmem_shared>> -> memref<16x640xf32, #tpu.memory_space<vmem_shared>>
      %dma_wait3A_80 = arith.constant 0 : i32
      %dma_wait3A_81 = tpu.memref_slice %arg14[%dma_wait3A_80, %mul3A_64] : memref<16x10240xf32, #tpu.memory_space<vmem_shared>> -> memref<16x640xf32, #tpu.memory_space<vmem_shared>>
      tpu.wait_dma2 semaphore(%run_scoped3A_74 : memref<!tpu.dma_semaphore, #tpu.memory_space<semaphore_mem>>) src(%dma_wait3A_81 : memref<16x640xf32, #tpu.memory_space<vmem_shared>>) dst(%arg12 : memref<16x640xf32, #tpu.memory_space<vmem>>)
      tpu.yield
    }) : () -> ()
    %parallel_loop3A_65 = arith.constant 0 : i32
    %parallel_loop3A_66 = arith.constant 40 : i32
    %parallel_loop3A_67 = arith.constant 1 : i32
    scf.for %parallel_loop3A_74 = %parallel_loop3A_65 to %parallel_loop3A_66 step %parallel_loop3A_67  : i32 {
      %parallel_loop3A_75 = arith.constant 16 : i32
      %parallel_loop3A_76 = arith.muli %parallel_loop3A_74, %parallel_loop3A_75 : i32
      %parallel_loop3A_77 = arith.constant 0 : i32
      %parallel_loop3A_78 = arith.index_cast %parallel_loop3A_77 : i32 to index
      %parallel_loop3A_79 = arith.index_cast %parallel_loop3A_76 : i32 to index
      %parallel_loop3A_80 = tpu.vector_load %arg12[%parallel_loop3A_78, %parallel_loop3A_79] {strides = array<i32>} : memref<16x640xf32, #tpu.memory_space<vmem>>, vector<16xf32>,
      %parallel_loop3A_81 = arith.constant 1 : i32
      %parallel_loop3A_82 = arith.index_cast %parallel_loop3A_81 : i32 to index
      %parallel_loop3A_83 = arith.index_cast %parallel_loop3A_76 : i32 to index
      %parallel_loop3A_84 = tpu.vector_load %arg12[%parallel_loop3A_82, %parallel_loop3A_83] {strides = array<i32>} : memref<16x640xf32, #tpu.memory_space<vmem>>, vector<16xf32>,
      %parallel_loop3A_85 = arith.addf %parallel_loop3A_80, %parallel_loop3A_84 : vector<16xf32>
      %parallel_loop3A_86 = arith.constant 2 : i32
      %parallel_loop3A_87 = arith.index_cast %parallel_loop3A_86 : i32 to index
      %parallel_loop3A_88 = arith.index_cast %parallel_loop3A_76 : i32 to index
      %parallel_loop3A_89 = tpu.vector_load %arg12[%parallel_loop3A_87, %parallel_loop3A_88] {strides = array<i32>} : memref<16x640xf32, #tpu.memory_space<vmem>>, vector<16xf32>,
      %parallel_loop3A_90 = arith.addf %parallel_loop3A_85, %parallel_loop3A_89 : vector<16xf32>
      %parallel_loop3A_91 = arith.constant 3 : i32
      %parallel_loop3A_92 = arith.index_cast %parallel_loop3A_91 : i32 to index
      %parallel_loop3A_93 = arith.index_cast %parallel_loop3A_76 : i32 to index
      %parallel_loop3A_94 = tpu.vector_load %arg12[%parallel_loop3A_92, %parallel_loop3A_93] {strides = array<i32>} : memref<16x640xf32, #tpu.memory_space<vmem>>, vector<16xf32>,
      %parallel_loop3A_95 = arith.addf %parallel_loop3A_90, %parallel_loop3A_94 : vector<16xf32>
      %parallel_loop3A_96 = arith.constant 4 : i32
      %parallel_loop3A_97 = arith.index_cast %parallel_loop3A_96 : i32 to index
      %parallel_loop3A_98 = arith.index_cast %parallel_loop3A_76 : i32 to index
      %parallel_loop3A_99 = tpu.vector_load %arg12[%parallel_loop3A_97, %parallel_loop3A_98] {strides = array<i32>} : memref<16x640xf32, #tpu.memory_space<vmem>>, vector<16xf32>,
      %parallel_loop3A_100 = arith.addf %parallel_loop3A_95, %parallel_loop3A_99 : vector<16xf32>
      %parallel_loop3A_101 = arith.constant 5 : i32
      %parallel_loop3A_102 = arith.index_cast %parallel_loop3A_101 : i32 to index
      %parallel_loop3A_103 = arith.index_cast %parallel_loop3A_76 : i32 to index
      %parallel_loop3A_104 = tpu.vector_load %arg12[%parallel_loop3A_102, %parallel_loop3A_103] {strides = array<i32>} : memref<16x640xf32, #tpu.memory_space<vmem>>, vector<16xf32>,
      %parallel_loop3A_105 = arith.addf %parallel_loop3A_100, %parallel_loop3A_104 : vector<16xf32>
      %parallel_loop3A_106 = arith.constant 6 : i32
      %parallel_loop3A_107 = arith.index_cast %parallel_loop3A_106 : i32 to index
      %parallel_loop3A_108 = arith.index_cast %parallel_loop3A_76 : i32 to index
      %parallel_loop3A_109 = tpu.vector_load %arg12[%parallel_loop3A_107, %parallel_loop3A_108] {strides = array<i32>} : memref<16x640xf32, #tpu.memory_space<vmem>>, vector<16xf32>,
      %parallel_loop3A_110 = arith.addf %parallel_loop3A_105, %parallel_loop3A_109 : vector<16xf32>
      %parallel_loop3A_111 = arith.constant 7 : i32
      %parallel_loop3A_112 = arith.index_cast %parallel_loop3A_111 : i32 to index
      %parallel_loop3A_113 = arith.index_cast %parallel_loop3A_76 : i32 to index
      %parallel_loop3A_114 = tpu.vector_load %arg12[%parallel_loop3A_112, %parallel_loop3A_113] {strides = array<i32>} : memref<16x640xf32, #tpu.memory_space<vmem>>, vector<16xf32>,
      %parallel_loop3A_115 = arith.addf %parallel_loop3A_110, %parallel_loop3A_114 : vector<16xf32>
      %parallel_loop3A_116 = arith.constant 8 : i32
      %parallel_loop3A_117 = arith.index_cast %parallel_loop3A_116 : i32 to index
      %parallel_loop3A_118 = arith.index_cast %parallel_loop3A_76 : i32 to index
      %parallel_loop3A_119 = tpu.vector_load %arg12[%parallel_loop3A_117, %parallel_loop3A_118] {strides = array<i32>} : memref<16x640xf32, #tpu.memory_space<vmem>>, vector<16xf32>,
      %parallel_loop3A_120 = arith.addf %parallel_loop3A_115, %parallel_loop3A_119 : vector<16xf32>
      %parallel_loop3A_121 = arith.constant 9 : i32
      %parallel_loop3A_122 = arith.index_cast %parallel_loop3A_121 : i32 to index
      %parallel_loop3A_123 = arith.index_cast %parallel_loop3A_76 : i32 to index
      %parallel_loop3A_124 = tpu.vector_load %arg12[%parallel_loop3A_122, %parallel_loop3A_123] {strides = array<i32>} : memref<16x640xf32, #tpu.memory_space<vmem>>, vector<16xf32>,
      %parallel_loop3A_125 = arith.addf %parallel_loop3A_120, %parallel_loop3A_124 : vector<16xf32>
      %parallel_loop3A_126 = arith.constant 10 : i32
      %parallel_loop3A_127 = arith.index_cast %parallel_loop3A_126 : i32 to index
      %parallel_loop3A_128 = arith.index_cast %parallel_loop3A_76 : i32 to index
      %parallel_loop3A_129 = tpu.vector_load %arg12[%parallel_loop3A_127, %parallel_loop3A_128] {strides = array<i32>} : memref<16x640xf32, #tpu.memory_space<vmem>>, vector<16xf32>,
      %parallel_loop3A_130 = arith.addf %parallel_loop3A_125, %parallel_loop3A_129 : vector<16xf32>
      %parallel_loop3A_131 = arith.constant 11 : i32
      %parallel_loop3A_132 = arith.index_cast %parallel_loop3A_131 : i32 to index
      %parallel_loop3A_133 = arith.index_cast %parallel_loop3A_76 : i32 to index
      %parallel_loop3A_134 = tpu.vector_load %arg12[%parallel_loop3A_132, %parallel_loop3A_133] {strides = array<i32>} : memref<16x640xf32, #tpu.memory_space<vmem>>, vector<16xf32>,
      %parallel_loop3A_135 = arith.addf %parallel_loop3A_130, %parallel_loop3A_134 : vector<16xf32>
      %parallel_loop3A_136 = arith.constant 12 : i32
      %parallel_loop3A_137 = arith.index_cast %parallel_loop3A_136 : i32 to index
      %parallel_loop3A_138 = arith.index_cast %parallel_loop3A_76 : i32 to index
      %parallel_loop3A_139 = tpu.vector_load %arg12[%parallel_loop3A_137, %parallel_loop3A_138] {strides = array<i32>} : memref<16x640xf32, #tpu.memory_space<vmem>>, vector<16xf32>,
      %parallel_loop3A_140 = arith.addf %parallel_loop3A_135, %parallel_loop3A_139 : vector<16xf32>
      %parallel_loop3A_141 = arith.constant 13 : i32
      %parallel_loop3A_142 = arith.index_cast %parallel_loop3A_141 : i32 to index
      %parallel_loop3A_143 = arith.index_cast %parallel_loop3A_76 : i32 to index
      %parallel_loop3A_144 = tpu.vector_load %arg12[%parallel_loop3A_142, %parallel_loop3A_143] {strides = array<i32>} : memref<16x640xf32, #tpu.memory_space<vmem>>, vector<16xf32>,
      %parallel_loop3A_145 = arith.addf %parallel_loop3A_140, %parallel_loop3A_144 : vector<16xf32>
      %parallel_loop3A_146 = arith.constant 14 : i32
      %parallel_loop3A_147 = arith.index_cast %parallel_loop3A_146 : i32 to index
      %parallel_loop3A_148 = arith.index_cast %parallel_loop3A_76 : i32 to index
      %parallel_loop3A_149 = tpu.vector_load %arg12[%parallel_loop3A_147, %parallel_loop3A_148] {strides = array<i32>} : memref<16x640xf32, #tpu.memory_space<vmem>>, vector<16xf32>,
      %parallel_loop3A_150 = arith.addf %parallel_loop3A_145, %parallel_loop3A_149 : vector<16xf32>
      %parallel_loop3A_151 = arith.constant 15 : i32
      %parallel_loop3A_152 = arith.index_cast %parallel_loop3A_151 : i32 to index
      %parallel_loop3A_153 = arith.index_cast %parallel_loop3A_76 : i32 to index
      %parallel_loop3A_154 = tpu.vector_load %arg12[%parallel_loop3A_152, %parallel_loop3A_153] {strides = array<i32>} : memref<16x640xf32, #tpu.memory_space<vmem>>, vector<16xf32>,
      %parallel_loop3A_155 = arith.addf %parallel_loop3A_150, %parallel_loop3A_154 : vector<16xf32>
      %parallel_loop3A_156 = arith.index_cast %parallel_loop3A_76 : i32 to index
      %parallel_loop3A_157 = tpu.vector_load %arg13[%parallel_loop3A_156] {strides = array<i32>} : memref<640xf32, #tpu.memory_space<vmem>>, vector<16xf32>,
      tpu.vector_store %arg13[%parallel_loop3A_156], %parallel_loop3A_155 {strides = array<i32>} : memref<640xf32, #tpu.memory_space<vmem>>, vector<16xf32>,
    } {sc.loop_unroll_factor = 4 : i64, sc.parallel_access}
    %mul3A_68 = arith.constant 10240 : i32
    %mul3A_69 = arith.muli %arg0, %mul3A_68 : i32
    %mul3A_70 = arith.constant 640 : i32
    %mul3A_71 = arith.muli %arg1, %mul3A_70 : i32
    %add3A_72 = arith.addi %mul3A_69, %mul3A_71 : i32
    %multiple_of3A_73 = tpu.assume_multiple %add3A_72, 8 : i32
    "tpu.region"() ({
      %run_scoped3A_74 = tpu.sem_alloc : memref<!tpu.dma_semaphore, #tpu.memory_space<semaphore_mem>>
      %dma_start3A = tpu.memref_slice %arg5[%multiple_of3A_73] : memref<20480xf32, #tpu.memory_space<hbm>> -> memref<640xf32, #tpu.memory_space<hbm>>
      %dma_start3A_75 = tpu.memref_slice %arg5[%multiple_of3A_73] : memref<20480xf32, #tpu.memory_space<hbm>> -> memref<640xf32, #tpu.memory_space<hbm>>
      tpu.enqueue_dma source(%arg13 : memref<640xf32, #tpu.memory_space<vmem>>) target(%dma_start3A_75 : memref<640xf32, #tpu.memory_space<hbm>>) target_semaphore(%run_scoped3A_74 : memref<!tpu.dma_semaphore, #tpu.memory_space<semaphore_mem>>)
      %dma_wait3A_76 = tpu.memref_slice %arg5[%multiple_of3A_73] : memref<20480xf32, #tpu.memory_space<hbm>> -> memref<640xf32, #tpu.memory_space<hbm>>
      %dma_wait3A_77 = tpu.memref_slice %arg5[%multiple_of3A_73] : memref<20480xf32, #tpu.memory_space<hbm>> -> memref<640xf32, #tpu.memory_space<hbm>>
      tpu.wait_dma2 semaphore(%run_scoped3A_74 : memref<!tpu.dma_semaphore, #tpu.memory_space<semaphore_mem>>) src(%arg13 : memref<640xf32, #tpu.memory_space<vmem>>) dst(%dma_wait3A_77 : memref<640xf32, #tpu.memory_space<hbm>>)
      tpu.yield
    }) : () -> ()
    return
  }
}

module attributes {stable_mosaic.version = 14 : i64} {
  func.func @_pre_body(%arg0: memref<10000x128xf32, #tpu.memory_space<vmem>>, %arg1: memref<10000x128xf32, #tpu.memory_space<vmem>>, %arg2: memref<10000x128xf32, #tpu.memory_space<vmem>>, %arg3: memref<10000x128xf32, #tpu.memory_space<vmem>>, %arg4: memref<128x128xf32, #tpu.memory_space<vmem>>, %arg5: memref<2x128xf32, #tpu.memory_space<vmem>>, %arg6: memref<128x128xf32, #tpu.memory_space<vmem>>, %arg7: memref<2x128xf32, #tpu.memory_space<vmem>>, %arg8: memref<128xf32, #tpu.memory_space<vmem>>, %arg9: memref<128xf32, #tpu.memory_space<vmem>>, %arg10: memref<128xf32, #tpu.memory_space<vmem>>, %arg11: memref<128xf32, #tpu.memory_space<vmem>>, %arg12: memref<128xf32, #tpu.memory_space<vmem>>, %arg13: memref<128xf32, #tpu.memory_space<vmem>>, %arg14: memref<40960xf32, #tpu.memory_space<vmem>>, %arg15: memref<3x128xf32, #tpu.memory_space<vmem>>, %arg16: memref<3x128xf32, #tpu.memory_space<vmem>>) attributes {dimension_semantics = [], scalar_prefetch = 0 : i64, scratch_operands = 0 : i64, tpu.core_type = #tpu.core_type<tc>} {
    %get3A = arith.constant 0 : index
    %get3A_0 = arith.constant 0 : index
    %get3A_1 = vector.load %arg0[%get3A, %get3A_0] : memref<10000x128xf32, #tpu.memory_space<vmem>>, vector<10000x128xf32>
    %get3A_2 = arith.constant 0 : index
    %get3A_3 = arith.constant 0 : index
    %get3A_4 = vector.load %arg1[%get3A_2, %get3A_3] : memref<10000x128xf32, #tpu.memory_space<vmem>>, vector<10000x128xf32>
    %get3A_5 = arith.constant 0 : index
    %get3A_6 = arith.constant 0 : index
    %get3A_7 = vector.load %arg4[%get3A_5, %get3A_6] : memref<128x128xf32, #tpu.memory_space<vmem>>, vector<128x128xf32>
    %get3A_8 = arith.constant 0 : index
    %get3A_9 = arith.constant 0 : index
    %get3A_10 = vector.load %arg5[%get3A_8, %get3A_9] : memref<2x128xf32, #tpu.memory_space<vmem>>, vector<2x128xf32>
    %get3A_11 = arith.constant 0 : index
    %get3A_12 = vector.load %arg8[%get3A_11] : memref<128xf32, #tpu.memory_space<vmem>>, vector<128xf32>
    %get3A_13 = arith.constant 0 : index
    %get3A_14 = vector.load %arg9[%get3A_13] : memref<128xf32, #tpu.memory_space<vmem>>, vector<128xf32>
    %get3A_15 = arith.constant 0 : index
    %get3A_16 = vector.load %arg10[%get3A_15] : memref<128xf32, #tpu.memory_space<vmem>>, vector<128xf32>
    %reduce_sum3A = arith.constant dense<0.000000e+00> : vector<128xf32>
    %reduce_sum3A_17 = vector.multi_reduction <add>, %get3A_1, %reduce_sum3A [0] : vector<10000x128xf32> to vector<128xf32>
    %div3A = arith.constant 1.000000e+04 : f32
    %div3A_18 = vector.broadcast %div3A : f32 to vector<128xf32>
    %div3A_19 = arith.divf %reduce_sum3A_17, %div3A_18 : vector<128xf32>
    %mul3A = arith.mulf %get3A_1, %get3A_1 : vector<10000x128xf32>
    %reduce_sum3A_20 = arith.constant dense<0.000000e+00> : vector<128xf32>
    %reduce_sum3A_21 = vector.multi_reduction <add>, %mul3A, %reduce_sum3A_20 [0] : vector<10000x128xf32> to vector<128xf32>
    %div3A_22 = arith.constant 1.000000e+04 : f32
    %div3A_23 = vector.broadcast %div3A_22 : f32 to vector<128xf32>
    %div3A_24 = arith.divf %reduce_sum3A_21, %div3A_23 : vector<128xf32>
    %sub3A = arith.constant 2.000000e+00 : f32
    %sub3A_25 = vector.broadcast %sub3A : f32 to vector<128xf32>
    %sub3A_26 = arith.subf %sub3A_25, %get3A_16 : vector<128xf32>
    %mul3A_27 = arith.mulf %sub3A_26, %get3A_16 : vector<128xf32>
    %mul3A_28 = arith.mulf %mul3A_27, %div3A_19 : vector<128xf32>
    %mul3A_29 = arith.mulf %mul3A_28, %div3A_19 : vector<128xf32>
    %sub3A_30 = arith.subf %div3A_24, %mul3A_29 : vector<128xf32>
    %add3A = arith.constant 9.99999974E-6 : f32
    %add3A_31 = vector.broadcast %add3A : f32 to vector<128xf32>
    %add3A_32 = arith.addf %sub3A_30, %add3A_31 : vector<128xf32>
    %sqrt3A = math.sqrt %add3A_32 : vector<128xf32>
    %div3A_33 = arith.divf %get3A_12, %sqrt3A : vector<128xf32>
    %mul3A_34 = arith.mulf %div3A_33, %get3A_16 : vector<128xf32>
    %mul3A_35 = arith.mulf %mul3A_34, %div3A_19 : vector<128xf32>
    %sub3A_36 = arith.subf %get3A_14, %mul3A_35 : vector<128xf32>
    %dot_general3A = arith.constant dense<0.000000e+00> : vector<2x128xf32>
    %dot_general3A_37 = tpu.matmul %get3A_10, %get3A_7, %dot_general3A {dimension_numbers = #tpu.dot_dimension_numbers<[1], [0], [0], [1], [0, 0, 1, 1], [], []>, transpose_lhs_hint = false} : vector<2x128xf32>, vector<128x128xf32>, vector<2x128xf32> -> vector<2x128xf32>
    %slice3A = vector.extract_strided_slice %dot_general3A_37 {offsets = [0, 0], sizes = [1, 128], strides = [1, 1]} : vector<2x128xf32> to vector<1x128xf32>
    %squeeze3A = vector.shape_cast %slice3A : vector<1x128xf32> to vector<128xf32>
    %broadcast_in_dim3A = arith.constant 0.000000e+00 : f32
    %broadcast_in_dim3A_38 = vector.broadcast %broadcast_in_dim3A : f32 to vector<240xf32>
    %mul3A_39 = arith.mulf %div3A_33, %squeeze3A : vector<128xf32>
    %reshape3A = vector.shape_cast %mul3A_39 : vector<128xf32> to vector<1x128xf32>
    %dot_general3A_40 = arith.constant dense<0.000000e+00> : vector<1x10000xf32>
    %dot_general3A_41 = tpu.matmul %reshape3A, %get3A_1, %dot_general3A_40 {dimension_numbers = #tpu.dot_dimension_numbers<[1], [1], [0], [0], [0, 0, 1, 0], [], []>, transpose_lhs_hint = false} : vector<1x128xf32>, vector<10000x128xf32>, vector<1x10000xf32> -> vector<1x10000xf32>
    %slice3A_42 = vector.extract_strided_slice %dot_general3A_37 {offsets = [1, 0], sizes = [1, 128], strides = [1, 1]} : vector<2x128xf32> to vector<1x128xf32>
    %dot_general3A_43 = arith.constant dense<0.000000e+00> : vector<1x10000xf32>
    %dot_general3A_44 = tpu.matmul %slice3A_42, %get3A_4, %dot_general3A_43 {dimension_numbers = #tpu.dot_dimension_numbers<[1], [1], [0], [0], [0, 0, 1, 0], [], []>, transpose_lhs_hint = false} : vector<1x128xf32>, vector<10000x128xf32>, vector<1x10000xf32> -> vector<1x10000xf32>
    %reshape3A_45 = vector.shape_cast %dot_general3A_41 : vector<1x10000xf32> to vector<10000xf32>
    %concatenate3A = tpu.concatenate %reshape3A_45, %broadcast_in_dim3A_38 in 0 : vector<10000xf32>, vector<240xf32> -> vector<10240xf32>
    %swap3A = arith.constant 0 : index
    %swap3A_46 = vector.load %arg14[%swap3A] : memref<40960xf32, #tpu.memory_space<vmem>>, vector<10240xf32>
    tpu.vector_store %arg14[%swap3A], %concatenate3A {strides = array<i32>} : memref<40960xf32, #tpu.memory_space<vmem>>, vector<10240xf32>,
    %mul3A_47 = arith.mulf %sub3A_36, %squeeze3A : vector<128xf32>
    %reduce_sum3A_48 = vector.shape_cast %mul3A_47 : vector<128xf32> to vector<1x128xf32>
    %reduce_sum3A_49 = arith.constant dense<0.000000e+00> : vector<1xf32>
    %reduce_sum3A_50 = vector.multi_reduction <add>, %reduce_sum3A_48, %reduce_sum3A_49 [1] : vector<1x128xf32> to vector<1xf32>
    %reduce_sum3A_51 = vector.shape_cast %reduce_sum3A_50 : vector<1xf32> to vector<1x1xf32>
    %reduce_sum3A_52 = vector.extract %reduce_sum3A_51[0, 0] : f32 from vector<1x1xf32>
    %get3A_53 = arith.constant 0 : index
    %get3A_54 = vector.load %arg14[%get3A_53] : memref<40960xf32, #tpu.memory_space<vmem>>, vector<10240xf32>
    %add3A_55 = vector.broadcast %reduce_sum3A_52 : f32 to vector<10240xf32>
    %add3A_56 = arith.addf %get3A_54, %add3A_55 : vector<10240xf32>
    %swap3A_57 = arith.constant 0 : index
    %swap3A_58 = vector.load %arg14[%swap3A_57] : memref<40960xf32, #tpu.memory_space<vmem>>, vector<10240xf32>
    tpu.vector_store %arg14[%swap3A_57], %add3A_56 {strides = array<i32>} : memref<40960xf32, #tpu.memory_space<vmem>>, vector<10240xf32>,
    %reshape3A_59 = vector.shape_cast %dot_general3A_44 : vector<1x10000xf32> to vector<10000xf32>
    %concatenate3A_60 = tpu.concatenate %reshape3A_59, %broadcast_in_dim3A_38 in 0 : vector<10000xf32>, vector<240xf32> -> vector<10240xf32>
    %swap3A_61 = arith.constant 10240 : index
    %swap3A_62 = vector.load %arg14[%swap3A_61] : memref<40960xf32, #tpu.memory_space<vmem>>, vector<10240xf32>
    tpu.vector_store %arg14[%swap3A_61], %concatenate3A_60 {strides = array<i32>} : memref<40960xf32, #tpu.memory_space<vmem>>, vector<10240xf32>,
    %swap3A_63 = arith.constant 0 : index
    %swap3A_64 = arith.constant 0 : index
    %swap3A_65 = vector.load %arg15[%swap3A_63, %swap3A_64] : memref<3x128xf32, #tpu.memory_space<vmem>>, vector<1x128xf32>
    %swap3A_66 = vector.shape_cast %swap3A_65 : vector<1x128xf32> to vector<128xf32>
    %swap3A_67 = vector.shape_cast %div3A_33 : vector<128xf32> to vector<1x128xf32>
    tpu.vector_store %arg15[%swap3A_63, %swap3A_64], %swap3A_67 {strides = array<i32>} : memref<3x128xf32, #tpu.memory_space<vmem>>, vector<1x128xf32>,
    %swap3A_68 = arith.constant 1 : index
    %swap3A_69 = arith.constant 0 : index
    %swap3A_70 = vector.load %arg15[%swap3A_68, %swap3A_69] : memref<3x128xf32, #tpu.memory_space<vmem>>, vector<1x128xf32>
    %swap3A_71 = vector.shape_cast %swap3A_70 : vector<1x128xf32> to vector<128xf32>
    %swap3A_72 = vector.shape_cast %sub3A_36 : vector<128xf32> to vector<1x128xf32>
    tpu.vector_store %arg15[%swap3A_68, %swap3A_69], %swap3A_72 {strides = array<i32>} : memref<3x128xf32, #tpu.memory_space<vmem>>, vector<1x128xf32>,
    %swap3A_73 = arith.constant 2 : index
    %swap3A_74 = arith.constant 0 : index
    %swap3A_75 = vector.load %arg15[%swap3A_73, %swap3A_74] : memref<3x128xf32, #tpu.memory_space<vmem>>, vector<1x128xf32>
    %swap3A_76 = vector.shape_cast %swap3A_75 : vector<1x128xf32> to vector<128xf32>
    %swap3A_77 = vector.shape_cast %div3A_19 : vector<128xf32> to vector<1x128xf32>
    tpu.vector_store %arg15[%swap3A_73, %swap3A_74], %swap3A_77 {strides = array<i32>} : memref<3x128xf32, #tpu.memory_space<vmem>>, vector<1x128xf32>,
    %get3A_78 = arith.constant 0 : index
    %get3A_79 = arith.constant 0 : index
    %get3A_80 = vector.load %arg2[%get3A_78, %get3A_79] : memref<10000x128xf32, #tpu.memory_space<vmem>>, vector<10000x128xf32>
    %get3A_81 = arith.constant 0 : index
    %get3A_82 = arith.constant 0 : index
    %get3A_83 = vector.load %arg3[%get3A_81, %get3A_82] : memref<10000x128xf32, #tpu.memory_space<vmem>>, vector<10000x128xf32>
    %get3A_84 = arith.constant 0 : index
    %get3A_85 = arith.constant 0 : index
    %get3A_86 = vector.load %arg6[%get3A_84, %get3A_85] : memref<128x128xf32, #tpu.memory_space<vmem>>, vector<128x128xf32>
    %get3A_87 = arith.constant 0 : index
    %get3A_88 = arith.constant 0 : index
    %get3A_89 = vector.load %arg7[%get3A_87, %get3A_88] : memref<2x128xf32, #tpu.memory_space<vmem>>, vector<2x128xf32>
    %get3A_90 = arith.constant 0 : index
    %get3A_91 = vector.load %arg11[%get3A_90] : memref<128xf32, #tpu.memory_space<vmem>>, vector<128xf32>
    %get3A_92 = arith.constant 0 : index
    %get3A_93 = vector.load %arg12[%get3A_92] : memref<128xf32, #tpu.memory_space<vmem>>, vector<128xf32>
    %get3A_94 = arith.constant 0 : index
    %get3A_95 = vector.load %arg13[%get3A_94] : memref<128xf32, #tpu.memory_space<vmem>>, vector<128xf32>
    %reduce_sum3A_96 = arith.constant dense<0.000000e+00> : vector<128xf32>
    %reduce_sum3A_97 = vector.multi_reduction <add>, %get3A_80, %reduce_sum3A_96 [0] : vector<10000x128xf32> to vector<128xf32>
    %div3A_98 = arith.constant 1.000000e+04 : f32
    %div3A_99 = vector.broadcast %div3A_98 : f32 to vector<128xf32>
    %div3A_100 = arith.divf %reduce_sum3A_97, %div3A_99 : vector<128xf32>
    %mul3A_101 = arith.mulf %get3A_80, %get3A_80 : vector<10000x128xf32>
    %reduce_sum3A_102 = arith.constant dense<0.000000e+00> : vector<128xf32>
    %reduce_sum3A_103 = vector.multi_reduction <add>, %mul3A_101, %reduce_sum3A_102 [0] : vector<10000x128xf32> to vector<128xf32>
    %div3A_104 = arith.constant 1.000000e+04 : f32
    %div3A_105 = vector.broadcast %div3A_104 : f32 to vector<128xf32>
    %div3A_106 = arith.divf %reduce_sum3A_103, %div3A_105 : vector<128xf32>
    %sub3A_107 = arith.constant 2.000000e+00 : f32
    %sub3A_108 = vector.broadcast %sub3A_107 : f32 to vector<128xf32>
    %sub3A_109 = arith.subf %sub3A_108, %get3A_95 : vector<128xf32>
    %mul3A_110 = arith.mulf %sub3A_109, %get3A_95 : vector<128xf32>
    %mul3A_111 = arith.mulf %mul3A_110, %div3A_100 : vector<128xf32>
    %mul3A_112 = arith.mulf %mul3A_111, %div3A_100 : vector<128xf32>
    %sub3A_113 = arith.subf %div3A_106, %mul3A_112 : vector<128xf32>
    %add3A_114 = arith.constant 9.99999974E-6 : f32
    %add3A_115 = vector.broadcast %add3A_114 : f32 to vector<128xf32>
    %add3A_116 = arith.addf %sub3A_113, %add3A_115 : vector<128xf32>
    %sqrt3A_117 = math.sqrt %add3A_116 : vector<128xf32>
    %div3A_118 = arith.divf %get3A_91, %sqrt3A_117 : vector<128xf32>
    %mul3A_119 = arith.mulf %div3A_118, %get3A_95 : vector<128xf32>
    %mul3A_120 = arith.mulf %mul3A_119, %div3A_100 : vector<128xf32>
    %sub3A_121 = arith.subf %get3A_93, %mul3A_120 : vector<128xf32>
    %dot_general3A_122 = arith.constant dense<0.000000e+00> : vector<2x128xf32>
    %dot_general3A_123 = tpu.matmul %get3A_89, %get3A_86, %dot_general3A_122 {dimension_numbers = #tpu.dot_dimension_numbers<[1], [0], [0], [1], [0, 0, 1, 1], [], []>, transpose_lhs_hint = false} : vector<2x128xf32>, vector<128x128xf32>, vector<2x128xf32> -> vector<2x128xf32>
    %slice3A_124 = vector.extract_strided_slice %dot_general3A_123 {offsets = [0, 0], sizes = [1, 128], strides = [1, 1]} : vector<2x128xf32> to vector<1x128xf32>
    %squeeze3A_125 = vector.shape_cast %slice3A_124 : vector<1x128xf32> to vector<128xf32>
    %broadcast_in_dim3A_126 = arith.constant 0.000000e+00 : f32
    %broadcast_in_dim3A_127 = vector.broadcast %broadcast_in_dim3A_126 : f32 to vector<240xf32>
    %mul3A_128 = arith.mulf %div3A_118, %squeeze3A_125 : vector<128xf32>
    %reshape3A_129 = vector.shape_cast %mul3A_128 : vector<128xf32> to vector<1x128xf32>
    %dot_general3A_130 = arith.constant dense<0.000000e+00> : vector<1x10000xf32>
    %dot_general3A_131 = tpu.matmul %reshape3A_129, %get3A_80, %dot_general3A_130 {dimension_numbers = #tpu.dot_dimension_numbers<[1], [1], [0], [0], [0, 0, 1, 0], [], []>, transpose_lhs_hint = false} : vector<1x128xf32>, vector<10000x128xf32>, vector<1x10000xf32> -> vector<1x10000xf32>
    %slice3A_132 = vector.extract_strided_slice %dot_general3A_123 {offsets = [1, 0], sizes = [1, 128], strides = [1, 1]} : vector<2x128xf32> to vector<1x128xf32>
    %dot_general3A_133 = arith.constant dense<0.000000e+00> : vector<1x10000xf32>
    %dot_general3A_134 = tpu.matmul %slice3A_132, %get3A_83, %dot_general3A_133 {dimension_numbers = #tpu.dot_dimension_numbers<[1], [1], [0], [0], [0, 0, 1, 0], [], []>, transpose_lhs_hint = false} : vector<1x128xf32>, vector<10000x128xf32>, vector<1x10000xf32> -> vector<1x10000xf32>
    %reshape3A_135 = vector.shape_cast %dot_general3A_131 : vector<1x10000xf32> to vector<10000xf32>
    %concatenate3A_136 = tpu.concatenate %reshape3A_135, %broadcast_in_dim3A_127 in 0 : vector<10000xf32>, vector<240xf32> -> vector<10240xf32>
    %swap3A_137 = arith.constant 20480 : index
    %swap3A_138 = vector.load %arg14[%swap3A_137] : memref<40960xf32, #tpu.memory_space<vmem>>, vector<10240xf32>
    tpu.vector_store %arg14[%swap3A_137], %concatenate3A_136 {strides = array<i32>} : memref<40960xf32, #tpu.memory_space<vmem>>, vector<10240xf32>,
    %mul3A_139 = arith.mulf %sub3A_121, %squeeze3A_125 : vector<128xf32>
    %reduce_sum3A_140 = vector.shape_cast %mul3A_139 : vector<128xf32> to vector<1x128xf32>
    %reduce_sum3A_141 = arith.constant dense<0.000000e+00> : vector<1xf32>
    %reduce_sum3A_142 = vector.multi_reduction <add>, %reduce_sum3A_140, %reduce_sum3A_141 [1] : vector<1x128xf32> to vector<1xf32>
    %reduce_sum3A_143 = vector.shape_cast %reduce_sum3A_142 : vector<1xf32> to vector<1x1xf32>
    %reduce_sum3A_144 = vector.extract %reduce_sum3A_143[0, 0] : f32 from vector<1x1xf32>
    %get3A_145 = arith.constant 20480 : index
    %get3A_146 = vector.load %arg14[%get3A_145] : memref<40960xf32, #tpu.memory_space<vmem>>, vector<10240xf32>
    %add3A_147 = vector.broadcast %reduce_sum3A_144 : f32 to vector<10240xf32>
    %add3A_148 = arith.addf %get3A_146, %add3A_147 : vector<10240xf32>
    %swap3A_149 = arith.constant 20480 : index
    %swap3A_150 = vector.load %arg14[%swap3A_149] : memref<40960xf32, #tpu.memory_space<vmem>>, vector<10240xf32>
    tpu.vector_store %arg14[%swap3A_149], %add3A_148 {strides = array<i32>} : memref<40960xf32, #tpu.memory_space<vmem>>, vector<10240xf32>,
    %reshape3A_151 = vector.shape_cast %dot_general3A_134 : vector<1x10000xf32> to vector<10000xf32>
    %concatenate3A_152 = tpu.concatenate %reshape3A_151, %broadcast_in_dim3A_127 in 0 : vector<10000xf32>, vector<240xf32> -> vector<10240xf32>
    %swap3A_153 = arith.constant 30720 : index
    %swap3A_154 = vector.load %arg14[%swap3A_153] : memref<40960xf32, #tpu.memory_space<vmem>>, vector<10240xf32>
    tpu.vector_store %arg14[%swap3A_153], %concatenate3A_152 {strides = array<i32>} : memref<40960xf32, #tpu.memory_space<vmem>>, vector<10240xf32>,
    %swap3A_155 = arith.constant 0 : index
    %swap3A_156 = arith.constant 0 : index
    %swap3A_157 = vector.load %arg16[%swap3A_155, %swap3A_156] : memref<3x128xf32, #tpu.memory_space<vmem>>, vector<1x128xf32>
    %swap3A_158 = vector.shape_cast %swap3A_157 : vector<1x128xf32> to vector<128xf32>
    %swap3A_159 = vector.shape_cast %div3A_118 : vector<128xf32> to vector<1x128xf32>
    tpu.vector_store %arg16[%swap3A_155, %swap3A_156], %swap3A_159 {strides = array<i32>} : memref<3x128xf32, #tpu.memory_space<vmem>>, vector<1x128xf32>,
    %swap3A_160 = arith.constant 1 : index
    %swap3A_161 = arith.constant 0 : index
    %swap3A_162 = vector.load %arg16[%swap3A_160, %swap3A_161] : memref<3x128xf32, #tpu.memory_space<vmem>>, vector<1x128xf32>
    %swap3A_163 = vector.shape_cast %swap3A_162 : vector<1x128xf32> to vector<128xf32>
    %swap3A_164 = vector.shape_cast %sub3A_121 : vector<128xf32> to vector<1x128xf32>
    tpu.vector_store %arg16[%swap3A_160, %swap3A_161], %swap3A_164 {strides = array<i32>} : memref<3x128xf32, #tpu.memory_space<vmem>>, vector<1x128xf32>,
    %swap3A_165 = arith.constant 2 : index
    %swap3A_166 = arith.constant 0 : index
    %swap3A_167 = vector.load %arg16[%swap3A_165, %swap3A_166] : memref<3x128xf32, #tpu.memory_space<vmem>>, vector<1x128xf32>
    %swap3A_168 = vector.shape_cast %swap3A_167 : vector<1x128xf32> to vector<128xf32>
    %swap3A_169 = vector.shape_cast %div3A_100 : vector<128xf32> to vector<1x128xf32>
    tpu.vector_store %arg16[%swap3A_165, %swap3A_166], %swap3A_169 {strides = array<i32>} : memref<3x128xf32, #tpu.memory_space<vmem>>, vector<1x128xf32>,
    return
  }
}

module attributes {stable_mosaic.version = 14 : i64} {
  func.func @_post_body(%arg0: memref<10000x128xf32, #tpu.memory_space<vmem>>, %arg1: memref<10000x128xf32, #tpu.memory_space<vmem>>, %arg2: memref<20480xf32, #tpu.memory_space<vmem>>, %arg3: memref<3x128xf32, #tpu.memory_space<vmem>>, %arg4: memref<3x128xf32, #tpu.memory_space<vmem>>, %arg5: memref<128x128xf32, #tpu.memory_space<vmem>>, %arg6: memref<128xf32, #tpu.memory_space<vmem>>, %arg7: memref<128x128xf32, #tpu.memory_space<vmem>>, %arg8: memref<128xf32, #tpu.memory_space<vmem>>, %arg9: memref<512xf32, #tpu.memory_space<vmem>>) attributes {dimension_semantics = [], scalar_prefetch = 0 : i64, scratch_operands = 0 : i64, tpu.core_type = #tpu.core_type<tc>} {
    %get3A = arith.constant 0 : index
    %get3A_0 = arith.constant 0 : index
    %get3A_1 = vector.load %arg0[%get3A, %get3A_0] : memref<10000x128xf32, #tpu.memory_space<vmem>>, vector<10000x128xf32>
    %get3A_2 = arith.constant 0 : index
    %get3A_3 = vector.load %arg2[%get3A_2] : memref<20480xf32, #tpu.memory_space<vmem>>, vector<10000xf32>
    %reshape3A = vector.shape_cast %get3A_3 : vector<10000xf32> to vector<1x10000xf32>
    %get3A_4 = arith.constant 0 : index
    %get3A_5 = arith.constant 0 : index
    %get3A_6 = vector.load %arg3[%get3A_4, %get3A_5] : memref<3x128xf32, #tpu.memory_space<vmem>>, vector<1x128xf32>
    %get3A_7 = vector.shape_cast %get3A_6 : vector<1x128xf32> to vector<128xf32>
    %get3A_8 = arith.constant 1 : index
    %get3A_9 = arith.constant 0 : index
    %get3A_10 = vector.load %arg3[%get3A_8, %get3A_9] : memref<3x128xf32, #tpu.memory_space<vmem>>, vector<1x128xf32>
    %get3A_11 = vector.shape_cast %get3A_10 : vector<1x128xf32> to vector<128xf32>
    %get3A_12 = arith.constant 0 : index
    %get3A_13 = arith.constant 0 : index
    %get3A_14 = vector.load %arg5[%get3A_12, %get3A_13] : memref<128x128xf32, #tpu.memory_space<vmem>>, vector<128x128xf32>
    %dot_general3A = arith.constant dense<0.000000e+00> : vector<1x128xf32>
    %dot_general3A_15 = tpu.matmul %reshape3A, %get3A_1, %dot_general3A {dimension_numbers = #tpu.dot_dimension_numbers<[1], [0], [0], [1], [0, 0, 1, 1], [], []>, transpose_lhs_hint = false} : vector<1x10000xf32>, vector<10000x128xf32>, vector<1x128xf32> -> vector<1x128xf32>
    %reduce_sum3A = vector.shape_cast %reshape3A : vector<1x10000xf32> to vector<1x1x10000xf32>
    %reduce_sum3A_16 = arith.constant dense<0.000000e+00> : vector<1xf32>
    %reduce_sum3A_17 = vector.multi_reduction <add>, %reduce_sum3A, %reduce_sum3A_16 [1, 2] : vector<1x1x10000xf32> to vector<1xf32>
    %reduce_sum3A_18 = vector.shape_cast %reduce_sum3A_17 : vector<1xf32> to vector<1x1x1xf32>
    %reduce_sum3A_19 = vector.extract %reduce_sum3A_18[0, 0, 0] : f32 from vector<1x1x1xf32>
    %broadcast_in_dim3A = vector.shape_cast %get3A_7 : vector<128xf32> to vector<1x128xf32>
    %mul3A = arith.mulf %broadcast_in_dim3A, %dot_general3A_15 : vector<1x128xf32>
    %mul3A_20 = vector.broadcast %reduce_sum3A_19 : f32 to vector<128xf32>
    %mul3A_21 = arith.mulf %get3A_11, %mul3A_20 : vector<128xf32>
    %broadcast_in_dim3A_22 = vector.shape_cast %mul3A_21 : vector<128xf32> to vector<1x128xf32>
    %add3A = arith.addf %mul3A, %broadcast_in_dim3A_22 : vector<1x128xf32>
    %dot_general3A_23 = arith.constant dense<0.000000e+00> : vector<1x128xf32>
    %dot_general3A_24 = tpu.matmul %add3A, %get3A_14, %dot_general3A_23 {dimension_numbers = #tpu.dot_dimension_numbers<[1], [1], [0], [0], [0, 0, 1, 0], [], []>, transpose_lhs_hint = false} : vector<1x128xf32>, vector<128x128xf32>, vector<1x128xf32> -> vector<1x128xf32>
    %squeeze3A = vector.shape_cast %dot_general3A_24 : vector<1x128xf32> to vector<128xf32>
    %mul3A_25 = arith.constant 9.99999974E-5 : f32
    %mul3A_26 = vector.broadcast %mul3A_25 : f32 to vector<128xf32>
    %mul3A_27 = arith.mulf %squeeze3A, %mul3A_26 : vector<128xf32>
    %get3A_28 = arith.constant 0 : index
    %get3A_29 = vector.load %arg6[%get3A_28] : memref<128xf32, #tpu.memory_space<vmem>>, vector<128xf32>
    %add3A_30 = arith.addf %mul3A_27, %get3A_29 : vector<128xf32>
    %get3A_31 = arith.constant 0 : index
    %get3A_32 = arith.constant 0 : index
    %get3A_33 = vector.load %arg1[%get3A_31, %get3A_32] : memref<10000x128xf32, #tpu.memory_space<vmem>>, vector<10000x128xf32>
    %get3A_34 = arith.constant 10240 : index
    %get3A_35 = vector.load %arg2[%get3A_34] : memref<20480xf32, #tpu.memory_space<vmem>>, vector<10000xf32>
    %reshape3A_36 = vector.shape_cast %get3A_35 : vector<10000xf32> to vector<1x10000xf32>
    %get3A_37 = arith.constant 0 : index
    %get3A_38 = arith.constant 0 : index
    %get3A_39 = vector.load %arg4[%get3A_37, %get3A_38] : memref<3x128xf32, #tpu.memory_space<vmem>>, vector<1x128xf32>
    %get3A_40 = vector.shape_cast %get3A_39 : vector<1x128xf32> to vector<128xf32>
    %get3A_41 = arith.constant 1 : index
    %get3A_42 = arith.constant 0 : index
    %get3A_43 = vector.load %arg4[%get3A_41, %get3A_42] : memref<3x128xf32, #tpu.memory_space<vmem>>, vector<1x128xf32>
    %get3A_44 = vector.shape_cast %get3A_43 : vector<1x128xf32> to vector<128xf32>
    %get3A_45 = arith.constant 0 : index
    %get3A_46 = arith.constant 0 : index
    %get3A_47 = vector.load %arg7[%get3A_45, %get3A_46] : memref<128x128xf32, #tpu.memory_space<vmem>>, vector<128x128xf32>
    %dot_general3A_48 = arith.constant dense<0.000000e+00> : vector<1x128xf32>
    %dot_general3A_49 = tpu.matmul %reshape3A_36, %get3A_33, %dot_general3A_48 {dimension_numbers = #tpu.dot_dimension_numbers<[1], [0], [0], [1], [0, 0, 1, 1], [], []>, transpose_lhs_hint = false} : vector<1x10000xf32>, vector<10000x128xf32>, vector<1x128xf32> -> vector<1x128xf32>
    %reduce_sum3A_50 = vector.shape_cast %reshape3A_36 : vector<1x10000xf32> to vector<1x1x10000xf32>
    %reduce_sum3A_51 = arith.constant dense<0.000000e+00> : vector<1xf32>
    %reduce_sum3A_52 = vector.multi_reduction <add>, %reduce_sum3A_50, %reduce_sum3A_51 [1, 2] : vector<1x1x10000xf32> to vector<1xf32>
    %reduce_sum3A_53 = vector.shape_cast %reduce_sum3A_52 : vector<1xf32> to vector<1x1x1xf32>
    %reduce_sum3A_54 = vector.extract %reduce_sum3A_53[0, 0, 0] : f32 from vector<1x1x1xf32>
    %broadcast_in_dim3A_55 = vector.shape_cast %get3A_40 : vector<128xf32> to vector<1x128xf32>
    %mul3A_56 = arith.mulf %broadcast_in_dim3A_55, %dot_general3A_49 : vector<1x128xf32>
    %mul3A_57 = vector.broadcast %reduce_sum3A_54 : f32 to vector<128xf32>
    %mul3A_58 = arith.mulf %get3A_44, %mul3A_57 : vector<128xf32>
    %broadcast_in_dim3A_59 = vector.shape_cast %mul3A_58 : vector<128xf32> to vector<1x128xf32>
    %add3A_60 = arith.addf %mul3A_56, %broadcast_in_dim3A_59 : vector<1x128xf32>
    %dot_general3A_61 = arith.constant dense<0.000000e+00> : vector<1x128xf32>
    %dot_general3A_62 = tpu.matmul %add3A_60, %get3A_47, %dot_general3A_61 {dimension_numbers = #tpu.dot_dimension_numbers<[1], [1], [0], [0], [0, 0, 1, 0], [], []>, transpose_lhs_hint = false} : vector<1x128xf32>, vector<128x128xf32>, vector<1x128xf32> -> vector<1x128xf32>
    %squeeze3A_63 = vector.shape_cast %dot_general3A_62 : vector<1x128xf32> to vector<128xf32>
    %mul3A_64 = arith.constant 9.99999974E-5 : f32
    %mul3A_65 = vector.broadcast %mul3A_64 : f32 to vector<128xf32>
    %mul3A_66 = arith.mulf %squeeze3A_63, %mul3A_65 : vector<128xf32>
    %get3A_67 = arith.constant 0 : index
    %get3A_68 = vector.load %arg8[%get3A_67] : memref<128xf32, #tpu.memory_space<vmem>>, vector<128xf32>
    %add3A_69 = arith.addf %mul3A_66, %get3A_68 : vector<128xf32>
    %get3A_70 = arith.constant 2 : index
    %get3A_71 = arith.constant 0 : index
    %get3A_72 = vector.load %arg3[%get3A_70, %get3A_71] : memref<3x128xf32, #tpu.memory_space<vmem>>, vector<1x128xf32>
    %get3A_73 = vector.shape_cast %get3A_72 : vector<1x128xf32> to vector<128xf32>
    %get3A_74 = arith.constant 2 : index
    %get3A_75 = arith.constant 0 : index
    %get3A_76 = vector.load %arg4[%get3A_74, %get3A_75] : memref<3x128xf32, #tpu.memory_space<vmem>>, vector<1x128xf32>
    %get3A_77 = vector.shape_cast %get3A_76 : vector<1x128xf32> to vector<128xf32>
    %concatenate3A = tpu.concatenate %add3A_30, %add3A_69, %get3A_73, %get3A_77 in 0 : vector<128xf32>, vector<128xf32>, vector<128xf32>, vector<128xf32> -> vector<512xf32>
    %swap3A = arith.constant 0 : index
    %swap3A_78 = vector.load %arg9[%swap3A] : memref<512xf32, #tpu.memory_space<vmem>>, vector<512xf32>
    tpu.vector_store %arg9[%swap3A], %concatenate3A {strides = array<i32>} : memref<512xf32, #tpu.memory_space<vmem>>, vector<512xf32>,
    return
  }
}

</mosaic_0001>

<sc_bundles>
// kernel: kernel.5.cloned.1.call-start
scs
__scs_entry_jumppad:
0x0: {  	(pc) =	sbr.rel $0x88, $3  }
0x1: {  	(tag) =	ssettag $0x0;
	lr =	simm.s32 $0x1  }
0x2: {  	[smem:$0x3F8F] =	sst lr;
	_ =	strace $0xD0000000  }
0x3: {  	_ = 	snop  }
0x4: {  	_ = 	snop  }
0x5: {  	_ = 	snop  }
0x6: {  	_ = 	snop  }
0x7: {  	_ = 	snop  }
__scs_overlays_trampoline_lowered:
0x8: {  	[smem:$0x3F9E] =	sst s0  }
0x9: {  	[smem:$0x3F9F] =	sst s1  }
0xa: {  	[smem:$0x3FA0] =	sst s2  }
0xb: {  	[smem:$0x3FA1] =	sst s3  }
0xc: {  	[smem:$0x3FA2] =	sst s4  }
0xd: {  	[smem:$0x3FA3] =	sst s5  }
0xe: {  	[smem:$0x3FA4] =	sst s6  }
0xf: {  	[smem:$0x3FA5] =	sst s7  }
0x10: {  	[smem:$0x3FA6] =	sst s8  }
0x11: {  	[smem:$0x3FA7] =	sst s9;
	s0 =	simm.s32 @!p0 $0x0  }
0x12: {  	s1 =	sld [smem:$0x3F8D];
	s0 =	simm.s32 @p0 $0x1  }
0x13: {  	[smem:$0x3FA8] =	sst s0;
	s0 =	simm.s32 @!p1 $0x0  }
0x14: {  	s2 =	sld [smem:$0x3F8C];
	s0 =	simm.s32 @p1 $0x1  }
0x15: {  	[smem:$0x3FA9] =	sst s0;
	s0 =	simm.s32 @!p2 $0x0  }
0x16: {  	s3 =	sld [smem:$0x3FDB];
	s0 =	simm.s32 @p2 $0x1  }
0x17: {  	s4 =	simm.s32 $0x1BF5;
	[smem:$0x3FAB] =	sst s0  }
0x18: {  	s0 =	sld [smem:$0x3F8E];
	_ =	swait.ge [sflag:s4], $0x0  }
0x19: {  	s7 =	sld [smem:$0x3F8F]  }
0x1a: {  	s8 =	sadd.s32 $0xFFFFE003, lr  }
0x1b: {  	s9 =	sadd.s32 $0xFFFFFEF7, lr;
	s5 =	simm.s32 $0xFFFFFFFF;
	p2 =	slt.u32 s8, $0xFFFFF086  }
0x1c: {  	p1 =	slt.u32 s9, $0xF7A;
	s5 =	simm.s32 @!p2 $0x0  }
0x1d: {  	s5 =	simm.s32 @p1 $0x1;
	p0 =	seq.s32 s7, s2  }
0x1e: {  	s7 =	smul.u32 @!p0 $0xF7A, s2;
	p2 =	seq.s32 @!p0 s5, $0x0  }
0x1f: {  	s9 =	smul.u32 $0xF7A, s1;
	s8 =	simm.s32 @!p0 $0x1BF5;
	p2 =	por !p2, p0  }
0x20: {  	[sflag:s8] =	ssyncset.s32 @!p0 $0xFFFFF086;
	s6 =	sadd.s32 @!p0 s3, s7;
	s7 =	simm.s32 @!p0 $0x108  }
0x21: {  	s3 =	sadd.s32 s3, s9;
	s6 =	sadd.s32 @!p0 $0x88, s6;
	s7 =	simm.s32 @p2 $0x1082  }
0x22: {  	[simem:s7], [sflag:s8] =	dma.local @!p0 [hbm:s6], $0xF7A  }
0x23: {  	s9 =	sor.u32 $0xD0000000, s2;
	s6 =	simm.s32 $0x108;
	_ =	swait.ge @!p0 [sflag:s8], $0x0  }
0x24: {  	s3 =	sadd.s32 $0x88, s3;
	s6 =	simm.s32 @!p1 $0x1082;
	[sflag:s4] =	ssyncset.s32 $0xFFFFF086  }
0x25: {  	[simem:s6], [sflag:s4] =	dma.local [hbm:s3], $0xF7A  }
0x26: {  	[smem:$0x3F8F] =	sst s1;
	(tag) =	ssettag s2;
	_ =	strace s9  }
0x27: {  	s1 =	sld [smem:$0x3F9F]  }
0x28: {  	s2 =	sld [smem:$0x3FA0]  }
0x29: {  	s4 =	sld [smem:$0x3FA2]  }
0x2a: {  	p0 =	seq.s32 s5, $0x0;
	s5 =	sld [smem:$0x3FA3]  }
0x2b: {  	s6 =	sld [smem:$0x3FA4]  }
0x2c: {  	s7 =	sld [smem:$0x3FA5]  }
0x2d: {  	s3 =	simm.s32 $0x108;
	s8 =	sld [smem:$0x3FA6]  }
0x2e: {  	s3 =	simm.s32 @!p0 $0x1082;
	s9 =	sld [smem:$0x3FA7]  }
0x2f: {  	lr =	sadd.s32 s0, s3;
	s0 =	sld [smem:$0x3F9E]  }
0x30: {  	s3 =	sld [smem:$0x3FA1]  }
0x31: {  	[smem:$0x3FAA] =	sst s10  }
0x32: {  	s10 =	sld [smem:$0x3FA8];
	_ =	sdelay $0x3  }
0x33: {  	p0 =	seq.s32 s10, $0x1;
	s10 =	sld [smem:$0x3FAA];
	_ =	sdelay $0x3  }
0x34: {  	[smem:$0x3FAA] =	sst s10  }
0x35: {  	s10 =	sld [smem:$0x3FA9];
	_ =	sdelay $0x3  }
0x36: {  	p1 =	seq.s32 s10, $0x1;
	s10 =	sld [smem:$0x3FAA];
	_ =	sdelay $0x3  }
0x37: {  	[smem:$0x3FAA] =	sst s10  }
0x38: {  	s10 =	sld [smem:$0x3FAB]  }
0x39: {  	_ = 	snop;
	(pc) =	sbr.ind lr, $3  }
0x3a: {  	_ = 	snop  }
0x3b: {  	_ = 	snop  }
0x3c: {  	p2 =	seq.s32 s10, $0x1;
	s10 =	sld [smem:$0x3FAA]  }
0x3d: {  	_ =	shalt  }
0x3e: {  	_ =	shalt  }
0x3f: {  	_ =	shalt  }
0x40: {  	_ =	shalt  }
0x41: {  	_ =	shalt  }
0x42: {  	_ =	shalt  }
0x43: {  	_ =	shalt  }
0x44: {  	_ =	shalt  }
0x45: {  	_ =	shalt  }
0x46: {  	_ =	shalt  }
0x47: {  	_ =	shalt  }
0x48: {  	_ =	shalt  }
0x49: {  	_ =	shalt  }
0x4a: {  	_ =	shalt  }
0x4b: {  	_ =	shalt  }
0x4c: {  	_ =	shalt  }
0x4d: {  	_ =	shalt  }
0x4e: {  	_ =	shalt  }
0x4f: {  	_ =	shalt  }
0x50: {  	_ =	shalt  }
0x51: {  	_ =	shalt  }
0x52: {  	_ =	shalt  }
0x53: {  	_ =	shalt  }
0x54: {  	_ =	shalt  }
0x55: {  	_ =	shalt  }
0x56: {  	_ =	shalt  }
0x57: {  	_ =	shalt  }
0x58: {  	_ =	shalt  }
0x59: {  	_ =	shalt  }
0x5a: {  	_ =	shalt  }
0x5b: {  	_ =	shalt  }
0x5c: {  	_ =	shalt  }
0x5d: {  	_ =	shalt  }
0x5e: {  	_ =	shalt  }
0x5f: {  	_ =	shalt  }
0x60: {  	_ =	shalt  }
0x61: {  	_ =	shalt  }
0x62: {  	_ =	shalt  }
0x63: {  	_ =	shalt  }
0x64: {  	_ =	shalt  }
0x65: {  	_ =	shalt  }
0x66: {  	_ =	shalt  }
0x67: {  	_ =	shalt  }
0x68: {  	_ =	shalt  }
0x69: {  	_ =	shalt  }
0x6a: {  	_ =	shalt  }
0x6b: {  	_ =	shalt  }
0x6c: {  	_ =	shalt  }
0x6d: {  	_ =	shalt  }
0x6e: {  	_ =	shalt  }
0x6f: {  	_ =	shalt  }
0x70: {  	_ =	shalt  }
0x71: {  	_ =	shalt  }
0x72: {  	_ =	shalt  }
0x73: {  	_ =	shalt  }
0x74: {  	_ =	shalt  }
0x75: {  	_ =	shalt  }
0x76: {  	_ =	shalt  }
0x77: {  	_ =	shalt  }
0x78: {  	_ =	shalt  }
0x79: {  	_ =	shalt  }
0x7a: {  	_ =	shalt  }
0x7b: {  	_ =	shalt  }
0x7c: {  	_ =	shalt  }
0x7d: {  	_ =	shalt  }
0x7e: {  	_ =	shalt  }
0x7f: {  	_ =	shalt  }
0x80: {  	_ =	shalt  }
0x81: {  	_ =	shalt  }
0x82: {  	_ =	shalt  }
0x83: {  	_ =	shalt  }
0x84: {  	_ =	shalt  }
0x85: {  	_ =	shalt  }
0x86: {  	_ =	shalt  }
0x87: {  	_ =	shalt  }
.Lfunc_end0:
.L_simem_size_0:
called_computation_lowered:
.L_overlay_start_0:
0x88: {  	s2 =	sld [smem:$0x3FD9]  }
0x89: {  	s3 =	sld [smem:$0x3FFE];
	_ =	sdelay $0x1  }
0x8a: {  	s1 =	srdreg.scid  }
0x8b: {  	s0 =	sand.u32 $0x1, s1  }
0x8c: {  	s17 =	sshll.u32 s0, $0xA;
	s2 =	sadd.s32 s3, s2  }
0x8d: {  	s2 =	sadd.s32 s2, s17  }
0x8e: {  	[smem:$0x3FB6] =	sst s2  }
0x8f: {  	_ = 	snop  }
0x90: {  	s2 =	sld [smem:$0x3FB9]  }
0x91: {  	s18 =	sld [smem:$0x3FB8];
	(tm) =	ssettm $0x1  }
0x92: {  	s4 =	sld [smem:$0x3FFB];
	_ =	sdelay $0x3  }
0x93: {  	_ =	strace s4  }
0x94: {  	s4 =	sld [smem:$0x3FFC];
	_ =	sdelay $0x3  }
0x95: {  	_ =	strace s4  }
0x96: {  	s4 =	sld [smem:$0x3FFD];
	_ =	sdelay $0x3  }
0x97: {  	_ =	strace s4  }
0x98: {  	_ =	strace $0x8FFFFFFF  }
0x99: {  	s19 =	sld [smem:$0x3FDB];
	_ =	sdelay $0x1  }
0x9a: {  	s5 =	simm.s32 $_scs_section_size  }
0x9b: {  	s6 =	simm.s32 $_size__tile_overlayer_lowered;
	s7 =	simm.s32 $_tile_overlayer_lowered  }
0x9c: {  	s22 =	simm.s32 $0x1BFF;
	s21 =	sshll.u32 s7, $0x1;
	s4 =	sadd.s32 s5, s19  }
0x9d: {  	s8 =	simm.s32 $0x0;
	s20 =	sshll.u32 s6, $0x1;
	s6 =	sadd.s32 s21, s4  }
0x9e: {  	[timem:s8], [sflag:s22] =	dma.local [hbm:s6], s20  }
0x9f: {  	_ =	swait.ge [sflag:s22], s20  }
0xa0: {  	s5 =	ssub.s32 $0x0, s20;
	[sflag:s22] =	ssyncset.done $0x0  }
0xa1: {  	[sflag:s22] =	ssyncadd.s32 s5;
	_ =	sdelay $0x1  }
0xa2: {  	s23 =	simm.s32 $0x1B8B  }
0xa3: {  	_ =	swait.ge [sflag:s23], $0x1  }
0xa4: {  	[sflag:s23] =	ssyncset.done $0x0  }
0xa5: {  	s25 =	simm.s32 $0x1B8E;
	s24 =	sld [smem:$0x3FFE];
	[sflag:s23] =	ssyncadd.s32 $0xFFFFFFFF  }
0xa6: {  	s26 =	simm.s32 $execute0_lowered;
	[smem:$0x3FD2] =	sst s25  }
0xa7: {  	s6 =	sshll.u32 s26, $0x1;
	_ =	strace $0x80000046;
	[dreg:$0x1] =	wrdreg $0xFFFFFFFF  }
0xa8: {  	s28 =	simm.s32 $_size_execute0_lowered;
	s4 =	sadd.s32 s4, s6;
	[dreg:$0x0] =	wrdreg $0x0  }
0xa9: {  	s6 =	sshll.u32 s28, $0x1;
	[dreg:$0x2] =	wrdreg s4  }
0xaa: {  	[dreg:$0x3] =	wrdreg s6  }
0xab: {  	[dreg:$0x4] =	wrdreg $0xC0  }
0xac: {  	_ =	task [dreg:s8], $0x5FFFF  }
0xad: {  	[dreg:$0x1] =	wrdreg $0xFFFFFFFF  }
0xae: {  	[dreg:$0x0] =	wrdreg $0x60  }
0xaf: {  	[dreg:$0x2] =	wrdreg s24  }
0xb0: {  	[dreg:$0x3] =	wrdreg s2  }
0xb1: {  	[dreg:$0x4] =	wrdreg s18  }
0xb2: {  	[dreg:$0x5] =	wrdreg $0x1B6000  }
0xb3: {  	[dreg:$0x6] =	wrdreg $0x1DE000  }
0xb4: {  	[dreg:$0x7] =	wrdreg $0x9  }
0xb5: {  	_ =	task.clear_ibuf [dreg:s8], $0x8FFFF;
	_ =	strace $0x90000046  }
0xb6: {  	s29 =	simm.s32 $0x9;
	_ =	strace $0x80000048  }
0xb7: {  	_ =	swait.ge [sflag:s29], $0x1  }
0xb8: {  	[sflag:s29] =	ssyncadd.s32 $0xFFFFFFFF  }
0xb9: {  	_ =	strace $0x90000048  }
0xba: {  	_ =	sfence  }
0xbb: {  	s30 =	sld [smem:$0x0];
	_ =	sdelay $0x2  }
0xbc: {  	s31 =	sshll.u32 s1, $0xD;
	s1 =	sshrl.u32 s1, $0x2  }
0xbd: {  	s3 =	sand.u32 $0x4000, s31;
	s1 =	sadd.s32 s1, s30  }
0xbe: {  	s0 =	sor.u32 s3, s0;
	s1 =	sshll.u32 s1, $0x11  }
0xbf: {  	s0 =	sor.u32 s1, s0  }
0xc0: {  	s0 =	sadd.s32 $0x8F2B, s0  }
0xc1: {  	[sflag:s0] =	ssyncadd.remote.s32 $0x1  }
0xc2: {  	_ =	sfence.sel $0xFFFF  }
0xc3: {  	[dreg:$0x0] =	wrdreg $0xFFFFFFFF;
	(pc) =	sbr.abs _section_cstart, $3  }
0xc4: {  	[dreg:$0x1] =	wrdreg $0xFFFFFFFF  }
0xc5: {  	_ =	task.clear_ibuf [dreg:s8], $0x2FFFF;
	_ =	strace $0x9FFFFFFF  }
0xc6: {  	(tm) =	ssettm $0x7FFFFFFF  }
0xc7: {  	_ =	shalt  }
tec
execute0_lowered:
.L_overlay_start_1:
0x0: {  	(tag) =	ssettag $0x1  }
0x1: {  	s0 =	rddreg [dreg:$0x0]  }
0x2: {  	s1 =	rddreg [dreg:$0x1]  }
0x3: {  	s2 =	rddreg [dreg:$0x2]  }
0x4: {  	s11 =	rddreg [dreg:$0x3];
	s5 =	stileid.u32  }
0x5: {  	s3 =	srdreg.scid;
	s6 =	smul.u32 $0x280, s5  }
0x6: {  	s12 =	rddreg [dreg:$0x4];
	s8 =	smul.u32 $0x4E20, s5  }
0x7: {  	s13 =	simm.s32 $0x0;
	s3 =	sand.u32 $0x1, s3;
	s10 =	smul.u32 $0x9C40, s5  }
0x8: {  	[smem:$0x7FF] =	sst s13;
	s17 =	sshrl.u32 s5, $0x3;
	s21 =	smul.u32 $0x5000, s5  }
0x9: {  	s19 =	sadd.s32 $0x80, s11;
	s20 =	sshll.u32 s5, $0x7;
	s4 =	smul.u32 $0x5000, s3  }
0xa: {  	s23 =	sand.u32 $0x3, s5;
	p0 =	sne.s32 s5, $0x0;
	s7 =	smul.u32 $0x2800, s3  }
0xb: {  	_ =	strace $0x80000047;
	s9 =	ssub.s32 $0x2, s3;
	[dreg:$0x1a] =	wrdreg s19  }
0xc: {  	s25 =	sshll.u32 s23, $0x6;
	p1 =	sne.s32 s3, $0x0;
	s28 =	sshrl.u32 s9, $0x1  }
0xd: {  	s29 =	sshrl.u32 s8, $0x2;
	s10 =	sand.u32 $0xFFF00, s10;
	s24 =	sadd.s32 s6, s12  }
0xe: {  	s14 =	sand.u32 $0x60, s8;
	s4 =	sshrl.u32 s4, $0x3;
	[dreg:$0x1e] =	wrdreg s24  }
0xf: {  	s30 =	sand.u32 $0x1FFE0, s29;
	s29 =	sor.u32 $0x2710, s14;
	[dreg:$0x12] =	wrdreg s14  }
0x10: {  	s7 =	sadd.s32 s6, s7;
	s15 =	sadd.s32 s2, s30;
	[smem:$0x7FB] =	sst s29  }
0x11: {  	s31 =	sshrl.u32 s10, $0x3;
	s8 =	sadd.s32 s1, s30;
	[dreg:$0x13] =	wrdreg s15  }
0x12: {  	s16 =	sadd.s32 s2, s31;
	s30 =	sadd.s32 $0x4EA0, s25;
	[dreg:$0x17] =	wrdreg s8  }
0x13: {  	s7 =	sshrl.u32 s7, $0x3;
	s15 =	sadd.s32 $0x500, s16;
	[smem:$0x7FC] =	sst s30  }
0x14: {  	s4 =	sadd.s32 s4, s0;
	s10 =	sadd.s32 $0xEC0, s16;
	[dreg:$0x14] =	wrdreg s15  }
0x15: {  	s0 =	sadd.s32 s7, s0;
	s18 =	sadd.s32 $0x2E00, s4;
	[dreg:$0x16] =	wrdreg s10  }
0x16: {  	s7 =	ssub.s32 s9, s28;
	s4 =	sadd.s32 $0x3300, s4;
	[dreg:$0x19] =	wrdreg s18  }
0x17: {  	s9 =	sadd.s32 $0x9E0, s31;
	s28 =	sadd.s32 $0x80, s25;
	[dreg:$0x1b] =	wrdreg s4  }
0x18: {  	s22 =	sshrl.u32 s21, $0x2;
	s2 =	sadd.s32 s2, s9;
	[smem:$0x7FA] =	sst s28  }
0x19: {  	s31 =	sor.u32 $0x120, s25;
	[dreg:$0x15] =	wrdreg s2;
	s2 =	smul.u32 $0x50000, s17  }
0x1a: {  	s1 =	sadd.s32 s1, s9;
	s0 =	sadd.s32 $0x4200, s0;
	[smem:$0x7FD] =	sst s31  }
0x1b: {  	s26 =	smax.u32 s7, $0x1;
	[dreg:$0x18] =	wrdreg s1;
	s2 =	sshrl.u32 s2, $0x2  }
0x1c: {  	s1 =	sand.u32 $0x380, s20;
	[dreg:$0x1f] =	wrdreg s0;
	s2 =	sadd.s32 s2, s11  }
0x1d: {  	s12 =	simm.s32 $0x3;
	[smem:$0x7F9] =	sst s26;
	s1 =	sadd.s32 s1, s2  }
0x1e: {  	s16 =	simm.s32 $0x5000;
	[dreg:$0x1c] =	wrdreg s1;
	s1 =	sadd.s32 s22, s11  }
0x1f: {  	v0 =	vimm.f32 $0.0e+00;
	s15 =	simm.s32 $0x2800;
	[dreg:$0x1d] =	wrdreg s1;
	s1 =	simm.s32 $0x0  }
.LBB2_1:
0x20: {  	[smem:$0x7F8] =	sst s1  }
0x21: {  	s2 =	rddreg [dreg:$0x13]  }
0x22: {  	s6 =	rddreg [dreg:$0x3]  }
0x23: {  	s0 =	simm.s32 @p1 $0x0;
	s1 =	simm.s32 @p1 $0xEE80;
	s5 =	rddreg [dreg:$0x19]  }
0x24: {  	[tilespmem:s1], [sflag:$0x1] =	stream.linear.gather @p1 [hbm4b:s2+s0], $0x2800, $0x38;
	[tilespmem:$0x1E080] =	vst v63  }
0x25: {  	s1 =	simm.s32 @p1 $0x11680;
	s2 =	rddreg [dreg:$0x14]  }
0x26: {  	[tilespmem:s1], [sflag:$0x1] =	stream.linear.gather @p1 [hbm4b:s2+s0], $0x2700, $0x38;
	[tilespmem:$0x1E080] =	vst v63  }
0x27: {  	s1 =	simm.s32 @p1 $0x13D80;
	s2 =	rddreg [dreg:$0x15]  }
0x28: {  	[tilespmem:s1], [sflag:$0x2] =	stream.linear.gather @p1 [hbm4b:s2+s0], $0x2700, $0x38;
	[tilespmem:$0x1E080] =	vst v63  }
0x29: {  	s3 =	simm.s32 @!p0 $0x10;
	s1 =	simm.s32 @p1 $0x16480;
	s2 =	rddreg [dreg:$0x16]  }
0x2a: {  	[tilespmem:s1], [sflag:$0x2] =	stream.linear.gather @p1 [hbm4b:s2+s0], $0x2700, $0x38;
	[tilespmem:$0x1E080] =	vst v63  }
0x2b: {  	s0 =	simm.s32 @!p1 $0x0;
	s1 =	simm.s32 @!p1 $0xEE80;
	s2 =	rddreg [dreg:$0x17]  }
0x2c: {  	[tilespmem:s1], [sflag:$0x1] =	stream.linear.gather @!p1 [hbm4b:s2+s0], $0x4F00, $0x38;
	[tilespmem:$0x1E080] =	vst v63  }
0x2d: {  	s4 =	simm.s32 @!p0 $0x1C03;
	s1 =	simm.s32 @!p1 $0x13D80;
	s2 =	rddreg [dreg:$0x18]  }
0x2e: {  	[tilespmem:s1], [sflag:$0x2] =	stream.linear.gather @!p1 [hbm4b:s2+s0], $0x4E00, $0x38;
	[tilespmem:$0x1E080] =	vst v63  }
0x2f: {  	s0 =	sshrl.u32 @!p0 s6, $0x3;
	s1 =	simm.s32 @!p0 $0x1;
	s2 =	simm.s32 @!p0 $0x80  }
0x30: {  	[spmem:s0@s2], [sflag:s4] =	dma.strided @!p0 [hbm:s5@s3], $0x500, s1, $0x10   }
0x31: {  	s0 =	simm.s32 @!p0 $0x3  }
0x32: {  	_ =	swait.ge @!p0 [sflag:s0], $0x500  }
0x33: {  	[sflag:s0] =	ssyncset.done @!p0 $0x0;
	s7 =	rddreg [dreg:$0x1a]  }
0x34: {  	s8 =	rddreg [dreg:$0x1b];
	[sflag:s0] =	ssyncadd.s32 @!p0 $0xFFFFFB00;
	s5 =	sshrl.u32 @!p0 s7, $0x3  }
0x35: {  	[spmem:s5@s2], [sflag:s4] =	dma.strided @!p0 [hbm:s8@s3], $0x500, s1, $0x10   }
0x36: {  	_ =	swait.ge @!p0 [sflag:s0], $0x500  }
0x37: {  	[sflag:s0] =	ssyncset.done @!p0 $0x0  }
0x38: {  	[sflag:s0] =	ssyncadd.s32 @!p0 $0xFFFFFB00  }
0x39: {  	s30 =	simm.s32 $0x80;
	s31 =	simm.s32 $0x400;
	[bflag:$0x0] =	sbarrier.arrive $0xFFFF  }
0x3a: {  	[tilespmem:s13], [sflag:$0x3] =	stream.strided.gather [spmem:s6], $0x2800, s31, s30, $0x38;
	[tilespmem:$0x1E080] =	vst v63  }
0x3b: {  	_ =	swait.ge [sflag:s12], $0x2800  }
0x3c: {  	[sflag:s12] =	ssyncset.done $0x0  }
0x3d: {  	[sflag:s12] =	ssyncadd.s32 $0xFFFFD800  }
0x3e: {  	[tilespmem:s15], [sflag:$0x3] =	stream.strided.gather [spmem:s7], $0x2800, s31, s30, $0x38;
	[tilespmem:$0x1E080] =	vst v63  }
0x3f: {  	_ =	swait.ge [sflag:s12], $0x2800  }
0x40: {  	[sflag:s12] =	ssyncset.done $0x0  }
0x41: {  	[sflag:s12] =	ssyncadd.s32 $0xFFFFD800  }
0x42: {  	s0 =	simm.s32 $0x5040;
	[bflag:$0x0] =	sbarrier.arrive $0xFFFF  }
0x43: {  	[tilespmem:s0+$0x30] =	vst v0  }
0x44: {  	[tilespmem:s0+$0xFFFFFFF0] =	vst v0  }
0x45: {  	[tilespmem:s0+$0xFFFFFFC0] =	vst v0  }
0x46: {  	[tilespmem:s0+$0xFFFFFFE0] =	vst v0  }
0x47: {  	[tilespmem:s0+$0x10] =	vst v0  }
0x48: {  	[tilespmem:s0+$0x20] =	vst v0  }
0x49: {  	[tilespmem:s0+$0x0] =	vst v0  }
0x4a: {  	s1 =	simm.s32 $0x7840;
	[tilespmem:s0+$0xFFFFFFD0] =	vst v0  }
0x4b: {  	[tilespmem:s1+$0xFFFFFFC0] =	vst v0  }
0x4c: {  	[tilespmem:s1+$0x30] =	vst v0  }
0x4d: {  	[tilespmem:s1+$0x20] =	vst v0  }
0x4e: {  	[tilespmem:s1+$0x10] =	vst v0  }
0x4f: {  	[tilespmem:s1+$0xFFFFFFE0] =	vst v0  }
0x50: {  	[tilespmem:s1+$0x0] =	vst v0  }
0x51: {  	s2 =	simm.s32 $0x0;
	[tilespmem:s1+$0xFFFFFFF0] =	vst v0  }
.LBB2_2:
0x52: {  	s2 =	sadd.s32 $0x8, s2;
	[tilespmem:s1+$0xFFFFFFD0] =	vst v0;
	s0 =	sadd.s32 $0x80, s0;
	s1 =	sadd.s32 $0x80, s1  }
0x53: {  	[tilespmem:s0+$0x30] =	vst v0;
	p2 =	slt.u32 s2, $0x278  }
0x54: {  	[tilespmem:s0+$0xFFFFFFF0] =	vst v0  }
0x55: {  	[tilespmem:s0+$0xFFFFFFC0] =	vst v0  }
0x56: {  	[tilespmem:s1+$0xFFFFFFC0] =	vst v0  }
0x57: {  	[tilespmem:s1+$0x30] =	vst v0  }
0x58: {  	[tilespmem:s0+$0xFFFFFFE0] =	vst v0  }
0x59: {  	[tilespmem:s0+$0x10] =	vst v0  }
0x5a: {  	[tilespmem:s0+$0x20] =	vst v0  }
0x5b: {  	[tilespmem:s1+$0x20] =	vst v0  }
0x5c: {  	[tilespmem:s1+$0x10] =	vst v0  }
.Ltmp0:
0x5d: {  	[tilespmem:s1+$0xFFFFFFE0] =	vst v0;
	(pc) =	sbr.rel @p2 .LBB2_2-.Ltmp0, $4  }
0x5e: {  	[tilespmem:s0+$0x0] =	vst v0  }
0x5f: {  	[tilespmem:s1+$0x0] =	vst v0  }
0x60: {  	[tilespmem:s1+$0xFFFFFFF0] =	vst v0  }
0x61: {  	[tilespmem:s0+$0xFFFFFFD0] =	vst v0  }
0x62: {  	[tilespmem:s1+$0xFFFFFFD0] =	vst v0;
	s2 =	simm.s32 $0x1  }
0x63: {  	_ =	swait.ge [sflag:s2], $0x4F00  }
0x64: {  	s5 =	sld [smem:$0x7FA];
	_ =	sdelay $0x1  }
0x65: {  	s0 =	sadd.s32 $0x40, s14  }
0x66: {  	s0 =	sand.u32 $0x70, s0;
	[sflag:s2] =	ssyncset.done $0x0;
	s4 =	sand.u32 $0x1FF00, s5  }
0x67: {  	[sflag:s2] =	ssyncadd.s32 $0xFFFFB100;
	s0 =	sor.u32 s0, s4  }
0x68: {  	s8 =	sadd.s32 $0xFFFFFF80, s5;
	v2 =	vld [tilespmem:s0+$0xEE80]  }
0x69: {  	s6 =	sadd.s32 $0x10, s14;
	s3 =	sand.u32 $0x70, s14;
	s2 =	sand.u32 $0xFF00, s8;
	v7 =	vld [tilespmem:s0+$0xEF00]  }
0x6a: {  	s10 =	sadd.s32 $0x20, s14;
	s7 =	sadd.s32 $0xFFFFFFA0, s5;
	s9 =	sor.u32 s3, s2  }
0x6b: {  	s11 =	sadd.s32 $0xFFFFFFC0, s5;
	s1 =	sand.u32 $0x1FF00, s7;
	s0 =	sand.u32 $0x70, s6;
	v6 =	vld [tilespmem:s9+$0xEE80]  }
0x6c: {  	s2 =	sand.u32 $0x1FF00, s11;
	s0 =	sor.u32 s0, s1;
	v1 =	vld [tilespmem:s9+$0xEF00];
	s1 =	sand.u32 $0x70, s10  }
0x6d: {  	v5 =	vld [tilespmem:s0+$0xEE80];
	s1 =	sor.u32 s1, s2  }
0x6e: {  	v10 =	vld [tilespmem:s1+$0xEE80]  }
0x6f: {  	v3 =	vld [tilespmem:s1+$0xEF00]  }
0x70: {  	s17 =	sadd.s32 $0x30, s14;
	s4 =	sadd.s32 $0xFFFFFFE0, s5;
	v8 =	vld.idx.msk [tilespmem:v2+s13+$0x0], $0xffff  }
0x71: {  	s18 =	sand.u32 $0x70, s17;
	s19 =	sand.u32 $0x1FF00, s4;
	v9 =	vld.idx.msk [tilespmem:v7+s15+$0x0], $0xffff  }
0x72: {  	v2 =	vld [tilespmem:s0+$0xEF00];
	s0 =	sor.u32 s18, s19  }
0x73: {  	v11 =	vld [tilespmem:s0+$0xEE80]  }
0x74: {  	s20 =	sadd.s32 $0x50, s14;
	v4 =	vld [tilespmem:s0+$0xEF00]  }
0x75: {  	s21 =	sadd.s32 $0x40, s20;
	s2 =	sadd.s32 $0xA0, s5;
	v6 =	vld.idx.msk [tilespmem:v6+s13+$0x0], $0xffff  }
0x76: {  	s22 =	sand.u32 $0x1FF00, s2;
	s0 =	sand.u32 $0x70, s21;
	v5 =	vld.idx.msk [tilespmem:v5+s13+$0x0], $0xffff;
	v8 =	vadd.f32 v9, v8  }
0x77: {  	s0 =	sor.u32 s0, s22;
	v10 =	vld.idx.msk [tilespmem:v10+s13+$0x0], $0xffff  }
0x78: {  	v14 =	vld [tilespmem:s0+$0xEE80];
	v12 =	vmul.f32 $2.000000030e-01, v8  }
0x79: {  	v9 =	vld.idx.msk [tilespmem:v1+s15+$0x0], $0xffff;
	vm0 =	vge.f32 v8, $0.0e+00  }
0x7a: {  	v13 =	vld.idx.msk [tilespmem:v2+s15+$0x0], $0xffff;
	v8 =	vsel vm0, v8, v12  }
0x7b: {  	v12 =	vld.idx.msk [tilespmem:v3+s15+$0x0], $0xffff;
	v8 =	vmul.f32 $1.442695020e+00, v8  }
0x7c: {  	v11 =	vld.idx.msk [tilespmem:v11+s13+$0x0], $0xffff  }
0x7d: {  	(erf) = vpow2.f32 v8;
	v8 =	vld.idx.msk [tilespmem:v4+s15+$0x0], $0xffff;
	_ =	sdelay $0x1  }
0x7e: {  	v6 =	vadd.f32 v9, v6  }
0x7f: {  	s23 =	sadd.s32 $0x10, s20;
	s24 =	sadd.s32 $0xFFFFFFA0, s2;
	v9 =	vadd.f32 v13, v5;
	v10 =	vadd.f32 v12, v10  }
0x80: {  	s3 =	sand.u32 $0x70, s23;
	s4 =	sand.u32 $0x1FF00, s24;
	vm12 =	vge.f32 v6, $0.0e+00;
	v5 =	vld [tilespmem:s0+$0xEF00];
	v13 =	vmul.f32 $2.000000030e-01, v6  }
0x81: {  	s25 =	sadd.s32 $0xFFFFFF80, s2;
	s3 =	sor.u32 s3, s4;
	v12 =	vmul.f32 $2.000000030e-01, v9;
	v8 =	vadd.f32 v8, v11;
	v11 =	vmul.f32 $2.000000030e-01, v10  }
0x82: {  	s26 =	sand.u32 $0x70, s20;
	v15 =	vld [tilespmem:s3+$0xEE80];
	s0 =	sand.u32 $0xFF00, s25;
	vm1 =	vge.f32 v9, $0.0e+00;
	v6 =	vsel vm12, v6, v13;
	vm13 =	vge.f32 v10, $0.0e+00  }
0x83: {  	v14 =	vld.idx.msk [tilespmem:v14+s13+$0x0], $0xffff;
	s0 =	sor.u32 s26, s0;
	v13 =	vmul.f32 $1.442695020e+00, v6;
	v9 =	vsel vm1, v9, v12;
	v16 =	vmul.f32 $2.000000030e-01, v8  }
0x84: {  	v6 =	vld [tilespmem:s0+$0xEF00];
	v9 =	vmul.f32 $1.442695020e+00, v9;
	v10 =	vsel vm13, v10, v11;
	vm14 =	vge.f32 v8, $0.0e+00  }
0x85: {  	s5 =	simm.s32 $0xA020;
	v12 =	vld [tilespmem:s0+$0xEE80];
	v10 =	vmul.f32 $1.442695020e+00, v10;
	v11 =	vpop (erf);
	v8 =	vsel vm14, v8, v16;
	(erf) = vpow2.f32 v13  }
0x86: {  	s28 =	sadd.s32 $0x20, s20;
	s29 =	sadd.s32 $0xFFFFFFC0, s2;
	[tilespmem:s5+$0x20] =	vst v11;
	v8 =	vmul.f32 $1.442695020e+00, v8;
	(erf) = vpow2.f32 v9;
	v9 =	vld [tilespmem:s3+$0xEF00]  }
0x87: {  	s4 =	sand.u32 $0x1FF00, s29;
	s0 =	sand.u32 $0x70, s28;
	[tilespmem:v7+s16+$0x0] =	vst.idx.add.f32.msk $0xffff, v11;
	(erf) = vpow2.f32 v10  }
0x88: {  	s6 =	sadd.s32 $0x30, s20;
	s7 =	sadd.s32 $0xFFFFFFE0, s2;
	s0 =	sor.u32 s0, s4;
	v11 =	vld.idx.msk [tilespmem:v5+s15+$0x0], $0xffff;
	(erf) = vpow2.f32 v8  }
0x89: {  	s30 =	sand.u32 $0x70, s6;
	s31 =	sand.u32 $0x1FF00, s7;
	v10 =	vld [tilespmem:s0+$0xEE80]  }
0x8a: {  	s3 =	sor.u32 s30, s31;
	v8 =	vld [tilespmem:s0+$0xEF00]  }
0x8b: {  	v18 =	vld [tilespmem:s3+$0xEE80]  }
0x8c: {  	v7 =	vld [tilespmem:s3+$0xEF00]  }
0x8d: {  	v20 =	vld.idx.msk [tilespmem:v6+s15+$0x0], $0xffff;
	v19 =	vadd.f32 v11, v14  }
0x8e: {  	v16 =	vld.idx.msk [tilespmem:v12+s13+$0x0], $0xffff;
	v13 =	vpop (erf)  }
0x8f: {  	v14 =	vld.idx.msk [tilespmem:v15+s13+$0x0], $0xffff;
	v21 =	vmul.f32 $2.000000030e-01, v19;
	[tilespmem:s5+$0xFFFFFFE0] =	vst v13;
	v12 =	vpop (erf)  }
0x90: {  	v17 =	vld.idx.msk [tilespmem:v9+s15+$0x0], $0xffff;
	vm15 =	vge.f32 v19, $0.0e+00;
	[tilespmem:s5+$0xFFFFFFF0] =	vst v12;
	v11 =	vpop (erf)  }
0x91: {  	v15 =	vld.idx.msk [tilespmem:v10+s13+$0x0], $0xffff;
	v21 =	vsel vm15, v19, v21;
	[tilespmem:s5+$0x0] =	vst v11;
	v10 =	vpop (erf)  }
0x92: {  	s6 =	sadd.s32 $0x50, s20;
	s0 =	simm.s32 $0x5;
	v19 =	vld.idx.msk [tilespmem:v8+s15+$0x0], $0xffff;
	v21 =	vmul.f32 $1.442695020e+00, v21;
	[tilespmem:s5+$0x10] =	vst v10  }
.LBB2_4:
0x93: {  	s1 =	sadd.s32 $0x10, s6;
	s3 =	sadd.s32 $0x40, s6;
	v18 =	vld.idx.msk [tilespmem:v18+s13+$0x0], $0xffff;
	s2 =	sadd.s32 $0xA0, s2  }
0x94: {  	v16 =	vadd.f32 v20, v16;
	s4 =	sadd.s32 $0xFFFFFF80, s2;
	s3 =	sand.u32 $0x70, s3;
	s7 =	sand.u32 $0x1FF00, s2;
	v20 =	vld.idx.msk [tilespmem:v7+s15+$0x0], $0xffff;
	(erf) = vpow2.f32 v21  }
0x95: {  	s9 =	sadd.s32 $0x20, s6;
	s8 =	sadd.s32 $0xFFFFFFA0, s2;
	s3 =	sor.u32 s3, s7;
	[tilespmem:v1+s16+$0x0] =	vst.idx.add.f32.msk $0xffff, v13;
	v1 =	vmov v6  }
0x96: {  	s10 =	sadd.s32 $0x30, s6;
	s0 =	sadd.s32 $0x5, s0;
	s7 =	sadd.s32 $0xFFFFFFC0, s2;
	vm0 =	vge.f32 v16, $0.0e+00;
	v6 =	vmul.f32 $2.000000030e-01, v16;
	v14 =	vadd.f32 v17, v14;
	v13 =	vld [tilespmem:s3+$0xEE80]  }
0x97: {  	s11 =	sadd.s32 $0xFFFFFFE0, s2;
	p2 =	slt.u32 s0, $0x26C;
	s4 =	sand.u32 $0xFF00, s4;
	[tilespmem:v2+s16+$0x0] =	vst.idx.add.f32.msk $0xffff, v12;
	v2 =	vmov v9  }
0x98: {  	s1 =	sand.u32 $0x70, s1;
	s9 =	sand.u32 $0x70, s9;
	s8 =	sand.u32 $0x1FF00, s8;
	vm1 =	vge.f32 v14, $0.0e+00;
	v12 =	vmul.f32 $2.000000030e-01, v14;
	v15 =	vadd.f32 v19, v15;
	v9 =	vld [tilespmem:s3+$0xEF00]  }
0x99: {  	v6 =	vsel vm0, v16, v6;
	s3 =	sand.u32 $0x1FF00, s7;
	s7 =	sand.u32 $0x70, s10;
	s10 =	sand.u32 $0x1FF00, s11;
	[tilespmem:v3+s16+$0x0] =	vst.idx.add.f32.msk $0xffff, v11;
	v3 =	vmov v8  }
0x9a: {  	s1 =	sor.u32 s1, s8;
	s11 =	sand.u32 $0x70, s6;
	s3 =	sor.u32 s9, s3;
	vm0 =	vge.f32 v15, $0.0e+00;
	v8 =	vmul.f32 $2.000000030e-01, v15;
	v11 =	vadd.f32 v20, v18;
	[tilespmem:v4+s16+$0x0] =	vst.idx.add.f32.msk $0xffff, v10;
	v4 =	vmovc v7  }
0x9b: {  	s4 =	sor.u32 s11, s4;
	s7 =	sor.u32 s7, s10;
	v12 =	vsel vm1, v14, v12;
	v7 =	vmul.f32 $1.442695020e+00, v6;
	v10 =	vld [tilespmem:s1+$0xEE80]  }
0x9c: {  	v8 =	vsel vm0, v15, v8;
	vm0 =	vge.f32 v11, $0.0e+00;
	v15 =	vmul.f32 $2.000000030e-01, v11;
	v14 =	vld [tilespmem:s4+$0xEE80]  }
0x9d: {  	s5 =	sadd.s32 $0x50, s5;
	v12 =	vmul.f32 $1.442695020e+00, v12;
	v8 =	vmul.f32 $1.442695020e+00, v8;
	v6 =	vld [tilespmem:s4+$0xEF00];
	v16 =	vpop (erf)  }
0x9e: {  	v11 =	vsel vm0, v11, v15;
	v13 =	vld.idx.msk [tilespmem:v13+s13+$0x0], $0xffff;
	[tilespmem:s5+$0x20] =	vst v16;
	(erf) = vpow2.f32 v7  }
0x9f: {  	v7 =	vmul.f32 $1.442695020e+00, v11;
	[tilespmem:v5+s16+$0x0] =	vst.idx.add.f32.msk $0xffff, v16;
	(erf) = vpow2.f32 v12;
	v5 =	vmov v9  }
0xa0: {  	v11 =	vld.idx.msk [tilespmem:v9+s15+$0x0], $0xffff;
	(erf) = vpow2.f32 v8  }
0xa1: {  	v9 =	vld [tilespmem:s1+$0xEF00];
	(erf) = vpow2.f32 v7  }
0xa2: {  	v15 =	vld [tilespmem:s3+$0xEE80]  }
0xa3: {  	v8 =	vld [tilespmem:s3+$0xEF00]  }
0xa4: {  	v18 =	vld [tilespmem:s7+$0xEE80]  }
0xa5: {  	v7 =	vld [tilespmem:s7+$0xEF00]  }
0xa6: {  	v19 =	vadd.f32 v11, v13;
	v16 =	vld.idx.msk [tilespmem:v14+s13+$0x0], $0xffff  }
.Ltmp1:
0xa7: {  	v20 =	vld.idx.msk [tilespmem:v6+s15+$0x0], $0xffff;
	v13 =	vpop (erf);
	(pc) =	sbr.rel @p2 .LBB2_4-.Ltmp1, $4  }
0xa8: {  	v22 =	vmul.f32 $2.000000030e-01, v19;
	v14 =	vld.idx.msk [tilespmem:v10+s13+$0x0], $0xffff;
	[tilespmem:s5+$0xFFFFFFE0] =	vst v13;
	v12 =	vpop (erf)  }
0xa9: {  	vm0 =	vge.f32 v19, $0.0e+00;
	v17 =	vld.idx.msk [tilespmem:v9+s15+$0x0], $0xffff;
	[tilespmem:s5+$0xFFFFFFF0] =	vst v12;
	v11 =	vpop (erf)  }
0xaa: {  	v21 =	vsel vm0, v19, v22;
	v15 =	vld.idx.msk [tilespmem:v15+s13+$0x0], $0xffff;
	[tilespmem:s5+$0x0] =	vst v11;
	v10 =	vpop (erf)  }
0xab: {  	s6 =	sadd.s32 $0x50, s6;
	v21 =	vmul.f32 $1.442695020e+00, v21;
	v19 =	vld.idx.msk [tilespmem:v8+s15+$0x0], $0xffff;
	[tilespmem:s5+$0x10] =	vst v10  }
0xac: {  	_ =	sdelay $0x3  }
0xad: {  	v18 =	vld.idx.msk [tilespmem:v18+s13+$0x0], $0xffff  }
0xae: {  	v22 =	vld.idx.msk [tilespmem:v7+s15+$0x0], $0xffff  }
0xaf: {  	v16 =	vadd.f32 v20, v16;
	_ =	sdelay $0x1  }
0xb0: {  	v14 =	vadd.f32 v17, v14;
	v17 =	vmul.f32 $2.000000030e-01, v16  }
0xb1: {  	vm0 =	vge.f32 v16, $0.0e+00;
	v15 =	vadd.f32 v19, v15  }
0xb2: {  	v19 =	vmul.f32 $2.000000030e-01, v14;
	v16 =	vsel vm0, v16, v17;
	v18 =	vadd.f32 v22, v18  }
0xb3: {  	(erf) = vpow2.f32 v21;
	vm1 =	vge.f32 v14, $0.0e+00;
	v16 =	vmul.f32 $1.442695020e+00, v16  }
0xb4: {  	v17 =	vmul.f32 $2.000000030e-01, v15;
	v14 =	vsel vm1, v14, v19;
	v19 =	vmul.f32 $2.000000030e-01, v18  }
0xb5: {  	vm8 =	vge.f32 v15, $0.0e+00;
	v14 =	vmul.f32 $1.442695020e+00, v14;
	(erf) = vpow2.f32 v16  }
0xb6: {  	vm9 =	vge.f32 v18, $0.0e+00;
	v15 =	vsel vm8, v15, v17  }
0xb7: {  	v15 =	vmul.f32 $1.442695020e+00, v15;
	v17 =	vsel vm9, v18, v19;
	(erf) = vpow2.f32 v14  }
0xb8: {  	v16 =	vmul.f32 $1.442695020e+00, v17  }
0xb9: {  	[tilespmem:v1+s16+$0x0] =	vst.idx.add.f32.msk $0xffff, v13;
	(erf) = vpow2.f32 v15  }
0xba: {  	[tilespmem:v2+s16+$0x0] =	vst.idx.add.f32.msk $0xffff, v12;
	(erf) = vpow2.f32 v16  }
0xbb: {  	[tilespmem:v3+s16+$0x0] =	vst.idx.add.f32.msk $0xffff, v11  }
0xbc: {  	[tilespmem:v4+s16+$0x0] =	vst.idx.add.f32.msk $0xffff, v10;
	s0 =	sadd.s32 $0x50, s5;
	v1 =	vpop (erf)  }
0xbd: {  	[tilespmem:s0+$0x20] =	vst v1  }
0xbe: {  	[tilespmem:v5+s16+$0x0] =	vst.idx.add.f32.msk $0xffff, v1;
	v1 =	vpop (erf)  }
0xbf: {  	[tilespmem:s0+$0xFFFFFFE0] =	vst v1  }
0xc0: {  	v2 =	vpop (erf);
	[tilespmem:v6+s16+$0x0] =	vst.idx.add.f32.msk $0xffff, v1  }
0xc1: {  	[tilespmem:s0+$0xFFFFFFF0] =	vst v2  }
0xc2: {  	v3 =	vpop (erf);
	[tilespmem:v9+s16+$0x0] =	vst.idx.add.f32.msk $0xffff, v2  }
0xc3: {  	[tilespmem:s0+$0x0] =	vst v3;
	v4 =	vpop (erf)  }
0xc4: {  	[tilespmem:s0+$0x10] =	vst v4  }
0xc5: {  	[tilespmem:v8+s16+$0x0] =	vst.idx.add.f32.msk $0xffff, v3  }
0xc6: {  	s2 =	simm.s32 $0x2;
	[tilespmem:v7+s16+$0x0] =	vst.idx.add.f32.msk $0xffff, v4  }
0xc7: {  	_ =	swait.ge [sflag:s2], $0x4E00  }
0xc8: {  	s31 =	sld [smem:$0x7FB];
	_ =	sdelay $0x2  }
0xc9: {  	s6 =	sadd.s32 $0x40, s31  }
0xca: {  	s0 =	sand.u32 $0x70, s6;
	s6 =	sld [smem:$0x7FC];
	_ =	sdelay $0x2  }
0xcb: {  	[sflag:s2] =	ssyncset.done $0x0;
	s1 =	sand.u32 $0x3FF00, s6  }
0xcc: {  	[sflag:s2] =	ssyncadd.s32 $0xFFFFB200;
	s0 =	sor.u32 s0, s1  }
0xcd: {  	s9 =	sadd.s32 $0xFFFFFF80, s6;
	v2 =	vld [tilespmem:s0+$0xEE80]  }
0xce: {  	s7 =	sadd.s32 $0x10, s31;
	s3 =	sand.u32 $0x70, s31;
	s2 =	sand.u32 $0x1FF00, s9;
	v7 =	vld [tilespmem:s0+$0xEF00]  }
0xcf: {  	s11 =	sadd.s32 $0x20, s31;
	s8 =	sadd.s32 $0xFFFFFFA0, s6;
	s10 =	sor.u32 s3, s2  }
0xd0: {  	s14 =	sadd.s32 $0xFFFFFFC0, s6;
	s1 =	sand.u32 $0x3FF00, s8;
	s0 =	sand.u32 $0x70, s7;
	v6 =	vld [tilespmem:s10+$0xEE80]  }
0xd1: {  	s2 =	sand.u32 $0x3FF00, s14;
	s0 =	sor.u32 s0, s1;
	v1 =	vld [tilespmem:s10+$0xEF00];
	s1 =	sand.u32 $0x70, s11  }
0xd2: {  	v5 =	vld [tilespmem:s0+$0xEE80];
	s1 =	sor.u32 s1, s2  }
0xd3: {  	v10 =	vld [tilespmem:s1+$0xEE80]  }
0xd4: {  	v3 =	vld [tilespmem:s1+$0xEF00]  }
0xd5: {  	s17 =	sadd.s32 $0x30, s31;
	s4 =	sadd.s32 $0xFFFFFFE0, s6;
	v8 =	vld.idx.msk [tilespmem:v2+s13+$0x0], $0xffff  }
0xd6: {  	s18 =	sand.u32 $0x70, s17;
	s19 =	sand.u32 $0x3FF00, s4;
	v9 =	vld.idx.msk [tilespmem:v7+s15+$0x0], $0xffff  }
0xd7: {  	v2 =	vld [tilespmem:s0+$0xEF00];
	s0 =	sor.u32 s18, s19  }
0xd8: {  	v11 =	vld [tilespmem:s0+$0xEE80]  }
0xd9: {  	s20 =	sadd.s32 $0x50, s31;
	v4 =	vld [tilespmem:s0+$0xEF00]  }
0xda: {  	s21 =	sadd.s32 $0x40, s20;
	s2 =	sadd.s32 $0xA0, s6;
	v6 =	vld.idx.msk [tilespmem:v6+s13+$0x0], $0xffff  }
0xdb: {  	s22 =	sand.u32 $0x3FF00, s2;
	s0 =	sand.u32 $0x70, s21;
	v5 =	vld.idx.msk [tilespmem:v5+s13+$0x0], $0xffff;
	v8 =	vadd.f32 v9, v8  }
0xdc: {  	s0 =	sor.u32 s0, s22;
	v10 =	vld.idx.msk [tilespmem:v10+s13+$0x0], $0xffff  }
0xdd: {  	v14 =	vld [tilespmem:s0+$0xEE80];
	v12 =	vmul.f32 $2.000000030e-01, v8  }
0xde: {  	v9 =	vld.idx.msk [tilespmem:v1+s15+$0x0], $0xffff;
	vm10 =	vge.f32 v8, $0.0e+00  }
0xdf: {  	v13 =	vld.idx.msk [tilespmem:v2+s15+$0x0], $0xffff;
	v8 =	vsel vm10, v8, v12  }
0xe0: {  	v12 =	vld.idx.msk [tilespmem:v3+s15+$0x0], $0xffff;
	v8 =	vmul.f32 $1.442695020e+00, v8  }
0xe1: {  	v11 =	vld.idx.msk [tilespmem:v11+s13+$0x0], $0xffff  }
0xe2: {  	(erf) = vpow2.f32 v8;
	v8 =	vld.idx.msk [tilespmem:v4+s15+$0x0], $0xffff;
	_ =	sdelay $0x1  }
0xe3: {  	v6 =	vadd.f32 v9, v6  }
0xe4: {  	s23 =	sadd.s32 $0x10, s20;
	s24 =	sadd.s32 $0xFFFFFFA0, s2;
	v9 =	vadd.f32 v13, v5;
	v10 =	vadd.f32 v12, v10  }
0xe5: {  	s3 =	sand.u32 $0x70, s23;
	s4 =	sand.u32 $0x3FF00, s24;
	vm11 =	vge.f32 v6, $0.0e+00;
	v5 =	vld [tilespmem:s0+$0xEF00];
	v13 =	vmul.f32 $2.000000030e-01, v6  }
0xe6: {  	s25 =	sadd.s32 $0xFFFFFF80, s2;
	s3 =	sor.u32 s3, s4;
	v12 =	vmul.f32 $2.000000030e-01, v9;
	v8 =	vadd.f32 v8, v11;
	v11 =	vmul.f32 $2.000000030e-01, v10  }
0xe7: {  	s5 =	sand.u32 $0x70, s20;
	v15 =	vld [tilespmem:s3+$0xEE80];
	s0 =	sand.u32 $0x1FF00, s25;
	vm12 =	vge.f32 v9, $0.0e+00;
	v6 =	vsel vm11, v6, v13;
	vm13 =	vge.f32 v10, $0.0e+00  }
0xe8: {  	v14 =	vld.idx.msk [tilespmem:v14+s13+$0x0], $0xffff;
	s0 =	sor.u32 s5, s0;
	v13 =	vmul.f32 $1.442695020e+00, v6;
	v9 =	vsel vm12, v9, v12;
	v16 =	vmul.f32 $2.000000030e-01, v8  }
0xe9: {  	v6 =	vld [tilespmem:s0+$0xEF00];
	v9 =	vmul.f32 $1.442695020e+00, v9;
	v10 =	vsel vm13, v10, v11;
	vm14 =	vge.f32 v8, $0.0e+00  }
0xea: {  	s5 =	simm.s32 $0xC750;
	v12 =	vld [tilespmem:s0+$0xEE80];
	(erf) = vpow2.f32 v13;
	v10 =	vmul.f32 $1.442695020e+00, v10;
	v11 =	vpop (erf);
	v8 =	vsel vm14, v8, v16  }
0xeb: {  	s26 =	sadd.s32 $0x20, s20;
	s28 =	sadd.s32 $0xFFFFFFC0, s2;
	(erf) = vpow2.f32 v9;
	v9 =	vld [tilespmem:s3+$0xEF00];
	[tilespmem:s5+$0x0] =	vst v11;
	v8 =	vmul.f32 $1.442695020e+00, v8  }
0xec: {  	s4 =	sand.u32 $0x3FF00, s28;
	s0 =	sand.u32 $0x70, s26;
	(erf) = vpow2.f32 v10;
	[tilespmem:v7+s16+$0x0] =	vst.idx.add.f32.msk $0xffff, v11  }
0xed: {  	s29 =	sadd.s32 $0x30, s20;
	s7 =	sadd.s32 $0xFFFFFFE0, s2;
	s0 =	sor.u32 s0, s4;
	v11 =	vld.idx.msk [tilespmem:v5+s15+$0x0], $0xffff;
	(erf) = vpow2.f32 v8  }
0xee: {  	s30 =	sand.u32 $0x70, s29;
	s31 =	sand.u32 $0x3FF00, s7;
	v10 =	vld [tilespmem:s0+$0xEE80]  }
0xef: {  	s3 =	sor.u32 s30, s31;
	v8 =	vld [tilespmem:s0+$0xEF00]  }
0xf0: {  	v18 =	vld [tilespmem:s3+$0xEE80]  }
0xf1: {  	v7 =	vld [tilespmem:s3+$0xEF00]  }
0xf2: {  	v20 =	vld.idx.msk [tilespmem:v6+s15+$0x0], $0xffff;
	v19 =	vadd.f32 v11, v14  }
0xf3: {  	v16 =	vld.idx.msk [tilespmem:v12+s13+$0x0], $0xffff;
	v13 =	vpop (erf)  }
0xf4: {  	v14 =	vld.idx.msk [tilespmem:v15+s13+$0x0], $0xffff;
	[tilespmem:s5+$0xFFFFFFC0] =	vst v13;
	v12 =	vpop (erf);
	v21 =	vmul.f32 $2.000000030e-01, v19  }
0xf5: {  	v17 =	vld.idx.msk [tilespmem:v9+s15+$0x0], $0xffff;
	vm15 =	vge.f32 v19, $0.0e+00;
	[tilespmem:s5+$0xFFFFFFD0] =	vst v12;
	v11 =	vpop (erf)  }
0xf6: {  	v15 =	vld.idx.msk [tilespmem:v10+s13+$0x0], $0xffff;
	v21 =	vsel vm15, v19, v21;
	[tilespmem:s5+$0xFFFFFFE0] =	vst v11;
	v10 =	vpop (erf)  }
0xf7: {  	s6 =	sadd.s32 $0x50, s20;
	s0 =	simm.s32 $0x276;
	v19 =	vld.idx.msk [tilespmem:v8+s15+$0x0], $0xffff;
	v21 =	vmul.f32 $1.442695020e+00, v21;
	[tilespmem:s5+$0xFFFFFFF0] =	vst v10  }
.LBB2_6:
0xf8: {  	s1 =	sadd.s32 $0x10, s6;
	s3 =	sadd.s32 $0x40, s6;
	v18 =	vld.idx.msk [tilespmem:v18+s13+$0x0], $0xffff;
	s2 =	sadd.s32 $0xA0, s2  }
0xf9: {  	v16 =	vadd.f32 v20, v16;
	s4 =	sadd.s32 $0xFFFFFF80, s2;
	s3 =	sand.u32 $0x70, s3;
	s7 =	sand.u32 $0x3FF00, s2;
	v20 =	vld.idx.msk [tilespmem:v7+s15+$0x0], $0xffff;
	(erf) = vpow2.f32 v21  }
0xfa: {  	s9 =	sadd.s32 $0x20, s6;
	s8 =	sadd.s32 $0xFFFFFFA0, s2;
	s3 =	sor.u32 s3, s7;
	[tilespmem:v1+s16+$0x0] =	vst.idx.add.f32.msk $0xffff, v13;
	v1 =	vmov v6  }
0xfb: {  	s10 =	sadd.s32 $0x30, s6;
	s0 =	sadd.s32 $0x5, s0;
	s7 =	sadd.s32 $0xFFFFFFC0, s2;
	vm0 =	vge.f32 v16, $0.0e+00;
	v6 =	vmul.f32 $2.000000030e-01, v16;
	v14 =	vadd.f32 v17, v14;
	v13 =	vld [tilespmem:s3+$0xEE80]  }
0xfc: {  	s11 =	sadd.s32 $0xFFFFFFE0, s2;
	p2 =	slt.u32 s0, $0x4DD;
	s4 =	sand.u32 $0x1FF00, s4;
	[tilespmem:v2+s16+$0x0] =	vst.idx.add.f32.msk $0xffff, v12;
	v2 =	vmov v9  }
0xfd: {  	s1 =	sand.u32 $0x70, s1;
	s9 =	sand.u32 $0x70, s9;
	s8 =	sand.u32 $0x3FF00, s8;
	vm1 =	vge.f32 v14, $0.0e+00;
	v12 =	vmul.f32 $2.000000030e-01, v14;
	v15 =	vadd.f32 v19, v15;
	v9 =	vld [tilespmem:s3+$0xEF00]  }
0xfe: {  	v6 =	vsel vm0, v16, v6;
	s3 =	sand.u32 $0x3FF00, s7;
	s7 =	sand.u32 $0x70, s10;
	s10 =	sand.u32 $0x3FF00, s11;
	[tilespmem:v3+s16+$0x0] =	vst.idx.add.f32.msk $0xffff, v11;
	v3 =	vmov v8  }
0xff: {  	s1 =	sor.u32 s1, s8;
	s11 =	sand.u32 $0x70, s6;
	s3 =	sor.u32 s9, s3;
	vm0 =	vge.f32 v15, $0.0e+00;
	v8 =	vmul.f32 $2.000000030e-01, v15;
	v11 =	vadd.f32 v20, v18;
	[tilespmem:v4+s16+$0x0] =	vst.idx.add.f32.msk $0xffff, v10;
	v4 =	vmovc v7  }
0x100: {  	s4 =	sor.u32 s11, s4;
	s7 =	sor.u32 s7, s10;
	v12 =	vsel vm1, v14, v12;
	v7 =	vmul.f32 $1.442695020e+00, v6;
	v10 =	vld [tilespmem:s1+$0xEE80]  }
0x101: {  	v8 =	vsel vm0, v15, v8;
	vm0 =	vge.f32 v11, $0.0e+00;
	v15 =	vmul.f32 $2.000000030e-01, v11;
	v14 =	vld [tilespmem:s4+$0xEE80]  }
0x102: {  	s5 =	sadd.s32 $0x50, s5;
	v12 =	vmul.f32 $1.442695020e+00, v12;
	v8 =	vmul.f32 $1.442695020e+00, v8;
	v6 =	vld [tilespmem:s4+$0xEF00];
	v16 =	vpop (erf)  }
0x103: {  	v11 =	vsel vm0, v11, v15;
	v13 =	vld.idx.msk [tilespmem:v13+s13+$0x0], $0xffff;
	[tilespmem:s5+$0x0] =	vst v16;
	(erf) = vpow2.f32 v7  }
0x104: {  	v7 =	vmul.f32 $1.442695020e+00, v11;
	[tilespmem:v5+s16+$0x0] =	vst.idx.add.f32.msk $0xffff, v16;
	(erf) = vpow2.f32 v12;
	v5 =	vmov v9  }
0x105: {  	v11 =	vld.idx.msk [tilespmem:v9+s15+$0x0], $0xffff;
	(erf) = vpow2.f32 v8  }
0x106: {  	v9 =	vld [tilespmem:s1+$0xEF00];
	(erf) = vpow2.f32 v7  }
0x107: {  	v15 =	vld [tilespmem:s3+$0xEE80]  }
0x108: {  	v8 =	vld [tilespmem:s3+$0xEF00]  }
0x109: {  	v18 =	vld [tilespmem:s7+$0xEE80]  }
0x10a: {  	v7 =	vld [tilespmem:s7+$0xEF00]  }
0x10b: {  	v19 =	vadd.f32 v11, v13;
	v16 =	vld.idx.msk [tilespmem:v14+s13+$0x0], $0xffff  }
.Ltmp2:
0x10c: {  	v20 =	vld.idx.msk [tilespmem:v6+s15+$0x0], $0xffff;
	v13 =	vpop (erf);
	(pc) =	sbr.rel @p2 .LBB2_6-.Ltmp2, $4  }
0x10d: {  	v22 =	vmul.f32 $2.000000030e-01, v19;
	v14 =	vld.idx.msk [tilespmem:v10+s13+$0x0], $0xffff;
	[tilespmem:s5+$0xFFFFFFC0] =	vst v13;
	v12 =	vpop (erf)  }
0x10e: {  	vm0 =	vge.f32 v19, $0.0e+00;
	v17 =	vld.idx.msk [tilespmem:v9+s15+$0x0], $0xffff;
	[tilespmem:s5+$0xFFFFFFD0] =	vst v12;
	v11 =	vpop (erf)  }
0x10f: {  	v21 =	vsel vm0, v19, v22;
	v15 =	vld.idx.msk [tilespmem:v15+s13+$0x0], $0xffff;
	[tilespmem:s5+$0xFFFFFFE0] =	vst v11;
	v10 =	vpop (erf)  }
0x110: {  	s6 =	sadd.s32 $0x50, s6;
	v21 =	vmul.f32 $1.442695020e+00, v21;
	v19 =	vld.idx.msk [tilespmem:v8+s15+$0x0], $0xffff;
	[tilespmem:s5+$0xFFFFFFF0] =	vst v10  }
0x111: {  	_ =	sdelay $0x3  }
0x112: {  	v18 =	vld.idx.msk [tilespmem:v18+s13+$0x0], $0xffff  }
0x113: {  	v22 =	vld.idx.msk [tilespmem:v7+s15+$0x0], $0xffff  }
0x114: {  	v16 =	vadd.f32 v20, v16;
	_ =	sdelay $0x1  }
0x115: {  	v14 =	vadd.f32 v17, v14;
	v23 =	vmul.f32 $2.000000030e-01, v16  }
0x116: {  	vm0 =	vge.f32 v16, $0.0e+00;
	v15 =	vadd.f32 v19, v15  }
0x117: {  	v24 =	vmul.f32 $2.000000030e-01, v14;
	v16 =	vsel vm0, v16, v23;
	v18 =	vadd.f32 v22, v18  }
0x118: {  	(erf) = vpow2.f32 v21;
	vm1 =	vge.f32 v14, $0.0e+00;
	v16 =	vmul.f32 $1.442695020e+00, v16  }
0x119: {  	v25 =	vmul.f32 $2.000000030e-01, v15;
	v14 =	vsel vm1, v14, v24;
	v26 =	vmul.f32 $2.000000030e-01, v18  }
0x11a: {  	vm14 =	vge.f32 v15, $0.0e+00;
	v14 =	vmul.f32 $1.442695020e+00, v14;
	(erf) = vpow2.f32 v16  }
0x11b: {  	vm15 =	vge.f32 v18, $0.0e+00;
	v15 =	vsel vm14, v15, v25  }
0x11c: {  	v15 =	vmul.f32 $1.442695020e+00, v15;
	v27 =	vsel vm15, v18, v26;
	(erf) = vpow2.f32 v14  }
0x11d: {  	v28 =	vmul.f32 $1.442695020e+00, v27  }
0x11e: {  	[tilespmem:v1+s16+$0x0] =	vst.idx.add.f32.msk $0xffff, v13;
	(erf) = vpow2.f32 v15  }
0x11f: {  	[tilespmem:v2+s16+$0x0] =	vst.idx.add.f32.msk $0xffff, v12;
	(erf) = vpow2.f32 v28  }
0x120: {  	[tilespmem:v3+s16+$0x0] =	vst.idx.add.f32.msk $0xffff, v11  }
0x121: {  	[tilespmem:v4+s16+$0x0] =	vst.idx.add.f32.msk $0xffff, v10;
	s0 =	sadd.s32 $0x50, s5;
	v1 =	vpop (erf)  }
0x122: {  	[tilespmem:s0+$0x0] =	vst v1  }
0x123: {  	[tilespmem:v5+s16+$0x0] =	vst.idx.add.f32.msk $0xffff, v1;
	v1 =	vpop (erf)  }
0x124: {  	[tilespmem:s0+$0xFFFFFFC0] =	vst v1  }
0x125: {  	v2 =	vpop (erf);
	[tilespmem:v6+s16+$0x0] =	vst.idx.add.f32.msk $0xffff, v1  }
0x126: {  	[tilespmem:s0+$0xFFFFFFD0] =	vst v2  }
0x127: {  	v3 =	vpop (erf);
	[tilespmem:v9+s16+$0x0] =	vst.idx.add.f32.msk $0xffff, v2  }
0x128: {  	[tilespmem:s0+$0xFFFFFFE0] =	vst v3;
	v4 =	vpop (erf)  }
0x129: {  	[tilespmem:s0+$0xFFFFFFF0] =	vst v4  }
0x12a: {  	[tilespmem:v8+s16+$0x0] =	vst.idx.add.f32.msk $0xffff, v3  }
0x12b: {  	[tilespmem:v7+s16+$0x0] =	vst.idx.add.f32.msk $0xffff, v4  }
0x12c: {  	s1 =	simm.s32 $0x80;
	s2 =	simm.s32 $0x400;
	s0 =	rddreg [dreg:$0x1c]  }
0x12d: {  	[spmem:s0] =	stream.strided.scatter [tilespmem:s16], [sflag:$0x3], $0x2800, s2, s1, $0x38;
	[tilespmem:$0x1E080] =	vst v63  }
0x12e: {  	_ =	swait.ge [sflag:s12], $0x2800  }
0x12f: {  	[sflag:s12] =	ssyncset.done $0x0  }
0x130: {  	[sflag:s12] =	ssyncadd.s32 $0xFFFFD800  }
0x131: {  	s15 =	simm.s32 $0x1400;
	s3 =	simm.s32 $0x18B80;
	[bflag:$0x0] =	sbarrier.arrive $0xFFFF  }
0x132: {  	s6 =	simm.s32 $0x0;
	s16 =	simm.s32 $0x14000;
	s14 =	rddreg [dreg:$0x1d]  }
0x133: {  	[tilespmem:s3], [sflag:$0x3] =	stream.strided.gather [spmem:s14], $0x2800, s16, s15, $0x38;
	[tilespmem:$0x1E080] =	vst v63  }
0x134: {  	s17 =	sand.u32 $0x1C00, s6;
	s0 =	sand.u32 $0x40, s6;
	_ =	swait.ge [sflag:s12], $0x2800  }
0x135: {  	s18 =	sadd.s32 $0x18B80, s17;
	s2 =	sor.u32 $0x30, s0;
	[sflag:s12] =	ssyncset.done $0x0  }
0x136: {  	s4 =	sor.u32 s2, s18;
	[sflag:s12] =	ssyncadd.s32 $0xFFFFD800  }
0x137: {  	v10 =	vld [tilespmem:s4+$0x0]  }
0x138: {  	s8 =	sor.u32 s0, s18;
	v11 =	vld [tilespmem:s4+$0x80]  }
0x139: {  	v12 =	vld [tilespmem:s8+$0x0]  }
0x13a: {  	v13 =	vld [tilespmem:s4+$0x100]  }
0x13b: {  	s7 =	sor.u32 $0x10, s0;
	v14 =	vld [tilespmem:s8+$0x80]  }
0x13c: {  	s9 =	sor.u32 s7, s18;
	v15 =	vld [tilespmem:s4+$0x180]  }
0x13d: {  	v16 =	vld [tilespmem:s9+$0x0]  }
0x13e: {  	v17 =	vld [tilespmem:s4+$0x200]  }
0x13f: {  	s5 =	sor.u32 $0x20, s0;
	v18 =	vld [tilespmem:s9+$0x80]  }
0x140: {  	s3 =	sor.u32 s5, s18;
	v19 =	vld [tilespmem:s4+$0x280]  }
0x141: {  	v20 =	vld [tilespmem:s3+$0x0]  }
0x142: {  	v21 =	vld [tilespmem:s4+$0x300]  }
0x143: {  	v22 =	vld [tilespmem:s3+$0x80]  }
0x144: {  	s10 =	sadd.s32 $0x19F80, s17;
	v9 =	vld [tilespmem:s4+$0x380]  }
0x145: {  	s19 =	sor.u32 s2, s10;
	v23 =	vld [tilespmem:s8+$0x100]  }
0x146: {  	s11 =	sor.u32 $0x1A000, s17;
	v7 =	vld [tilespmem:s19+$0x0]  }
0x147: {  	s20 =	sor.u32 s2, s11;
	v24 =	vld [tilespmem:s9+$0x100]  }
0x148: {  	s21 =	sor.u32 $0x1A080, s17;
	v4 =	vld [tilespmem:s20+$0x0]  }
0x149: {  	s22 =	sor.u32 s2, s21;
	s15 =	sor.u32 $0x1A200, s17;
	v25 =	vld [tilespmem:s3+$0x100]  }
0x14a: {  	s25 =	sor.u32 s2, s15;
	v8 =	vld [tilespmem:s22+$0x0]  }
0x14b: {  	s13 =	sor.u32 $0x1A100, s17;
	v1 =	vld [tilespmem:s25+$0x0]  }
0x14c: {  	s23 =	sor.u32 s2, s13;
	v26 =	vld [tilespmem:s8+$0x180]  }
0x14d: {  	s14 =	sor.u32 $0x1A180, s17;
	v6 =	vld [tilespmem:s23+$0x0]  }
0x14e: {  	s24 =	sor.u32 s2, s14;
	v27 =	vld [tilespmem:s9+$0x180]  }
0x14f: {  	s16 =	sor.u32 $0x1A280, s17;
	v5 =	vld [tilespmem:s24+$0x0]  }
0x150: {  	s26 =	sor.u32 s2, s16;
	v28 =	vld [tilespmem:s3+$0x180];
	[tilespmem:$0x1FFD0] =	vst v1  }
0x151: {  	v1 =	vld [tilespmem:s26+$0x0];
	_ =	sdelay $0x3  }
0x152: {  	s1 =	sor.u32 $0x1A300, s17  }
0x153: {  	s28 =	sor.u32 s2, s1;
	v29 =	vld [tilespmem:s8+$0x200];
	[tilespmem:$0x1FFE0] =	vst v1  }
0x154: {  	v1 =	vld [tilespmem:s28+$0x0];
	_ =	sdelay $0x4  }
0x155: {  	v30 =	vld [tilespmem:s9+$0x200];
	[tilespmem:$0x1FFF0] =	vst v1  }
0x156: {  	v31 =	vld [tilespmem:s3+$0x200]  }
0x157: {  	v32 =	vld [tilespmem:s8+$0x280]  }
0x158: {  	v33 =	vld [tilespmem:s9+$0x280]  }
0x159: {  	v34 =	vld [tilespmem:s3+$0x280]  }
0x15a: {  	v35 =	vld [tilespmem:s8+$0x300]  }
0x15b: {  	v36 =	vld [tilespmem:s9+$0x300]  }
0x15c: {  	v37 =	vld [tilespmem:s3+$0x300]  }
0x15d: {  	v38 =	vld [tilespmem:s8+$0x380]  }
0x15e: {  	v39 =	vld [tilespmem:s9+$0x380]  }
0x15f: {  	s29 =	sor.u32 s0, s10;
	v40 =	vld [tilespmem:s3+$0x380]  }
0x160: {  	s31 =	sor.u32 s7, s10;
	v41 =	vld [tilespmem:s29+$0x0]  }
0x161: {  	s17 =	sor.u32 s5, s11;
	v42 =	vld [tilespmem:s31+$0x0]  }
0x162: {  	s18 =	sor.u32 s0, s21;
	v46 =	vld [tilespmem:s17+$0x0]  }
0x163: {  	s19 =	sor.u32 s7, s21;
	v47 =	vld [tilespmem:s18+$0x0]  }
0x164: {  	s20 =	sor.u32 s5, s21;
	v48 =	vld [tilespmem:s19+$0x0]  }
0x165: {  	s21 =	sor.u32 s0, s13;
	v49 =	vld [tilespmem:s20+$0x0]  }
0x166: {  	s22 =	sor.u32 s7, s13;
	v50 =	vld [tilespmem:s21+$0x0]  }
0x167: {  	s23 =	sor.u32 s5, s13;
	v51 =	vld [tilespmem:s22+$0x0]  }
0x168: {  	s24 =	sor.u32 s0, s14;
	v52 =	vld [tilespmem:s23+$0x0]  }
0x169: {  	s25 =	sor.u32 s7, s14;
	v53 =	vld [tilespmem:s24+$0x0]  }
0x16a: {  	s26 =	sor.u32 s5, s14;
	v54 =	vld [tilespmem:s25+$0x0]  }
0x16b: {  	s28 =	sor.u32 s0, s15;
	v55 =	vld [tilespmem:s26+$0x0]  }
0x16c: {  	s12 =	sor.u32 s7, s1;
	v10 =	vadd.f32 v11, v10;
	v56 =	vld [tilespmem:s28+$0x0]  }
0x16d: {  	s14 =	sor.u32 s5, s1;
	v63 =	vld [tilespmem:s12+$0x0]  }
0x16e: {  	v10 =	vadd.f32 v13, v10;
	s8 =	sor.u32 s5, s10;
	v3 =	vld [tilespmem:s14+$0x0]  }
0x16f: {  	s9 =	sor.u32 s0, s11;
	v43 =	vld [tilespmem:s8+$0x0]  }
0x170: {  	v10 =	vadd.f32 v15, v10;
	s10 =	sor.u32 s7, s11;
	v44 =	vld [tilespmem:s9+$0x0]  }
0x171: {  	s29 =	sor.u32 s7, s15;
	v45 =	vld [tilespmem:s10+$0x0]  }
0x172: {  	v10 =	vadd.f32 v17, v10;
	s31 =	sor.u32 s5, s15;
	v57 =	vld [tilespmem:s29+$0x0]  }
0x173: {  	s8 =	sor.u32 s0, s16;
	v58 =	vld [tilespmem:s31+$0x0]  }
0x174: {  	v16 =	vadd.f32 v18, v16;
	v10 =	vadd.f32 v19, v10;
	s11 =	simm.s32 $0x200;
	s9 =	sor.u32 s7, s16;
	v59 =	vld [tilespmem:s8+$0x0]  }
0x175: {  	s10 =	sor.u32 s5, s16;
	s13 =	sand.u32 $0x1C00, s11;
	v60 =	vld [tilespmem:s9+$0x0];
	s9 =	simm.s32 $0x40  }
0x176: {  	v16 =	vadd.f32 v24, v16;
	v10 =	vadd.f32 v21, v10;
	s0 =	sor.u32 s0, s1;
	v61 =	vld [tilespmem:s10+$0x0];
	s15 =	sadd.s32 $0x18B80, s13;
	s10 =	sand.u32 $0x40, s9  }
0x177: {  	v19 =	vadd.f32 v22, v20;
	v62 =	vld [tilespmem:s0+$0x0];
	s19 =	sor.u32 s10, s15  }
0x178: {  	v9 =	vadd.f32 v9, v10;
	v10 =	vadd.f32 v27, v16;
	v2 =	vld [tilespmem:s19+$0x0]  }
0x179: {  	v19 =	vadd.f32 v25, v19;
	v25 =	vld [tilespmem:s19+$0x80]  }
0x17a: {  	v30 =	vadd.f32 v30, v10;
	v27 =	vld [tilespmem:s19+$0x100]  }
0x17b: {  	v19 =	vadd.f32 v28, v19;
	s8 =	sor.u32 $0x30, s10;
	v28 =	vld [tilespmem:s19+$0x180]  }
0x17c: {  	s18 =	sor.u32 s8, s15;
	v24 =	vadd.f32 v33, v30;
	v30 =	vld [tilespmem:s19+$0x200]  }
0x17d: {  	v11 =	vld [tilespmem:s18+$0x0]  }
0x17e: {  	v13 =	vld [tilespmem:s18+$0x80]  }
0x17f: {  	v15 =	vld [tilespmem:s18+$0x100]  }
0x180: {  	v12 =	vadd.f32 v14, v12;
	v1 =	vld [tilespmem:s18+$0x180]  }
0x181: {  	v17 =	vld [tilespmem:s18+$0x200]  }
0x182: {  	v12 =	vadd.f32 v23, v12;
	v14 =	vld [tilespmem:s18+$0x280]  }
0x183: {  	s28 =	sadd.s32 $0x19F80, s13;
	v18 =	vld [tilespmem:s18+$0x300]  }
0x184: {  	v12 =	vadd.f32 v26, v12;
	s23 =	sor.u32 $0x1A000, s13;
	s20 =	sor.u32 s8, s28;
	v20 =	vld [tilespmem:s18+$0x380]  }
0x185: {  	s12 =	sor.u32 $0x1A080, s13;
	s21 =	sor.u32 s8, s23;
	v21 =	vld [tilespmem:s20+$0x0]  }
0x186: {  	v29 =	vadd.f32 v29, v12;
	s0 =	sor.u32 $0x1A100, s13;
	s22 =	sor.u32 s8, s12;
	v22 =	vld [tilespmem:s21+$0x0]  }
0x187: {  	v7 =	vadd.f32 v7, v9;
	s17 =	sor.u32 $0x1A200, s13;
	s24 =	sor.u32 s8, s0;
	v16 =	vld [tilespmem:s22+$0x0]  }
0x188: {  	s16 =	sor.u32 $0x1A280, s13;
	s26 =	sor.u32 s8, s17;
	v19 =	vadd.f32 v31, v19;
	v23 =	vadd.f32 v32, v29;
	v12 =	vld [tilespmem:s24+$0x0]  }
0x189: {  	s11 =	sor.u32 $0x1A300, s13;
	s29 =	sor.u32 s8, s16;
	v32 =	vadd.f32 v4, v7;
	v9 =	vld [tilespmem:s26+$0x0]  }
0x18a: {  	s31 =	sor.u32 s8, s11;
	v7 =	vld [tilespmem:s29+$0x0];
	v19 =	vadd.f32 v34, v19;
	v23 =	vadd.f32 v35, v23  }
0x18b: {  	s18 =	sor.u32 $0x1A180, s13;
	s13 =	sor.u32 $0x10, s10;
	v4 =	vld [tilespmem:s31+$0x0];
	v8 =	vadd.f32 v8, v32;
	v24 =	vadd.f32 v36, v24  }
0x18c: {  	s14 =	sor.u32 s13, s15;
	v32 =	vld [tilespmem:s19+$0x280];
	v19 =	vadd.f32 v37, v19;
	v23 =	vadd.f32 v38, v23  }
0x18d: {  	v26 =	vld [tilespmem:s14+$0x0];
	v6 =	vadd.f32 v6, v8;
	v8 =	vadd.f32 v39, v24  }
0x18e: {  	v37 =	vld [tilespmem:$0x1FFD0];
	v2 =	vadd.f32 v25, v2;
	v19 =	vadd.f32 v40, v19  }
0x18f: {  	s25 =	sor.u32 s8, s18;
	v24 =	vld [tilespmem:s14+$0x80];
	v23 =	vadd.f32 v41, v23;
	v5 =	vadd.f32 v5, v6  }
0x190: {  	v10 =	vld [tilespmem:s25+$0x0];
	v6 =	vadd.f32 v42, v8;
	v11 =	vadd.f32 v13, v11  }
0x191: {  	v38 =	vld [tilespmem:$0x1FFE0];
	v2 =	vadd.f32 v27, v2;
	v19 =	vadd.f32 v43, v19  }
0x192: {  	v8 =	vld [tilespmem:s14+$0x100];
	v23 =	vadd.f32 v44, v23;
	v6 =	vadd.f32 v45, v6  }
0x193: {  	v29 =	vld [tilespmem:s14+$0x180];
	v11 =	vadd.f32 v15, v11;
	v5 =	vadd.f32 v37, v5  }
0x194: {  	v31 =	vld [tilespmem:s14+$0x200];
	v24 =	vadd.f32 v24, v26;
	v2 =	vadd.f32 v28, v2  }
0x195: {  	v33 =	vld [tilespmem:s14+$0x280];
	v19 =	vadd.f32 v46, v19;
	v23 =	vadd.f32 v47, v23  }
0x196: {  	v39 =	vld [tilespmem:$0x1FFF0];
	v6 =	vadd.f32 v48, v6;
	v1 =	vadd.f32 v1, v11  }
0x197: {  	s24 =	sor.u32 $0x20, s10;
	v40 =	vld [tilespmem:s19+$0x300];
	v5 =	vadd.f32 v38, v5;
	v8 =	vadd.f32 v8, v24  }
0x198: {  	s1 =	sor.u32 s24, s15;
	v41 =	vld [tilespmem:s19+$0x380];
	v2 =	vadd.f32 v30, v2;
	v19 =	vadd.f32 v49, v19  }
0x199: {  	v46 =	vld [tilespmem:s1+$0x0];
	v23 =	vadd.f32 v50, v23;
	v6 =	vadd.f32 v51, v6  }
0x19a: {  	v11 =	vld [tilespmem:s1+$0x80];
	v1 =	vadd.f32 v17, v1;
	v19 =	vadd.f32 v52, v19  }
0x19b: {  	v42 =	vld [tilespmem:s14+$0x300];
	v5 =	vadd.f32 v39, v5;
	v8 =	vadd.f32 v29, v8  }
0x19c: {  	v43 =	vld [tilespmem:s14+$0x380];
	v2 =	vadd.f32 v32, v2;
	v19 =	vadd.f32 v55, v19  }
0x19d: {  	v47 =	vld [tilespmem:s1+$0x100];
	v23 =	vadd.f32 v53, v23;
	v6 =	vadd.f32 v54, v6  }
0x19e: {  	v48 =	vld [tilespmem:s1+$0x180];
	v1 =	vadd.f32 v14, v1;
	v44 =	vadd.f32 v58, v19  }
0x19f: {  	v49 =	vld [tilespmem:s1+$0x280];
	v11 =	vadd.f32 v11, v46;
	v8 =	vadd.f32 v31, v8  }
0x1a0: {  	v50 =	vld [tilespmem:s1+$0x300];
	v1 =	vadd.f32 v18, v1;
	v15 =	vadd.f32 v61, v44  }
0x1a1: {  	v51 =	vld [tilespmem:s1+$0x380];
	v2 =	vadd.f32 v40, v2;
	v23 =	vadd.f32 v56, v23  }
0x1a2: {  	s15 =	sor.u32 s10, s28;
	v1 =	vadd.f32 v20, v1;
	v15 =	vadd.f32 v3, v15;
	v3 =	vld [tilespmem:s1+$0x200]  }
0x1a3: {  	s19 =	sor.u32 s13, s28;
	v52 =	vld [tilespmem:s15+$0x0];
	v6 =	vadd.f32 v57, v6;
	v11 =	vadd.f32 v47, v11  }
0x1a4: {  	s20 =	sor.u32 s24, s28;
	v53 =	vld [tilespmem:s19+$0x0];
	v8 =	vadd.f32 v33, v8;
	v1 =	vadd.f32 v21, v1  }
0x1a5: {  	s21 =	sor.u32 s10, s23;
	v54 =	vld [tilespmem:s20+$0x0];
	v2 =	vadd.f32 v41, v2;
	v11 =	vadd.f32 v48, v11  }
0x1a6: {  	s22 =	sor.u32 s13, s23;
	v55 =	vld [tilespmem:s21+$0x0];
	v45 =	vadd.f32 v59, v23;
	v1 =	vadd.f32 v22, v1  }
0x1a7: {  	s26 =	sor.u32 s10, s12;
	v56 =	vld [tilespmem:s22+$0x0];
	v6 =	vadd.f32 v60, v6;
	v3 =	vadd.f32 v3, v11  }
0x1a8: {  	s28 =	sor.u32 s13, s12;
	v57 =	vld [tilespmem:s26+$0x0];
	v8 =	vadd.f32 v42, v8;
	v1 =	vadd.f32 v16, v1  }
0x1a9: {  	s29 =	sor.u32 s24, s12;
	v58 =	vld [tilespmem:s28+$0x0];
	v2 =	vadd.f32 v52, v2;
	v3 =	vadd.f32 v49, v3  }
0x1aa: {  	s31 =	sor.u32 s10, s0;
	v59 =	vld [tilespmem:s29+$0x0];
	v8 =	vadd.f32 v43, v8;
	v1 =	vadd.f32 v12, v1  }
0x1ab: {  	s25 =	sor.u32 s24, s23;
	v60 =	vld [tilespmem:s31+$0x0];
	v19 =	vadd.f32 v62, v45;
	v3 =	vadd.f32 v50, v3  }
0x1ac: {  	s3 =	sor.u32 s13, s0;
	v8 =	vadd.f32 v53, v8;
	v11 =	vld [tilespmem:s25+$0x0];
	v1 =	vadd.f32 v10, v1  }
0x1ad: {  	s4 =	sor.u32 s10, s18;
	v6 =	vadd.f32 v63, v6;
	v61 =	vld [tilespmem:s3+$0x0];
	v3 =	vadd.f32 v51, v3  }
0x1ae: {  	s14 =	sor.u32 s13, s18;
	v62 =	vld [tilespmem:s4+$0x0];
	v8 =	vadd.f32 v56, v8;
	v1 =	vadd.f32 v9, v1  }
0x1af: {  	s0 =	sor.u32 s24, s0;
	s12 =	sand.u32 $0x380, s6;
	v63 =	vld [tilespmem:s14+$0x0];
	v2 =	vadd.f32 v55, v2;
	v3 =	vadd.f32 v54, v3  }
0x1b0: {  	s18 =	sor.u32 s24, s18;
	s15 =	sadd.s32 $0x1B380, s12;
	v8 =	vadd.f32 v58, v8;
	v10 =	vld [tilespmem:s0+$0x0];
	v7 =	vadd.f32 v7, v1  }
0x1b1: {  	s30 =	sor.u32 s10, s11;
	s19 =	sor.u32 s7, s15;
	s21 =	sor.u32 s10, s17;
	v2 =	vadd.f32 v57, v2;
	v9 =	vld [tilespmem:s18+$0x0];
	v3 =	vadd.f32 v11, v3  }
0x1b2: {  	s23 =	sor.u32 s24, s17;
	[tilespmem:s19+$0x0] =	vst v6;
	s25 =	sor.u32 s10, s16;
	s0 =	sor.u32 s2, s15;
	v6 =	vadd.f32 v4, v7;
	v4 =	vadd.f32 v61, v8;
	v11 =	vld [tilespmem:s21+$0x0]  }
0x1b3: {  	s6 =	simm.s32 $0x400;
	s12 =	sor.u32 s13, s11;
	s22 =	sor.u32 s13, s17;
	v12 =	vadd.f32 v60, v2;
	v2 =	vld [tilespmem:s25+$0x0];
	[tilespmem:s0+$0x0] =	vst v5;
	v5 =	vadd.f32 v59, v3  }
0x1b4: {  	s20 =	sor.u32 s5, s15;
	s26 =	sor.u32 s13, s16;
	s29 =	sand.u32 $0x380, s9;
	v1 =	vld [tilespmem:s22+$0x0];
	v8 =	vadd.f32 v63, v4  }
0x1b5: {  	s5 =	simm.s32 $0x4;
	s31 =	sadd.s32 $0x1B380, s29;
	[tilespmem:s20+$0x0] =	vst v15;
	s2 =	simm.s32 $0x1B380;
	v4 =	vld [tilespmem:s26+$0x0];
	v5 =	vadd.f32 v10, v5;
	v10 =	vadd.f32 v62, v12  }
0x1b6: {  	s7 =	simm.s32 $0x80;
	s28 =	sor.u32 s24, s16;
	s4 =	sor.u32 s8, s31;
	[tilespmem:s2+$0x0] =	vst v19;
	v3 =	vld [tilespmem:s23+$0x0]  }
0x1b7: {  	s16 =	sor.u32 s24, s31;
	s0 =	sor.u32 s24, s11;
	s18 =	sor.u32 s13, s31;
	[tilespmem:s4+$0x0] =	vst v6;
	v7 =	vadd.f32 v9, v5;
	v6 =	vadd.f32 v11, v10;
	v5 =	vld [tilespmem:s28+$0x0]  }
.LBB2_8:
0x1b8: {  	s28 =	sand.u32 $0x40, s7;
	s23 =	sand.u32 $0x1C00, s6;
	v9 =	vld [tilespmem:s30+$0x0]  }
0x1b9: {  	s1 =	sadd.s32 $0x18B80, s23;
	s8 =	sor.u32 $0x30, s28;
	v1 =	vadd.f32 v1, v8;
	v8 =	vld [tilespmem:s12+$0x0]  }
0x1ba: {  	s3 =	sor.u32 s8, s1;
	v2 =	vadd.f32 v2, v6;
	v6 =	vld [tilespmem:s0+$0x0]  }
0x1bb: {  	v3 =	vadd.f32 v3, v7;
	v7 =	vld [tilespmem:s3+$0x0]  }
0x1bc: {  	s11 =	sor.u32 s28, s1;
	v1 =	vadd.f32 v4, v1;
	v4 =	vld [tilespmem:s3+$0x80]  }
0x1bd: {  	v3 =	vadd.f32 v5, v3;
	v5 =	vld [tilespmem:s11+$0x0];
	v2 =	vadd.f32 v9, v2  }
0x1be: {  	s2 =	sadd.s32 $0x40, s2;
	v9 =	vld [tilespmem:s3+$0x100]  }
0x1bf: {  	v1 =	vadd.f32 v8, v1;
	v8 =	vld [tilespmem:s11+$0x80];
	[tilespmem:s2+$0x0] =	vst v2;
	v2 =	vadd.f32 v6, v3  }
0x1c0: {  	v3 =	vld [tilespmem:s3+$0x180]  }
0x1c1: {  	s13 =	sor.u32 $0x10, s28;
	[tilespmem:s16+$0x0] =	vst v2;
	v2 =	vld [tilespmem:s3+$0x200]  }
0x1c2: {  	s9 =	sor.u32 s13, s1;
	[tilespmem:s18+$0x0] =	vst v1;
	v4 =	vadd.f32 v4, v7;
	v7 =	vld [tilespmem:s3+$0x280]  }
0x1c3: {  	v1 =	vld [tilespmem:s9+$0x0]  }
0x1c4: {  	s17 =	sor.u32 $0x20, s28;
	v6 =	vld [tilespmem:s9+$0x80]  }
0x1c5: {  	s10 =	sor.u32 s17, s1;
	v10 =	vld [tilespmem:s9+$0x100];
	v4 =	vadd.f32 v9, v4  }
0x1c6: {  	v9 =	vld [tilespmem:s10+$0x80]  }
0x1c7: {  	v5 =	vadd.f32 v8, v5;
	v8 =	vld [tilespmem:s10+$0x0];
	v3 =	vadd.f32 v3, v4  }
0x1c8: {  	v4 =	vld [tilespmem:s3+$0x300]  }
0x1c9: {  	s19 =	sadd.s32 $0x19F80, s23;
	v2 =	vadd.f32 v2, v3;
	v3 =	vld [tilespmem:s3+$0x380]  }
0x1ca: {  	s22 =	sor.u32 s8, s19;
	v1 =	vadd.f32 v6, v1;
	v6 =	vld [tilespmem:s11+$0x100]  }
0x1cb: {  	s24 =	sor.u32 $0x1A000, s23;
	v2 =	vadd.f32 v7, v2;
	v7 =	vld [tilespmem:s22+$0x0]  }
0x1cc: {  	s29 =	sor.u32 s8, s24;
	v1 =	vadd.f32 v10, v1;
	v10 =	vld [tilespmem:s9+$0x180]  }
0x1cd: {  	v2 =	vadd.f32 v4, v2;
	v4 =	vadd.f32 v9, v8;
	v8 =	vld [tilespmem:s29+$0x0]  }
0x1ce: {  	s31 =	sor.u32 $0x1A080, s23;
	v9 =	vld [tilespmem:s10+$0x100]  }
0x1cf: {  	s4 =	sor.u32 s8, s31;
	v2 =	vadd.f32 v3, v2;
	v3 =	vadd.f32 v6, v5;
	v6 =	vld [tilespmem:s11+$0x180]  }
0x1d0: {  	s15 =	sor.u32 $0x1A180, s23;
	s20 =	sor.u32 s28, s19;
	s12 =	sor.u32 $0x1A100, s23;
	v5 =	vld [tilespmem:s4+$0x0]  }
0x1d1: {  	s21 =	sor.u32 s13, s19;
	[dreg:$0xc] =	wrdreg s20;
	s14 =	sor.u32 s8, s12;
	v1 =	vadd.f32 v10, v1;
	v10 =	vld [tilespmem:s9+$0x200];
	v2 =	vadd.f32 v7, v2  }
0x1d2: {  	s25 =	sor.u32 s28, s24;
	[dreg:$0x6] =	wrdreg s21;
	s16 =	sor.u32 s8, s15;
	v7 =	vld [tilespmem:s14+$0x0]  }
0x1d3: {  	[dreg:$0xd] =	wrdreg s25;
	s21 =	sor.u32 s17, s31;
	s0 =	sor.u32 s17, s19;
	v2 =	vadd.f32 v8, v2;
	v8 =	vld [tilespmem:s16+$0x0]  }
0x1d4: {  	s20 =	sor.u32 s28, s12;
	s25 =	sor.u32 s13, s12;
	s18 =	sor.u32 $0x1A200, s23;
	v3 =	vadd.f32 v6, v3;
	v6 =	vld [tilespmem:s11+$0x200]  }
0x1d5: {  	s19 =	sor.u32 s13, s18;
	s3 =	sor.u32 s13, s31;
	s4 =	sor.u32 s8, s18;
	v4 =	vadd.f32 v9, v4;
	v9 =	vld [tilespmem:s10+$0x180];
	v2 =	vadd.f32 v5, v2  }
0x1d6: {  	s22 =	sor.u32 s28, s31;
	s31 =	sor.u32 s17, s12;
	s12 =	sor.u32 $0x1A280, s23;
	v5 =	vld [tilespmem:s4+$0x0]  }
0x1d7: {  	[dreg:$0xe] =	wrdreg s3;
	s3 =	sor.u32 s17, s18;
	s16 =	sor.u32 s8, s12;
	v1 =	vadd.f32 v10, v1;
	v10 =	vld [tilespmem:s11+$0x300];
	v2 =	vadd.f32 v7, v2  }
0x1d8: {  	s1 =	sor.u32 s28, s12;
	s14 =	sor.u32 s28, s18;
	s18 =	sor.u32 $0x1A300, s23;
	v7 =	vld [tilespmem:s16+$0x0]  }
0x1d9: {  	s29 =	sor.u32 s28, s15;
	s30 =	sor.u32 s28, s18;
	s28 =	sor.u32 s8, s18;
	v2 =	vadd.f32 v8, v2;
	v3 =	vadd.f32 v6, v3;
	v6 =	vld [tilespmem:s9+$0x280]  }
0x1da: {  	v8 =	vld [tilespmem:s28+$0x0]  }
0x1db: {  	v2 =	vadd.f32 v5, v2;
	v5 =	vld [tilespmem:s11+$0x280]  }
0x1dc: {  	v4 =	vadd.f32 v9, v4;
	v9 =	vld [tilespmem:s10+$0x200]  }
0x1dd: {  	v2 =	vadd.f32 v7, v2;
	v7 =	vld [tilespmem:s10+$0x280]  }
0x1de: {  	v1 =	vadd.f32 v6, v1;
	v6 =	vld [tilespmem:s9+$0x380]  }
0x1df: {  	s28 =	sand.u32 $0x380, s7;
	v2 =	vadd.f32 v8, v2;
	v8 =	vld [tilespmem:s9+$0x300]  }
0x1e0: {  	s28 =	sadd.s32 $0x1B380, s28;
	s9 =	rddreg [dreg:$0xc];
	v3 =	vadd.f32 v5, v3;
	v5 =	vld [tilespmem:s10+$0x300]  }
0x1e1: {  	s26 =	sor.u32 s13, s24;
	s8 =	sor.u32 s8, s28;
	v4 =	vadd.f32 v9, v4;
	v9 =	vld [tilespmem:s9+$0x0]  }
0x1e2: {  	[dreg:$0x8] =	wrdreg s26;
	[tilespmem:s8+$0x0] =	vst v2;
	v2 =	vld [tilespmem:s11+$0x380]  }
0x1e3: {  	s26 =	sor.u32 s13, s15;
	[dreg:$0x9] =	wrdreg s0;
	s23 =	sor.u32 s17, s12;
	v4 =	vadd.f32 v7, v4;
	v7 =	vld [tilespmem:s10+$0x380]  }
0x1e4: {  	s0 =	sor.u32 s17, s18;
	s4 =	sor.u32 s13, s12;
	v3 =	vadd.f32 v10, v3;
	s10 =	rddreg [dreg:$0x6];
	v10 =	vld [tilespmem:s14+$0x0]  }
0x1e5: {  	s12 =	sor.u32 s13, s18;
	s18 =	sor.u32 s13, s28;
	s13 =	rddreg [dreg:$0xd];
	v1 =	vadd.f32 v8, v1;
	v8 =	vld [tilespmem:s10+$0x0]  }
0x1e6: {  	s24 =	sor.u32 s17, s24;
	s11 =	rddreg [dreg:$0x9];
	v4 =	vadd.f32 v5, v4;
	v5 =	vld [tilespmem:s13+$0x0]  }
0x1e7: {  	s15 =	sor.u32 s17, s15;
	s16 =	sor.u32 s17, s28;
	s17 =	rddreg [dreg:$0x8];
	v2 =	vadd.f32 v2, v3;
	v3 =	vld [tilespmem:s11+$0x0]  }
0x1e8: {  	v1 =	vadd.f32 v6, v1;
	v6 =	vld [tilespmem:s17+$0x0]  }
0x1e9: {  	v4 =	vadd.f32 v7, v4;
	v7 =	vld [tilespmem:s24+$0x0]  }
0x1ea: {  	s28 =	rddreg [dreg:$0xe];
	v2 =	vadd.f32 v9, v2;
	v9 =	vld [tilespmem:s22+$0x0]  }
0x1eb: {  	v1 =	vadd.f32 v8, v1;
	v8 =	vld [tilespmem:s28+$0x0]  }
0x1ec: {  	v2 =	vadd.f32 v5, v2;
	v5 =	vld [tilespmem:s20+$0x0]  }
0x1ed: {  	v3 =	vadd.f32 v3, v4;
	v4 =	vld [tilespmem:s21+$0x0]  }
0x1ee: {  	v1 =	vadd.f32 v6, v1;
	v6 =	vld [tilespmem:s25+$0x0]  }
0x1ef: {  	v3 =	vadd.f32 v7, v3;
	v7 =	vld [tilespmem:s31+$0x0]  }
0x1f0: {  	v2 =	vadd.f32 v9, v2;
	v9 =	vld [tilespmem:s29+$0x0]  }
0x1f1: {  	s5 =	sadd.s32 $0x4, s5;
	v1 =	vadd.f32 v8, v1;
	v8 =	vld [tilespmem:s26+$0x0]  }
0x1f2: {  	p2 =	slt.u32 s5, $0x24;
	v2 =	vadd.f32 v5, v2;
	v5 =	vld [tilespmem:s15+$0x0];
	v3 =	vadd.f32 v4, v3  }
.Ltmp3:
0x1f3: {  	v4 =	vadd.f32 v6, v1;
	v1 =	vld [tilespmem:s19+$0x0];
	(pc) =	sbr.rel @p2 .LBB2_8-.Ltmp3, $4  }
0x1f4: {  	v6 =	vadd.f32 v7, v3;
	v3 =	vld [tilespmem:s3+$0x0]  }
0x1f5: {  	v9 =	vadd.f32 v9, v2;
	v2 =	vld [tilespmem:s1+$0x0]  }
0x1f6: {  	v8 =	vadd.f32 v8, v4;
	v4 =	vld [tilespmem:s4+$0x0]  }
0x1f7: {  	s6 =	sadd.s32 $0x200, s6;
	s7 =	sadd.s32 $0x40, s7;
	v7 =	vadd.f32 v5, v6;
	v6 =	vadd.f32 v10, v9;
	v5 =	vld [tilespmem:s23+$0x0]  }
0x1f8: {  	v9 =	vld [tilespmem:s30+$0x0]  }
0x1f9: {  	v10 =	vld [tilespmem:s12+$0x0]  }
0x1fa: {  	v1 =	vadd.f32 v1, v8;
	v8 =	vld [tilespmem:s0+$0x0]  }
0x1fb: {  	v3 =	vadd.f32 v3, v7;
	v2 =	vadd.f32 v2, v6  }
0x1fc: {  	v1 =	vadd.f32 v4, v1  }
0x1fd: {  	v3 =	vadd.f32 v5, v3;
	v2 =	vadd.f32 v9, v2  }
0x1fe: {  	s28 =	sadd.s32 $0x40, s2;
	v1 =	vadd.f32 v10, v1  }
0x1ff: {  	[tilespmem:s28+$0x0] =	vst v2;
	v2 =	vadd.f32 v8, v3  }
0x200: {  	[tilespmem:s18+$0x0] =	vst v1  }
0x201: {  	[tilespmem:s16+$0x0] =	vst v2  }
0x202: {  	s1 =	simm.s32 $0x1B380;
	s31 =	simm.s32 $0x3;
	s0 =	rddreg [dreg:$0x1e]  }
0x203: {  	[spmem:s0] =	stream.linear.scatter [tilespmem:s1], [sflag:$0x3], $0x280, $0x38;
	[tilespmem:$0x1E080] =	vst v63  }
0x204: {  	_ =	swait.ge [sflag:s31], $0x280  }
0x205: {  	[sflag:s31] =	ssyncset.done $0x0  }
0x206: {  	[sflag:s31] =	ssyncadd.s32 $0xFFFFFD80  }
0x207: {  	[bflag:$0x0] =	sbarrier.arrive $0xFFFF  }
0x208: {  	s30 =	simm.s32 $0x5000;
	s29 =	rddreg [dreg:$0x4]  }
0x209: {  	[tilespmem:s30], [sflag:$0x3] =	stream.linear.gather [spmem:s29], $0x2800, $0x38;
	[tilespmem:$0x1E080] =	vst v63  }
0x20a: {  	_ =	swait.ge [sflag:s31], $0x2800  }
0x20b: {  	[sflag:s31] =	ssyncset.done $0x0  }
0x20c: {  	s6 =	simm.s32 $0x5040;
	[sflag:s31] =	ssyncadd.s32 $0xFFFFD800  }
0x20d: {  	v1 =	vld [tilespmem:s6+$0x30]  }
0x20e: {  	v2 =	vld [tilespmem:s6+$0xFFFFFFD0]  }
0x20f: {  	v3 =	vld [tilespmem:s6+$0xFFFFFFE0]  }
0x210: {  	v4 =	vld [tilespmem:s6+$0xFFFFFFF0]  }
0x211: {  	v5 =	vld [tilespmem:s6+$0x0]  }
0x212: {  	v6 =	vld [tilespmem:s6+$0x10]  }
0x213: {  	v7 =	vld [tilespmem:s6+$0x20];
	v1 =	vadd.f32 $1.000000020e-16, v1  }
0x214: {  	s5 =	simm.s32 $0x50C0;
	v8 =	vld [tilespmem:s6+$0xFFFFFFC0];
	v2 =	vadd.f32 $1.000000020e-16, v2  }
0x215: {  	v3 =	vadd.f32 $1.000000020e-16, v3;
	(erf) = vrcp.f32 v1;
	v1 =	vld [tilespmem:s5+$0x30]  }
0x216: {  	v4 =	vadd.f32 $1.000000020e-16, v4;
	(erf) = vrcp.f32 v2;
	v2 =	vld [tilespmem:s5+$0xFFFFFFD0]  }
0x217: {  	v5 =	vadd.f32 $1.000000020e-16, v5;
	(erf) = vrcp.f32 v3;
	v3 =	vld [tilespmem:s5+$0xFFFFFFE0]  }
0x218: {  	v6 =	vadd.f32 $1.000000020e-16, v6;
	(erf) = vrcp.f32 v4;
	v4 =	vld [tilespmem:s5+$0xFFFFFFF0]  }
0x219: {  	v7 =	vadd.f32 $1.000000020e-16, v7;
	(erf) = vrcp.f32 v5;
	v5 =	vld [tilespmem:s5+$0x0]  }
0x21a: {  	v8 =	vadd.f32 $1.000000020e-16, v8;
	(erf) = vrcp.f32 v6;
	v6 =	vld [tilespmem:s5+$0x10]  }
0x21b: {  	s2 =	simm.s32 $0x5140;
	v1 =	vadd.f32 $1.000000020e-16, v1;
	(erf) = vrcp.f32 v7;
	v2 =	vadd.f32 $1.000000020e-16, v2;
	v7 =	vld [tilespmem:s5+$0x20]  }
0x21c: {  	v9 =	vld [tilespmem:s2+$0x30];
	(erf) = vrcp.f32 v8  }
0x21d: {  	v8 =	vld [tilespmem:s5+$0xFFFFFFC0];
	v3 =	vadd.f32 $1.000000020e-16, v3;
	(erf) = vrcp.f32 v1;
	v1 =	vadd.f32 $1.000000020e-16, v4  }
0x21e: {  	(erf) = vrcp.f32 v2;
	v4 =	vadd.f32 $1.000000020e-16, v5  }
0x21f: {  	v2 =	vpop (erf);
	(erf) = vrcp.f32 v3  }
0x220: {  	v10 =	vld [tilespmem:s2+$0xFFFFFFD0];
	v3 =	vadd.f32 $1.000000020e-16, v6;
	[tilespmem:s6+$0x30] =	vst v2;
	v2 =	vpop (erf);
	(erf) = vrcp.f32 v1;
	v5 =	vadd.f32 $1.000000020e-16, v7  }
0x221: {  	v11 =	vld [tilespmem:s2+$0xFFFFFFE0];
	[tilespmem:s6+$0xFFFFFFD0] =	vst v2;
	v1 =	vpop (erf);
	(erf) = vrcp.f32 v4  }
0x222: {  	v2 =	vld [tilespmem:s2+$0xFFFFFFF0];
	v6 =	vadd.f32 $1.000000020e-16, v8;
	v8 =	vadd.f32 $1.000000020e-16, v9;
	[tilespmem:s6+$0xFFFFFFE0] =	vst v1;
	v4 =	vpop (erf);
	(erf) = vrcp.f32 v3  }
0x223: {  	v1 =	vld [tilespmem:s2+$0x0];
	[tilespmem:s6+$0xFFFFFFF0] =	vst v4;
	v4 =	vpop (erf);
	(erf) = vrcp.f32 v5  }
0x224: {  	v3 =	vld [tilespmem:s2+$0x10];
	[tilespmem:s6+$0x0] =	vst v4;
	v5 =	vpop (erf);
	(erf) = vrcp.f32 v6  }
0x225: {  	v7 =	vadd.f32 $1.000000020e-16, v10;
	v4 =	vld [tilespmem:s2+$0x20];
	[tilespmem:s6+$0x10] =	vst v5;
	v9 =	vpop (erf);
	(erf) = vrcp.f32 v8  }
0x226: {  	s0 =	simm.s32 $0x10;
	s1 =	simm.s32 $0x51C0;
	v6 =	vadd.f32 $1.000000020e-16, v11;
	v5 =	vld [tilespmem:s2+$0xFFFFFFC0];
	[tilespmem:s6+$0x20] =	vst v9;
	v8 =	vpop (erf)  }
.LBB2_10:
0x227: {  	v9 =	vld [tilespmem:s1+$0x30];
	s0 =	sadd.s32 $0x8, s0;
	v2 =	vadd.f32 $1.000000020e-16, v2;
	(erf) = vrcp.f32 v7;
	v7 =	vpop (erf);
	[tilespmem:s6+$0xFFFFFFC0] =	vst v8;
	s6 =	smov.u32 s5  }
0x228: {  	v8 =	vld [tilespmem:s1+$0xFFFFFFD0];
	p2 =	slt.u32 s0, $0x278;
	v1 =	vadd.f32 $1.000000020e-16, v1;
	(erf) = vrcp.f32 v6;
	[tilespmem:s6+$0x30] =	vst v7;
	v6 =	vpop (erf)  }
0x229: {  	s5 =	smov.u32 s2;
	s2 =	smov.u32 s1;
	v10 =	vld [tilespmem:s1+$0xFFFFFFE0];
	v3 =	vadd.f32 $1.000000020e-16, v3;
	(erf) = vrcp.f32 v2;
	[tilespmem:s6+$0xFFFFFFD0] =	vst v6;
	v6 =	vpop (erf)  }
.Ltmp4:
0x22a: {  	v2 =	vld [tilespmem:s1+$0xFFFFFFF0];
	v4 =	vadd.f32 $1.000000020e-16, v4;
	(erf) = vrcp.f32 v1;
	[tilespmem:s6+$0xFFFFFFE0] =	vst v6;
	v6 =	vpop (erf);
	(pc) =	sbr.rel @p2 .LBB2_10-.Ltmp4, $4  }
0x22b: {  	v1 =	vld [tilespmem:s1+$0x0];
	v5 =	vadd.f32 $1.000000020e-16, v5;
	(erf) = vrcp.f32 v3;
	[tilespmem:s6+$0xFFFFFFF0] =	vst v6;
	v6 =	vpop (erf)  }
0x22c: {  	v3 =	vld [tilespmem:s1+$0x10];
	v9 =	vadd.f32 $1.000000020e-16, v9;
	(erf) = vrcp.f32 v4;
	[tilespmem:s6+$0x0] =	vst v6;
	v6 =	vpop (erf)  }
0x22d: {  	v7 =	vadd.f32 $1.000000020e-16, v8;
	v4 =	vld [tilespmem:s1+$0x20];
	(erf) = vrcp.f32 v5;
	[tilespmem:s6+$0x10] =	vst v6;
	v8 =	vpop (erf)  }
0x22e: {  	s1 =	sadd.s32 $0x80, s1;
	v5 =	vld [tilespmem:s2+$0xFFFFFFC0];
	v6 =	vadd.f32 $1.000000020e-16, v10;
	(erf) = vrcp.f32 v9;
	[tilespmem:s6+$0x20] =	vst v8;
	v8 =	vpop (erf)  }
0x22f: {  	v2 =	vadd.f32 $1.000000020e-16, v2  }
0x230: {  	v1 =	vadd.f32 $1.000000020e-16, v1  }
0x231: {  	(erf) = vrcp.f32 v7;
	v7 =	vpop (erf);
	[tilespmem:s6+$0xFFFFFFC0] =	vst v8  }
0x232: {  	(erf) = vrcp.f32 v6;
	[tilespmem:s5+$0x30] =	vst v7;
	v6 =	vpop (erf)  }
0x233: {  	v3 =	vadd.f32 $1.000000020e-16, v3;
	(erf) = vrcp.f32 v2;
	[tilespmem:s5+$0xFFFFFFD0] =	vst v6;
	v2 =	vpop (erf)  }
0x234: {  	v4 =	vadd.f32 $1.000000020e-16, v4;
	(erf) = vrcp.f32 v1;
	[tilespmem:s5+$0xFFFFFFE0] =	vst v2;
	v1 =	vpop (erf)  }
0x235: {  	v2 =	vadd.f32 $1.000000020e-16, v5;
	(erf) = vrcp.f32 v3;
	[tilespmem:s5+$0xFFFFFFF0] =	vst v1;
	v1 =	vpop (erf)  }
0x236: {  	(erf) = vrcp.f32 v4;
	[tilespmem:s5+$0x0] =	vst v1;
	v1 =	vpop (erf)  }
0x237: {  	(erf) = vrcp.f32 v2;
	[tilespmem:s5+$0x10] =	vst v1;
	v1 =	vpop (erf)  }
0x238: {  	[tilespmem:s5+$0x20] =	vst v1;
	v1 =	vpop (erf)  }
0x239: {  	v2 =	vpop (erf);
	[tilespmem:s5+$0xFFFFFFC0] =	vst v1  }
0x23a: {  	[tilespmem:s2+$0x30] =	vst v2;
	v1 =	vpop (erf)  }
0x23b: {  	[tilespmem:s2+$0xFFFFFFD0] =	vst v1;
	v1 =	vpop (erf)  }
0x23c: {  	[tilespmem:s2+$0xFFFFFFE0] =	vst v1;
	v1 =	vpop (erf)  }
0x23d: {  	[tilespmem:s2+$0xFFFFFFF0] =	vst v1;
	v1 =	vpop (erf)  }
0x23e: {  	[tilespmem:s2+$0x0] =	vst v1;
	v1 =	vpop (erf)  }
0x23f: {  	s30 =	rddreg [dreg:$0x12];
	[tilespmem:s2+$0x10] =	vst v1;
	v1 =	vpop (erf)  }
0x240: {  	[tilespmem:s2+$0x20] =	vst v1;
	v1 =	vpop (erf)  }
0x241: {  	s5 =	simm.s32 $0xA050;
	s10 =	sld [smem:$0x7FD];
	[tilespmem:s2+$0xFFFFFFC0] =	vst v1  }
0x242: {  	v7 =	vld [tilespmem:s5+$0x40]  }
0x243: {  	s11 =	simm.s32 $0x0;
	s13 =	simm.s32 $0x80;
	s0 =	sadd.s32 $0x0, s30;
	v9 =	vld [tilespmem:s5+$0xFFFFFFB0]  }
0x244: {  	s18 =	sand.u32 $0x60, s11;
	s1 =	sadd.s32 $0x90, s0;
	s4 =	sadd.s32 $0x10, s0;
	v10 =	vld [tilespmem:s5+$0xFFFFFFC0]  }
0x245: {  	s14 =	sadd.s32 $0x20, s0;
	s15 =	sadd.s32 $0x30, s0;
	s7 =	sadd.s32 $0x40, s0;
	v24 =	vld [tilespmem:s5+$0x0]  }
0x246: {  	s19 =	sadd.s32 $0x50, s0;
	s1 =	sand.u32 $0x70, s1;
	v25 =	vld [tilespmem:s5+$0x10];
	s3 =	sand.u32 $0x3FF00, s10  }
0x247: {  	s21 =	sadd.s32 $0x60, s0;
	v26 =	vld [tilespmem:s5+$0x20];
	s8 =	sadd.s32 $0xFFFFFF00, s10;
	s1 =	sor.u32 s1, s3  }
0x248: {  	s22 =	sadd.s32 $0x70, s0;
	s4 =	sand.u32 $0x70, s4;
	s8 =	sand.u32 $0x1FF00, s8;
	v1 =	vld [tilespmem:s1+$0xEF00]  }
0x249: {  	s25 =	sadd.s32 $0x80, s0;
	s3 =	sand.u32 $0xFF80, s13;
	v2 =	vld [tilespmem:s1+$0xEE80];
	s4 =	sor.u32 s4, s8  }
0x24a: {  	s0 =	sand.u32 $0x60, s0;
	s28 =	sadd.s32 $0xFFFFFEE0, s10;
	s3 =	sor.u32 s18, s3;
	v8 =	vld [tilespmem:s4+$0xEF00]  }
0x24b: {  	s9 =	sadd.s32 $0xFFFFFF20, s10;
	s16 =	sadd.s32 $0xFFFFFF40, s10;
	s29 =	sand.u32 $0x1FF00, s28;
	v14 =	vld [tilespmem:s3+$0xA000]  }
0x24c: {  	s9 =	sand.u32 $0x3FF00, s9;
	s1 =	sand.u32 $0x60, s14;
	s0 =	sor.u32 s0, s29;
	v3 =	vld [tilespmem:s4+$0xEE80]  }
0x24d: {  	s6 =	sand.u32 $0x70, s15;
	s8 =	sand.u32 $0x3FF00, s16;
	s1 =	sor.u32 s1, s9;
	v19 =	vld [tilespmem:s0+$0xEF00]  }
0x24e: {  	s7 =	sand.u32 $0x60, s7;
	s6 =	sor.u32 s6, s8;
	v11 =	vld [tilespmem:s1+$0xEF00]  }
0x24f: {  	s17 =	sadd.s32 $0xFFFFFF60, s10;
	s20 =	sadd.s32 $0xFFFFFF80, s10;
	s23 =	sadd.s32 $0xFFFFFFA0, s10;
	v12 =	vld [tilespmem:s6+$0xEF00]  }
0x250: {  	s24 =	sadd.s32 $0xFFFFFFC0, s10;
	s26 =	sadd.s32 $0xFFFFFFE0, s10;
	s9 =	sand.u32 $0x3FF00, s17;
	v4 =	vld [tilespmem:s1+$0xEE80]  }
0x251: {  	s8 =	sand.u32 $0x70, s19;
	s7 =	sor.u32 s7, s9;
	s9 =	sand.u32 $0x3FF00, s20;
	v6 =	vld [tilespmem:s6+$0xEE80]  }
0x252: {  	s4 =	sand.u32 $0x70, s22;
	s1 =	sand.u32 $0x3FF00, s24;
	v13 =	vld [tilespmem:s7+$0xEF00];
	s8 =	sor.u32 s8, s9  }
0x253: {  	s3 =	sand.u32 $0x60, s21;
	s9 =	sand.u32 $0x3FF00, s23;
	s1 =	sor.u32 s4, s1;
	v15 =	vld [tilespmem:s8+$0xEF00]  }
0x254: {  	s6 =	sand.u32 $0x60, s25;
	s4 =	sand.u32 $0x3FF00, s26;
	s3 =	sor.u32 s3, s9;
	v17 =	vld [tilespmem:s1+$0xEF00]  }
0x255: {  	s4 =	sor.u32 s6, s4;
	v16 =	vld [tilespmem:s3+$0xEF00]  }
0x256: {  	s2 =	simm.s32 $0x5000;
	v18 =	vld [tilespmem:s4+$0xEF00]  }
0x257: {  	v1 =	vld.idx.msk [tilespmem:v1+s2+$0x0], $0xffff  }
0x258: {  	v20 =	vld.idx.msk [tilespmem:v8+s2+$0x0], $0xffff  }
0x259: {  	v11 =	vld.idx.msk [tilespmem:v11+s2+$0x0], $0xffff  }
0x25a: {  	v12 =	vld.idx.msk [tilespmem:v12+s2+$0x0], $0xffff  }
0x25b: {  	v13 =	vld.idx.msk [tilespmem:v13+s2+$0x0], $0xffff  }
0x25c: {  	v21 =	vld.idx.msk [tilespmem:v15+s2+$0x0], $0xffff  }
0x25d: {  	v23 =	vld.idx.msk [tilespmem:v17+s2+$0x0], $0xffff  }
0x25e: {  	v17 =	vld [tilespmem:s5+$0xFFFFFFD0]  }
0x25f: {  	v22 =	vld.idx.msk [tilespmem:v16+s2+$0x0], $0xffff  }
0x260: {  	v15 =	vld.idx.msk [tilespmem:v18+s2+$0x0], $0xffff  }
0x261: {  	v16 =	vld.idx.msk [tilespmem:v19+s2+$0x0], $0xffff  }
0x262: {  	v18 =	vld [tilespmem:s5+$0xFFFFFFE0]  }
0x263: {  	v19 =	vld [tilespmem:s5+$0xFFFFFFF0]  }
0x264: {  	p2 =	por $0x1, $0x1;
	v5 =	vld [tilespmem:s7+$0xEE80];
	v1 =	vmul.f32 v1, v7  }
.Ltmp5:
0x265: {  	s15 =	simm.s32 $0x7800;
	v8 =	vld [tilespmem:s8+$0xEE80];
	v7 =	vmul.f32 v20, v10;
	(pc) =	sbr.rel @!p2 .LBB2_13-.Ltmp5, $4  }
0x266: {  	[tilespmem:v2+s15+$0x0] =	vst.idx.add.f32.msk $0xffff, v1;
	v17 =	vmul.f32 v11, v17;
	v1 =	vmul.f32 v16, v9  }
0x267: {  	v11 =	vld [tilespmem:s3+$0xEE80];
	v2 =	vmul.f32 v15, v14;
	v16 =	vmul.f32 v12, v18  }
0x268: {  	v15 =	vmul.f32 v13, v19;
	v14 =	vmul.f32 v21, v24;
	v12 =	vld [tilespmem:s1+$0xEE80]  }
0x269: {  	s7 =	simm.s32 $0xA0;
	s6 =	simm.s32 $0x0;
	s8 =	smov.u32 s10;
	v10 =	vmul.f32 v22, v25;
	v9 =	vmul.f32 v23, v26;
	v13 =	vld [tilespmem:s4+$0xEE80]  }
.LBB2_12:
0x26a: {  	s3 =	sadd.s32 s7, s30  }
0x26b: {  	s1 =	sadd.s32 $0x80, s7;
	s6 =	sadd.s32 $0xA, s6;
	v18 =	vld [tilespmem:s0+$0xEE80];
	s8 =	sadd.s32 $0x140, s8  }
0x26c: {  	s28 =	simm.s32 $0x7800;
	s0 =	sadd.s32 $0x90, s3;
	p2 =	slt.u32 s6, $0x4D8;
	[tilespmem:v3+s15+$0x0] =	vst.idx.add.f32.msk $0xffff, v7  }
0x26d: {  	s4 =	sadd.s32 $0x10, s3;
	s9 =	sand.u32 $0x3FF00, s8;
	s0 =	sand.u32 $0x70, s0;
	[tilespmem:v4+s15+$0x0] =	vst.idx.add.f32.msk $0xffff, v17  }
0x26e: {  	s10 =	sadd.s32 $0x20, s3;
	s11 =	sadd.s32 $0x30, s3;
	s0 =	sor.u32 s0, s9;
	[tilespmem:v6+s15+$0x0] =	vst.idx.add.f32.msk $0xffff, v16  }
0x26f: {  	s12 =	sadd.s32 $0x50, s3;
	s13 =	sadd.s32 $0x60, s3;
	s9 =	sadd.s32 $0x40, s3;
	v3 =	vld [tilespmem:s0+$0xEF00]  }
0x270: {  	s14 =	sadd.s32 $0xFFFFFEE0, s8;
	s16 =	sadd.s32 $0x80, s3;
	s15 =	sadd.s32 $0x70, s3;
	[tilespmem:v5+s28+$0x0] =	vst.idx.add.f32.msk $0xffff, v15  }
0x271: {  	s17 =	sadd.s32 $0xFFFFFF00, s8;
	s18 =	sadd.s32 $0xFFFFFF20, s8;
	s19 =	sadd.s32 $0xFFFFFF40, s8;
	[tilespmem:v8+s28+$0x0] =	vst.idx.add.f32.msk $0xffff, v14  }
0x272: {  	s20 =	sadd.s32 $0xFFFFFF60, s8;
	s21 =	sadd.s32 $0xFFFFFF80, s8;
	s22 =	sadd.s32 $0xFFFFFFA0, s8;
	[tilespmem:v11+s28+$0x0] =	vst.idx.add.f32.msk $0xffff, v10  }
0x273: {  	s23 =	sadd.s32 $0xFFFFFFC0, s8;
	s24 =	sadd.s32 $0xFFFFFFE0, s8;
	s4 =	sand.u32 $0x70, s4;
	[tilespmem:v12+s28+$0x0] =	vst.idx.add.f32.msk $0xffff, v9  }
0x274: {  	s10 =	sand.u32 $0x60, s10;
	s11 =	sand.u32 $0x70, s11;
	s9 =	sand.u32 $0x60, s9;
	[tilespmem:v13+s28+$0x0] =	vst.idx.add.f32.msk $0xffff, v2  }
0x275: {  	s25 =	sand.u32 $0x70, s12;
	s26 =	sand.u32 $0x60, s13;
	s15 =	sand.u32 $0x70, s15;
	[tilespmem:v18+s28+$0x0] =	vst.idx.add.f32.msk $0xffff, v1  }
0x276: {  	s29 =	sand.u32 $0x1FF00, s14;
	s16 =	sand.u32 $0x60, s16;
	s28 =	sand.u32 $0x60, s3;
	v1 =	vld [tilespmem:s0+$0xEE80]  }
0x277: {  	s5 =	sadd.s32 $0xA0, s5;
	s3 =	sand.u32 $0x3FF00, s18;
	s0 =	sand.u32 $0x1FF00, s17;
	v2 =	vld.idx.msk [tilespmem:v3+s2+$0x0], $0xffff  }
0x278: {  	s12 =	sand.u32 $0x3FF00, s19;
	s18 =	sand.u32 $0x3FF00, s21;
	s17 =	sand.u32 $0x3FF00, s20;
	v3 =	vld [tilespmem:s5+$0x40]  }
0x279: {  	s19 =	sand.u32 $0x3FF00, s22;
	s21 =	sand.u32 $0x3FF00, s24;
	s20 =	sand.u32 $0x3FF00, s23;
	v4 =	vld [tilespmem:s5+$0xFFFFFFB0]  }
0x27a: {  	s11 =	sor.u32 s11, s12;
	s13 =	sor.u32 s10, s3;
	s14 =	sor.u32 s4, s0;
	v5 =	vld [tilespmem:s5+$0xFFFFFFC0]  }
0x27b: {  	s3 =	sor.u32 s26, s19;
	s12 =	sor.u32 s9, s17;
	s9 =	sor.u32 s25, s18;
	v6 =	vld [tilespmem:s14+$0xEF00]  }
0x27c: {  	s0 =	sor.u32 s28, s29;
	s10 =	sor.u32 s15, s20;
	s4 =	sor.u32 s16, s21;
	v7 =	vld [tilespmem:s13+$0xEF00]  }
0x27d: {  	s1 =	sand.u32 $0xFF80, s1;
	s15 =	sand.u32 $0x60, s7;
	v8 =	vld [tilespmem:s11+$0xEF00];
	v2 =	vmul.f32 v2, v3  }
0x27e: {  	s1 =	sor.u32 s15, s1;
	s15 =	simm.s32 $0x7800;
	v3 =	vld [tilespmem:s12+$0xEF00]  }
0x27f: {  	[tilespmem:v1+s15+$0x0] =	vst.idx.add.f32.msk $0xffff, v2  }
0x280: {  	v1 =	vld [tilespmem:s9+$0xEF00]  }
0x281: {  	v2 =	vld [tilespmem:s3+$0xEF00]  }
0x282: {  	v9 =	vld [tilespmem:s10+$0xEF00]  }
0x283: {  	v10 =	vld [tilespmem:s4+$0xEF00]  }
0x284: {  	v11 =	vld [tilespmem:s0+$0xEF00]  }
0x285: {  	v6 =	vld.idx.msk [tilespmem:v6+s2+$0x0], $0xffff  }
0x286: {  	v12 =	vld.idx.msk [tilespmem:v7+s2+$0x0], $0xffff  }
0x287: {  	v8 =	vld.idx.msk [tilespmem:v8+s2+$0x0], $0xffff  }
0x288: {  	v13 =	vld.idx.msk [tilespmem:v3+s2+$0x0], $0xffff  }
0x289: {  	v14 =	vld.idx.msk [tilespmem:v1+s2+$0x0], $0xffff  }
0x28a: {  	v18 =	vld.idx.msk [tilespmem:v2+s2+$0x0], $0xffff  }
0x28b: {  	v7 =	vmul.f32 v6, v5;
	v9 =	vld.idx.msk [tilespmem:v9+s2+$0x0], $0xffff  }
0x28c: {  	v2 =	vld.idx.msk [tilespmem:v10+s2+$0x0], $0xffff  }
0x28d: {  	v1 =	vld.idx.msk [tilespmem:v11+s2+$0x0], $0xffff  }
0x28e: {  	v3 =	vld [tilespmem:s1+$0xA000]  }
0x28f: {  	v5 =	vld [tilespmem:s5+$0xFFFFFFD0]  }
0x290: {  	v6 =	vld [tilespmem:s5+$0xFFFFFFE0]  }
0x291: {  	v10 =	vld [tilespmem:s5+$0xFFFFFFF0]  }
0x292: {  	v11 =	vld [tilespmem:s5+$0x0]  }
0x293: {  	v1 =	vmul.f32 v1, v4;
	v19 =	vld [tilespmem:s5+$0x10];
	v2 =	vmul.f32 v2, v3  }
0x294: {  	v17 =	vmul.f32 v12, v5;
	v12 =	vld [tilespmem:s5+$0x20]  }
0x295: {  	v3 =	vld [tilespmem:s14+$0xEE80];
	v16 =	vmul.f32 v8, v6  }
0x296: {  	v4 =	vld [tilespmem:s13+$0xEE80];
	v15 =	vmul.f32 v13, v10  }
0x297: {  	v6 =	vld [tilespmem:s11+$0xEE80];
	v14 =	vmul.f32 v14, v11  }
.Ltmp6:
0x298: {  	v5 =	vld [tilespmem:s12+$0xEE80];
	v10 =	vmul.f32 v18, v19;
	(pc) =	sbr.rel @p2 .LBB2_12-.Ltmp6, $4  }
0x299: {  	v8 =	vld [tilespmem:s9+$0xEE80];
	v9 =	vmul.f32 v9, v12  }
0x29a: {  	v11 =	vld [tilespmem:s3+$0xEE80]  }
0x29b: {  	v12 =	vld [tilespmem:s10+$0xEE80]  }
0x29c: {  	s7 =	sadd.s32 $0xA0, s7;
	v13 =	vld [tilespmem:s4+$0xEE80]  }
.LBB2_13:
0x29d: {  	_ =	sdelay $0x2  }
0x29e: {  	v18 =	vld [tilespmem:s0+$0xEE80]  }
0x29f: {  	[tilespmem:v3+s15+$0x0] =	vst.idx.add.f32.msk $0xffff, v7  }
0x2a0: {  	[tilespmem:v4+s15+$0x0] =	vst.idx.add.f32.msk $0xffff, v17  }
0x2a1: {  	[tilespmem:v6+s15+$0x0] =	vst.idx.add.f32.msk $0xffff, v16  }
0x2a2: {  	[tilespmem:v5+s15+$0x0] =	vst.idx.add.f32.msk $0xffff, v15  }
0x2a3: {  	[tilespmem:v8+s15+$0x0] =	vst.idx.add.f32.msk $0xffff, v14  }
0x2a4: {  	[tilespmem:v11+s15+$0x0] =	vst.idx.add.f32.msk $0xffff, v10  }
0x2a5: {  	[tilespmem:v12+s15+$0x0] =	vst.idx.add.f32.msk $0xffff, v9  }
0x2a6: {  	[tilespmem:v13+s15+$0x0] =	vst.idx.add.f32.msk $0xffff, v2  }
0x2a7: {  	[tilespmem:v18+s15+$0x0] =	vst.idx.add.f32.msk $0xffff, v1  }
0x2a8: {  	s1 =	simm.s32 $0x80;
	s3 =	simm.s32 $0x400;
	s14 =	rddreg [dreg:$0x1c]  }
0x2a9: {  	[spmem:s14] =	stream.strided.scatter [tilespmem:s15], [sflag:$0x3], $0x2800, s3, s1, $0x38;
	[tilespmem:$0x1E080] =	vst v63  }
0x2aa: {  	_ =	swait.ge [sflag:s31], $0x2800  }
0x2ab: {  	[sflag:s31] =	ssyncset.done $0x0  }
0x2ac: {  	[sflag:s31] =	ssyncadd.s32 $0xFFFFD800  }
0x2ad: {  	s16 =	simm.s32 $0x1400;
	[bflag:$0x0] =	sbarrier.arrive $0xFFFF  }
0x2ae: {  	s2 =	simm.s32 $0x14000;
	s17 =	simm.s32 $0x18B80;
	s15 =	rddreg [dreg:$0x1d]  }
0x2af: {  	[tilespmem:s17], [sflag:$0x3] =	stream.strided.gather [spmem:s15], $0x2800, s2, s16, $0x38;
	[tilespmem:$0x1E080] =	vst v63  }
0x2b0: {  	s2 =	simm.s32 $0x0  }
0x2b1: {  	_ =	swait.ge [sflag:s31], $0x2800;
	s0 =	sand.u32 $0x40, s2;
	s18 =	sand.u32 $0x1C00, s2  }
0x2b2: {  	[sflag:s31] =	ssyncset.done $0x0;
	s19 =	sadd.s32 $0x18B80, s18;
	s6 =	sor.u32 $0x30, s0  }
0x2b3: {  	[sflag:s31] =	ssyncadd.s32 $0xFFFFD800;
	s4 =	sor.u32 s6, s19  }
0x2b4: {  	v10 =	vld [tilespmem:s4+$0x0]  }
0x2b5: {  	s8 =	sor.u32 s0, s19;
	v11 =	vld [tilespmem:s4+$0x80]  }
0x2b6: {  	v12 =	vld [tilespmem:s8+$0x0]  }
0x2b7: {  	v13 =	vld [tilespmem:s4+$0x100]  }
0x2b8: {  	s7 =	sor.u32 $0x10, s0;
	v14 =	vld [tilespmem:s8+$0x80]  }
0x2b9: {  	s9 =	sor.u32 s7, s19;
	v15 =	vld [tilespmem:s4+$0x180]  }
0x2ba: {  	v16 =	vld [tilespmem:s9+$0x0]  }
0x2bb: {  	v17 =	vld [tilespmem:s4+$0x200]  }
0x2bc: {  	s5 =	sor.u32 $0x20, s0;
	v18 =	vld [tilespmem:s9+$0x80]  }
0x2bd: {  	s3 =	sor.u32 s5, s19;
	v19 =	vld [tilespmem:s4+$0x280]  }
0x2be: {  	v20 =	vld [tilespmem:s3+$0x0]  }
0x2bf: {  	v21 =	vld [tilespmem:s4+$0x300]  }
0x2c0: {  	v22 =	vld [tilespmem:s3+$0x80]  }
0x2c1: {  	s10 =	sadd.s32 $0x19F80, s18;
	v9 =	vld [tilespmem:s4+$0x380]  }
0x2c2: {  	s20 =	sor.u32 s6, s10;
	v23 =	vld [tilespmem:s8+$0x100]  }
0x2c3: {  	s11 =	sor.u32 $0x1A000, s18;
	v8 =	vld [tilespmem:s20+$0x0]  }
0x2c4: {  	s21 =	sor.u32 s6, s11;
	v24 =	vld [tilespmem:s9+$0x100]  }
0x2c5: {  	s12 =	sor.u32 $0x1A080, s18;
	v4 =	vld [tilespmem:s21+$0x0]  }
0x2c6: {  	s15 =	sor.u32 $0x1A200, s18;
	s22 =	sor.u32 s6, s12;
	v25 =	vld [tilespmem:s3+$0x100]  }
0x2c7: {  	s25 =	sor.u32 s6, s15;
	v7 =	vld [tilespmem:s22+$0x0]  }
0x2c8: {  	s13 =	sor.u32 $0x1A100, s18;
	v1 =	vld [tilespmem:s25+$0x0]  }
0x2c9: {  	s23 =	sor.u32 s6, s13;
	v26 =	vld [tilespmem:s8+$0x180]  }
0x2ca: {  	s14 =	sor.u32 $0x1A180, s18;
	v6 =	vld [tilespmem:s23+$0x0]  }
0x2cb: {  	s24 =	sor.u32 s6, s14;
	v27 =	vld [tilespmem:s9+$0x180]  }
0x2cc: {  	s16 =	sor.u32 $0x1A280, s18;
	v5 =	vld [tilespmem:s24+$0x0]  }
0x2cd: {  	s26 =	sor.u32 s6, s16;
	v28 =	vld [tilespmem:s3+$0x180];
	[tilespmem:$0x1FFA0] =	vst v1  }
0x2ce: {  	v1 =	vld [tilespmem:s26+$0x0];
	_ =	sdelay $0x3  }
0x2cf: {  	s1 =	sor.u32 $0x1A300, s18  }
0x2d0: {  	s28 =	sor.u32 s6, s1;
	v29 =	vld [tilespmem:s8+$0x200];
	[tilespmem:$0x1FFB0] =	vst v1  }
0x2d1: {  	v1 =	vld [tilespmem:s28+$0x0];
	_ =	sdelay $0x4  }
0x2d2: {  	v30 =	vld [tilespmem:s9+$0x200];
	[tilespmem:$0x1FFC0] =	vst v1  }
0x2d3: {  	v31 =	vld [tilespmem:s3+$0x200]  }
0x2d4: {  	v32 =	vld [tilespmem:s8+$0x280]  }
0x2d5: {  	v33 =	vld [tilespmem:s9+$0x280]  }
0x2d6: {  	v34 =	vld [tilespmem:s3+$0x280]  }
0x2d7: {  	v35 =	vld [tilespmem:s8+$0x300]  }
0x2d8: {  	v36 =	vld [tilespmem:s9+$0x300]  }
0x2d9: {  	v37 =	vld [tilespmem:s3+$0x300]  }
0x2da: {  	v38 =	vld [tilespmem:s8+$0x380]  }
0x2db: {  	v39 =	vld [tilespmem:s9+$0x380]  }
0x2dc: {  	s29 =	sor.u32 s0, s10;
	v40 =	vld [tilespmem:s3+$0x380]  }
0x2dd: {  	s31 =	sor.u32 s7, s10;
	v41 =	vld [tilespmem:s29+$0x0]  }
0x2de: {  	s17 =	sor.u32 s5, s11;
	v42 =	vld [tilespmem:s31+$0x0]  }
0x2df: {  	s18 =	sor.u32 s0, s12;
	v46 =	vld [tilespmem:s17+$0x0]  }
0x2e0: {  	s19 =	sor.u32 s7, s12;
	v47 =	vld [tilespmem:s18+$0x0]  }
0x2e1: {  	s20 =	sor.u32 s5, s12;
	v48 =	vld [tilespmem:s19+$0x0]  }
0x2e2: {  	s21 =	sor.u32 s0, s13;
	v49 =	vld [tilespmem:s20+$0x0]  }
0x2e3: {  	s22 =	sor.u32 s7, s13;
	v50 =	vld [tilespmem:s21+$0x0]  }
0x2e4: {  	s23 =	sor.u32 s5, s13;
	v51 =	vld [tilespmem:s22+$0x0]  }
0x2e5: {  	s24 =	sor.u32 s0, s14;
	v52 =	vld [tilespmem:s23+$0x0]  }
0x2e6: {  	s25 =	sor.u32 s7, s14;
	v53 =	vld [tilespmem:s24+$0x0]  }
0x2e7: {  	s26 =	sor.u32 s5, s14;
	v54 =	vld [tilespmem:s25+$0x0]  }
0x2e8: {  	s28 =	sor.u32 s0, s15;
	v55 =	vld [tilespmem:s26+$0x0]  }
0x2e9: {  	s12 =	sor.u32 s7, s1;
	v10 =	vadd.f32 v11, v10;
	v56 =	vld [tilespmem:s28+$0x0]  }
0x2ea: {  	s14 =	sor.u32 s5, s1;
	v63 =	vld [tilespmem:s12+$0x0]  }
0x2eb: {  	v10 =	vadd.f32 v13, v10;
	s8 =	sor.u32 s5, s10;
	v3 =	vld [tilespmem:s14+$0x0]  }
0x2ec: {  	s9 =	sor.u32 s0, s11;
	v43 =	vld [tilespmem:s8+$0x0]  }
0x2ed: {  	v10 =	vadd.f32 v15, v10;
	s10 =	sor.u32 s7, s11;
	v44 =	vld [tilespmem:s9+$0x0]  }
0x2ee: {  	s29 =	sor.u32 s7, s15;
	v45 =	vld [tilespmem:s10+$0x0]  }
0x2ef: {  	v10 =	vadd.f32 v17, v10;
	s31 =	sor.u32 s5, s15;
	v57 =	vld [tilespmem:s29+$0x0]  }
0x2f0: {  	s8 =	sor.u32 s0, s16;
	v58 =	vld [tilespmem:s31+$0x0]  }
0x2f1: {  	v16 =	vadd.f32 v18, v16;
	v10 =	vadd.f32 v19, v10;
	s11 =	simm.s32 $0x200;
	s9 =	sor.u32 s7, s16;
	v59 =	vld [tilespmem:s8+$0x0]  }
0x2f2: {  	s10 =	sor.u32 s5, s16;
	s13 =	sand.u32 $0x1C00, s11;
	v60 =	vld [tilespmem:s9+$0x0];
	s9 =	simm.s32 $0x40  }
0x2f3: {  	v16 =	vadd.f32 v24, v16;
	v10 =	vadd.f32 v21, v10;
	s0 =	sor.u32 s0, s1;
	v61 =	vld [tilespmem:s10+$0x0];
	s15 =	sadd.s32 $0x18B80, s13;
	s10 =	sand.u32 $0x40, s9  }
0x2f4: {  	v19 =	vadd.f32 v22, v20;
	v62 =	vld [tilespmem:s0+$0x0];
	s19 =	sor.u32 s10, s15  }
0x2f5: {  	v9 =	vadd.f32 v9, v10;
	v10 =	vadd.f32 v27, v16;
	v2 =	vld [tilespmem:s19+$0x0]  }
0x2f6: {  	v19 =	vadd.f32 v25, v19;
	v25 =	vld [tilespmem:s19+$0x80]  }
0x2f7: {  	v30 =	vadd.f32 v30, v10;
	v27 =	vld [tilespmem:s19+$0x100]  }
0x2f8: {  	v19 =	vadd.f32 v28, v19;
	s8 =	sor.u32 $0x30, s10;
	v28 =	vld [tilespmem:s19+$0x180]  }
0x2f9: {  	s18 =	sor.u32 s8, s15;
	v24 =	vadd.f32 v33, v30;
	v30 =	vld [tilespmem:s19+$0x200]  }
0x2fa: {  	v11 =	vld [tilespmem:s18+$0x0]  }
0x2fb: {  	v13 =	vld [tilespmem:s18+$0x80]  }
0x2fc: {  	v15 =	vld [tilespmem:s18+$0x100]  }
0x2fd: {  	v12 =	vadd.f32 v14, v12;
	v1 =	vld [tilespmem:s18+$0x180]  }
0x2fe: {  	v17 =	vld [tilespmem:s18+$0x200]  }
0x2ff: {  	v12 =	vadd.f32 v23, v12;
	v14 =	vld [tilespmem:s18+$0x280]  }
0x300: {  	s28 =	sadd.s32 $0x19F80, s13;
	v18 =	vld [tilespmem:s18+$0x300]  }
0x301: {  	v12 =	vadd.f32 v26, v12;
	s23 =	sor.u32 $0x1A000, s13;
	s20 =	sor.u32 s8, s28;
	v20 =	vld [tilespmem:s18+$0x380]  }
0x302: {  	s12 =	sor.u32 $0x1A080, s13;
	s21 =	sor.u32 s8, s23;
	v21 =	vld [tilespmem:s20+$0x0]  }
0x303: {  	v29 =	vadd.f32 v29, v12;
	s0 =	sor.u32 $0x1A100, s13;
	s22 =	sor.u32 s8, s12;
	v22 =	vld [tilespmem:s21+$0x0]  }
0x304: {  	v8 =	vadd.f32 v8, v9;
	s17 =	sor.u32 $0x1A200, s13;
	s24 =	sor.u32 s8, s0;
	v16 =	vld [tilespmem:s22+$0x0]  }
0x305: {  	s16 =	sor.u32 $0x1A280, s13;
	s26 =	sor.u32 s8, s17;
	v19 =	vadd.f32 v31, v19;
	v23 =	vadd.f32 v32, v29;
	v12 =	vld [tilespmem:s24+$0x0]  }
0x306: {  	s11 =	sor.u32 $0x1A300, s13;
	s29 =	sor.u32 s8, s16;
	v32 =	vadd.f32 v4, v8;
	v9 =	vld [tilespmem:s26+$0x0]  }
0x307: {  	s31 =	sor.u32 s8, s11;
	v8 =	vld [tilespmem:s29+$0x0];
	v19 =	vadd.f32 v34, v19;
	v23 =	vadd.f32 v35, v23  }
0x308: {  	s18 =	sor.u32 $0x1A180, s13;
	s13 =	sor.u32 $0x10, s10;
	v4 =	vld [tilespmem:s31+$0x0];
	v7 =	vadd.f32 v7, v32;
	v24 =	vadd.f32 v36, v24  }
0x309: {  	s14 =	sor.u32 s13, s15;
	v32 =	vld [tilespmem:s19+$0x280];
	v19 =	vadd.f32 v37, v19;
	v23 =	vadd.f32 v38, v23  }
0x30a: {  	v26 =	vld [tilespmem:s14+$0x0];
	v6 =	vadd.f32 v6, v7;
	v7 =	vadd.f32 v39, v24  }
0x30b: {  	v37 =	vld [tilespmem:$0x1FFA0];
	v2 =	vadd.f32 v25, v2;
	v19 =	vadd.f32 v40, v19  }
0x30c: {  	s25 =	sor.u32 s8, s18;
	v24 =	vld [tilespmem:s14+$0x80];
	v23 =	vadd.f32 v41, v23;
	v5 =	vadd.f32 v5, v6  }
0x30d: {  	v10 =	vld [tilespmem:s25+$0x0];
	v6 =	vadd.f32 v42, v7;
	v11 =	vadd.f32 v13, v11  }
0x30e: {  	v38 =	vld [tilespmem:$0x1FFB0];
	v2 =	vadd.f32 v27, v2;
	v19 =	vadd.f32 v43, v19  }
0x30f: {  	v7 =	vld [tilespmem:s14+$0x100];
	v23 =	vadd.f32 v44, v23;
	v6 =	vadd.f32 v45, v6  }
0x310: {  	v29 =	vld [tilespmem:s14+$0x180];
	v11 =	vadd.f32 v15, v11;
	v5 =	vadd.f32 v37, v5  }
0x311: {  	v31 =	vld [tilespmem:s14+$0x200];
	v24 =	vadd.f32 v24, v26;
	v2 =	vadd.f32 v28, v2  }
0x312: {  	v33 =	vld [tilespmem:s14+$0x280];
	v19 =	vadd.f32 v46, v19;
	v23 =	vadd.f32 v47, v23  }
0x313: {  	v39 =	vld [tilespmem:$0x1FFC0];
	v6 =	vadd.f32 v48, v6;
	v1 =	vadd.f32 v1, v11  }
0x314: {  	s24 =	sor.u32 $0x20, s10;
	v40 =	vld [tilespmem:s19+$0x300];
	v5 =	vadd.f32 v38, v5;
	v7 =	vadd.f32 v7, v24  }
0x315: {  	s1 =	sor.u32 s24, s15;
	v41 =	vld [tilespmem:s19+$0x380];
	v2 =	vadd.f32 v30, v2;
	v19 =	vadd.f32 v49, v19  }
0x316: {  	v46 =	vld [tilespmem:s1+$0x0];
	v23 =	vadd.f32 v50, v23;
	v6 =	vadd.f32 v51, v6  }
0x317: {  	v11 =	vld [tilespmem:s1+$0x80];
	v1 =	vadd.f32 v17, v1;
	v19 =	vadd.f32 v52, v19  }
0x318: {  	v42 =	vld [tilespmem:s14+$0x300];
	v5 =	vadd.f32 v39, v5;
	v7 =	vadd.f32 v29, v7  }
0x319: {  	v43 =	vld [tilespmem:s14+$0x380];
	v2 =	vadd.f32 v32, v2;
	v19 =	vadd.f32 v55, v19  }
0x31a: {  	v47 =	vld [tilespmem:s1+$0x100];
	v23 =	vadd.f32 v53, v23;
	v6 =	vadd.f32 v54, v6  }
0x31b: {  	v48 =	vld [tilespmem:s1+$0x180];
	v1 =	vadd.f32 v14, v1;
	v44 =	vadd.f32 v58, v19  }
0x31c: {  	v49 =	vld [tilespmem:s1+$0x280];
	v11 =	vadd.f32 v11, v46;
	v7 =	vadd.f32 v31, v7  }
0x31d: {  	v50 =	vld [tilespmem:s1+$0x300];
	v1 =	vadd.f32 v18, v1;
	v15 =	vadd.f32 v61, v44  }
0x31e: {  	v51 =	vld [tilespmem:s1+$0x380];
	v2 =	vadd.f32 v40, v2;
	v23 =	vadd.f32 v56, v23  }
0x31f: {  	s15 =	sor.u32 s10, s28;
	v1 =	vadd.f32 v20, v1;
	v15 =	vadd.f32 v3, v15;
	v3 =	vld [tilespmem:s1+$0x200]  }
0x320: {  	s19 =	sor.u32 s13, s28;
	v52 =	vld [tilespmem:s15+$0x0];
	v6 =	vadd.f32 v57, v6;
	v11 =	vadd.f32 v47, v11  }
0x321: {  	s20 =	sor.u32 s24, s28;
	v53 =	vld [tilespmem:s19+$0x0];
	v7 =	vadd.f32 v33, v7;
	v1 =	vadd.f32 v21, v1  }
0x322: {  	s21 =	sor.u32 s10, s23;
	v54 =	vld [tilespmem:s20+$0x0];
	v2 =	vadd.f32 v41, v2;
	v11 =	vadd.f32 v48, v11  }
0x323: {  	s22 =	sor.u32 s13, s23;
	v55 =	vld [tilespmem:s21+$0x0];
	v45 =	vadd.f32 v59, v23;
	v1 =	vadd.f32 v22, v1  }
0x324: {  	s26 =	sor.u32 s10, s12;
	v56 =	vld [tilespmem:s22+$0x0];
	v6 =	vadd.f32 v60, v6;
	v3 =	vadd.f32 v3, v11  }
0x325: {  	s28 =	sor.u32 s13, s12;
	v57 =	vld [tilespmem:s26+$0x0];
	v7 =	vadd.f32 v42, v7;
	v1 =	vadd.f32 v16, v1  }
0x326: {  	s29 =	sor.u32 s24, s12;
	v58 =	vld [tilespmem:s28+$0x0];
	v2 =	vadd.f32 v52, v2;
	v3 =	vadd.f32 v49, v3  }
0x327: {  	s31 =	sor.u32 s10, s0;
	v59 =	vld [tilespmem:s29+$0x0];
	v7 =	vadd.f32 v43, v7;
	v1 =	vadd.f32 v12, v1  }
0x328: {  	s25 =	sor.u32 s24, s23;
	v60 =	vld [tilespmem:s31+$0x0];
	v19 =	vadd.f32 v62, v45;
	v3 =	vadd.f32 v50, v3  }
0x329: {  	s3 =	sor.u32 s13, s0;
	v7 =	vadd.f32 v53, v7;
	v11 =	vld [tilespmem:s25+$0x0];
	v1 =	vadd.f32 v10, v1  }
0x32a: {  	s4 =	sor.u32 s10, s18;
	v6 =	vadd.f32 v63, v6;
	v61 =	vld [tilespmem:s3+$0x0];
	v3 =	vadd.f32 v51, v3  }
0x32b: {  	s14 =	sor.u32 s13, s18;
	v62 =	vld [tilespmem:s4+$0x0];
	v7 =	vadd.f32 v56, v7;
	v1 =	vadd.f32 v9, v1  }
0x32c: {  	s0 =	sor.u32 s24, s0;
	s12 =	sand.u32 $0x380, s2;
	v63 =	vld [tilespmem:s14+$0x0];
	v2 =	vadd.f32 v55, v2;
	v3 =	vadd.f32 v54, v3  }
0x32d: {  	s18 =	sor.u32 s24, s18;
	s15 =	sadd.s32 $0x1B380, s12;
	v7 =	vadd.f32 v58, v7;
	v10 =	vld [tilespmem:s0+$0x0];
	v8 =	vadd.f32 v8, v1  }
0x32e: {  	s30 =	sor.u32 s10, s11;
	s19 =	sor.u32 s7, s15;
	s21 =	sor.u32 s10, s17;
	v2 =	vadd.f32 v57, v2;
	v9 =	vld [tilespmem:s18+$0x0];
	v3 =	vadd.f32 v11, v3  }
0x32f: {  	s23 =	sor.u32 s24, s17;
	[tilespmem:s19+$0x0] =	vst v6;
	s25 =	sor.u32 s10, s16;
	s0 =	sor.u32 s6, s15;
	v6 =	vadd.f32 v4, v8;
	v4 =	vadd.f32 v61, v7;
	v11 =	vld [tilespmem:s21+$0x0]  }
0x330: {  	s2 =	simm.s32 $0x1B380;
	s12 =	sor.u32 s13, s11;
	s22 =	sor.u32 s13, s17;
	v12 =	vadd.f32 v60, v2;
	v2 =	vld [tilespmem:s25+$0x0];
	[tilespmem:s0+$0x0] =	vst v5;
	v5 =	vadd.f32 v59, v3  }
0x331: {  	s20 =	sor.u32 s5, s15;
	s26 =	sor.u32 s13, s16;
	s29 =	sand.u32 $0x380, s9;
	v1 =	vld [tilespmem:s22+$0x0];
	v8 =	vadd.f32 v63, v4  }
0x332: {  	s5 =	simm.s32 $0x4;
	s7 =	simm.s32 $0x80;
	s31 =	sadd.s32 $0x1B380, s29;
	[tilespmem:s2+$0x0] =	vst v19;
	v4 =	vld [tilespmem:s26+$0x0];
	v5 =	vadd.f32 v10, v5;
	v10 =	vadd.f32 v62, v12  }
0x333: {  	s28 =	sor.u32 s24, s16;
	s4 =	sor.u32 s8, s31;
	[tilespmem:s20+$0x0] =	vst v15;
	s16 =	sor.u32 s24, s31;
	v3 =	vld [tilespmem:s23+$0x0]  }
0x334: {  	s6 =	simm.s32 $0x400;
	s0 =	sor.u32 s24, s11;
	s18 =	sor.u32 s13, s31;
	[tilespmem:s4+$0x0] =	vst v6;
	v7 =	vadd.f32 v9, v5;
	v6 =	vadd.f32 v11, v10;
	v5 =	vld [tilespmem:s28+$0x0]  }
.LBB2_14:
0x335: {  	s28 =	sand.u32 $0x40, s7;
	s23 =	sand.u32 $0x1C00, s6;
	v9 =	vld [tilespmem:s30+$0x0]  }
0x336: {  	s1 =	sadd.s32 $0x18B80, s23;
	s8 =	sor.u32 $0x30, s28;
	v1 =	vadd.f32 v1, v8;
	v8 =	vld [tilespmem:s12+$0x0]  }
0x337: {  	s3 =	sor.u32 s8, s1;
	v2 =	vadd.f32 v2, v6;
	v6 =	vld [tilespmem:s0+$0x0]  }
0x338: {  	v3 =	vadd.f32 v3, v7;
	v7 =	vld [tilespmem:s3+$0x0]  }
0x339: {  	s11 =	sor.u32 s28, s1;
	v1 =	vadd.f32 v4, v1;
	v4 =	vld [tilespmem:s3+$0x80]  }
0x33a: {  	v3 =	vadd.f32 v5, v3;
	v5 =	vld [tilespmem:s11+$0x0];
	v2 =	vadd.f32 v9, v2  }
0x33b: {  	s2 =	sadd.s32 $0x40, s2;
	v9 =	vld [tilespmem:s3+$0x100]  }
0x33c: {  	v1 =	vadd.f32 v8, v1;
	v8 =	vld [tilespmem:s11+$0x80];
	[tilespmem:s2+$0x0] =	vst v2;
	v2 =	vadd.f32 v6, v3  }
0x33d: {  	v3 =	vld [tilespmem:s3+$0x180]  }
0x33e: {  	s13 =	sor.u32 $0x10, s28;
	[tilespmem:s16+$0x0] =	vst v2;
	v2 =	vld [tilespmem:s3+$0x200]  }
0x33f: {  	s9 =	sor.u32 s13, s1;
	[tilespmem:s18+$0x0] =	vst v1;
	v4 =	vadd.f32 v4, v7;
	v7 =	vld [tilespmem:s3+$0x280]  }
0x340: {  	v1 =	vld [tilespmem:s9+$0x0]  }
0x341: {  	s17 =	sor.u32 $0x20, s28;
	v6 =	vld [tilespmem:s9+$0x80]  }
0x342: {  	s10 =	sor.u32 s17, s1;
	v10 =	vld [tilespmem:s9+$0x100];
	v4 =	vadd.f32 v9, v4  }
0x343: {  	v9 =	vld [tilespmem:s10+$0x80]  }
0x344: {  	v5 =	vadd.f32 v8, v5;
	v8 =	vld [tilespmem:s10+$0x0];
	v3 =	vadd.f32 v3, v4  }
0x345: {  	v4 =	vld [tilespmem:s3+$0x300]  }
0x346: {  	s19 =	sadd.s32 $0x19F80, s23;
	v2 =	vadd.f32 v2, v3;
	v3 =	vld [tilespmem:s3+$0x380]  }
0x347: {  	s22 =	sor.u32 s8, s19;
	v1 =	vadd.f32 v6, v1;
	v6 =	vld [tilespmem:s11+$0x100]  }
0x348: {  	s24 =	sor.u32 $0x1A000, s23;
	v2 =	vadd.f32 v7, v2;
	v7 =	vld [tilespmem:s22+$0x0]  }
0x349: {  	s29 =	sor.u32 s8, s24;
	v1 =	vadd.f32 v10, v1;
	v10 =	vld [tilespmem:s9+$0x180]  }
0x34a: {  	v2 =	vadd.f32 v4, v2;
	v4 =	vadd.f32 v9, v8;
	v8 =	vld [tilespmem:s29+$0x0]  }
0x34b: {  	s31 =	sor.u32 $0x1A080, s23;
	v9 =	vld [tilespmem:s10+$0x100]  }
0x34c: {  	s4 =	sor.u32 s8, s31;
	v2 =	vadd.f32 v3, v2;
	v3 =	vadd.f32 v6, v5;
	v6 =	vld [tilespmem:s11+$0x180]  }
0x34d: {  	s15 =	sor.u32 $0x1A180, s23;
	s20 =	sor.u32 s28, s19;
	s12 =	sor.u32 $0x1A100, s23;
	v5 =	vld [tilespmem:s4+$0x0]  }
0x34e: {  	s21 =	sor.u32 s13, s19;
	[dreg:$0xf] =	wrdreg s20;
	s14 =	sor.u32 s8, s12;
	v1 =	vadd.f32 v10, v1;
	v10 =	vld [tilespmem:s9+$0x200];
	v2 =	vadd.f32 v7, v2  }
0x34f: {  	s25 =	sor.u32 s28, s24;
	[dreg:$0x7] =	wrdreg s21;
	s16 =	sor.u32 s8, s15;
	v7 =	vld [tilespmem:s14+$0x0]  }
0x350: {  	[dreg:$0x10] =	wrdreg s25;
	s25 =	sor.u32 s17, s31;
	s0 =	sor.u32 s17, s19;
	v2 =	vadd.f32 v8, v2;
	v8 =	vld [tilespmem:s16+$0x0]  }
0x351: {  	s20 =	sor.u32 s28, s12;
	s21 =	sor.u32 s13, s12;
	s18 =	sor.u32 $0x1A200, s23;
	v3 =	vadd.f32 v6, v3;
	v6 =	vld [tilespmem:s11+$0x200]  }
0x352: {  	s19 =	sor.u32 s13, s18;
	s3 =	sor.u32 s13, s31;
	s4 =	sor.u32 s8, s18;
	v4 =	vadd.f32 v9, v4;
	v9 =	vld [tilespmem:s10+$0x180];
	v2 =	vadd.f32 v5, v2  }
0x353: {  	s22 =	sor.u32 s28, s31;
	s31 =	sor.u32 s17, s12;
	s12 =	sor.u32 $0x1A280, s23;
	v5 =	vld [tilespmem:s4+$0x0]  }
0x354: {  	[dreg:$0x11] =	wrdreg s3;
	s3 =	sor.u32 s17, s18;
	s16 =	sor.u32 s8, s12;
	v1 =	vadd.f32 v10, v1;
	v10 =	vld [tilespmem:s11+$0x300];
	v2 =	vadd.f32 v7, v2  }
0x355: {  	s1 =	sor.u32 s28, s12;
	s14 =	sor.u32 s28, s18;
	s18 =	sor.u32 $0x1A300, s23;
	v7 =	vld [tilespmem:s16+$0x0]  }
0x356: {  	s29 =	sor.u32 s28, s15;
	s30 =	sor.u32 s28, s18;
	s28 =	sor.u32 s8, s18;
	v2 =	vadd.f32 v8, v2;
	v3 =	vadd.f32 v6, v3;
	v6 =	vld [tilespmem:s9+$0x280]  }
0x357: {  	v8 =	vld [tilespmem:s28+$0x0]  }
0x358: {  	v2 =	vadd.f32 v5, v2;
	v5 =	vld [tilespmem:s11+$0x280]  }
0x359: {  	v4 =	vadd.f32 v9, v4;
	v9 =	vld [tilespmem:s10+$0x200]  }
0x35a: {  	v2 =	vadd.f32 v7, v2;
	v7 =	vld [tilespmem:s10+$0x280]  }
0x35b: {  	v1 =	vadd.f32 v6, v1;
	v6 =	vld [tilespmem:s9+$0x380]  }
0x35c: {  	s28 =	sand.u32 $0x380, s7;
	v2 =	vadd.f32 v8, v2;
	v8 =	vld [tilespmem:s9+$0x300]  }
0x35d: {  	s28 =	sadd.s32 $0x1B380, s28;
	s9 =	rddreg [dreg:$0xf];
	v3 =	vadd.f32 v5, v3;
	v5 =	vld [tilespmem:s10+$0x300]  }
0x35e: {  	s26 =	sor.u32 s13, s24;
	s8 =	sor.u32 s8, s28;
	v4 =	vadd.f32 v9, v4;
	v9 =	vld [tilespmem:s9+$0x0]  }
0x35f: {  	[dreg:$0xa] =	wrdreg s26;
	[tilespmem:s8+$0x0] =	vst v2;
	v2 =	vld [tilespmem:s11+$0x380]  }
0x360: {  	s26 =	sor.u32 s13, s15;
	[dreg:$0xb] =	wrdreg s0;
	s23 =	sor.u32 s17, s12;
	v4 =	vadd.f32 v7, v4;
	v7 =	vld [tilespmem:s10+$0x380]  }
0x361: {  	s0 =	sor.u32 s17, s18;
	s4 =	sor.u32 s13, s12;
	v3 =	vadd.f32 v10, v3;
	s10 =	rddreg [dreg:$0x7];
	v10 =	vld [tilespmem:s14+$0x0]  }
0x362: {  	s12 =	sor.u32 s13, s18;
	s18 =	sor.u32 s13, s28;
	s13 =	rddreg [dreg:$0x10];
	v1 =	vadd.f32 v8, v1;
	v8 =	vld [tilespmem:s10+$0x0]  }
0x363: {  	s24 =	sor.u32 s17, s24;
	s11 =	rddreg [dreg:$0xb];
	v4 =	vadd.f32 v5, v4;
	v5 =	vld [tilespmem:s13+$0x0]  }
0x364: {  	s15 =	sor.u32 s17, s15;
	s16 =	sor.u32 s17, s28;
	s17 =	rddreg [dreg:$0xa];
	v2 =	vadd.f32 v2, v3;
	v3 =	vld [tilespmem:s11+$0x0]  }
0x365: {  	v1 =	vadd.f32 v6, v1;
	v6 =	vld [tilespmem:s17+$0x0]  }
0x366: {  	v4 =	vadd.f32 v7, v4;
	v7 =	vld [tilespmem:s24+$0x0]  }
0x367: {  	s28 =	rddreg [dreg:$0x11];
	v2 =	vadd.f32 v9, v2;
	v9 =	vld [tilespmem:s22+$0x0]  }
0x368: {  	v1 =	vadd.f32 v8, v1;
	v8 =	vld [tilespmem:s28+$0x0]  }
0x369: {  	v2 =	vadd.f32 v5, v2;
	v5 =	vld [tilespmem:s20+$0x0]  }
0x36a: {  	v3 =	vadd.f32 v3, v4;
	v4 =	vld [tilespmem:s25+$0x0]  }
0x36b: {  	v1 =	vadd.f32 v6, v1;
	v6 =	vld [tilespmem:s21+$0x0]  }
0x36c: {  	v3 =	vadd.f32 v7, v3;
	v7 =	vld [tilespmem:s31+$0x0]  }
0x36d: {  	v2 =	vadd.f32 v9, v2;
	v9 =	vld [tilespmem:s29+$0x0]  }
0x36e: {  	s5 =	sadd.s32 $0x4, s5;
	v1 =	vadd.f32 v8, v1;
	v8 =	vld [tilespmem:s26+$0x0]  }
0x36f: {  	p2 =	slt.u32 s5, $0x24;
	v2 =	vadd.f32 v5, v2;
	v5 =	vld [tilespmem:s15+$0x0];
	v3 =	vadd.f32 v4, v3  }
.Ltmp7:
0x370: {  	v4 =	vadd.f32 v6, v1;
	v1 =	vld [tilespmem:s19+$0x0];
	(pc) =	sbr.rel @p2 .LBB2_14-.Ltmp7, $4  }
0x371: {  	v6 =	vadd.f32 v7, v3;
	v3 =	vld [tilespmem:s3+$0x0]  }
0x372: {  	v9 =	vadd.f32 v9, v2;
	v2 =	vld [tilespmem:s1+$0x0]  }
0x373: {  	v8 =	vadd.f32 v8, v4;
	v4 =	vld [tilespmem:s4+$0x0]  }
0x374: {  	s6 =	sadd.s32 $0x200, s6;
	s7 =	sadd.s32 $0x40, s7;
	v7 =	vadd.f32 v5, v6;
	v6 =	vadd.f32 v10, v9;
	v5 =	vld [tilespmem:s23+$0x0]  }
0x375: {  	v9 =	vld [tilespmem:s30+$0x0]  }
0x376: {  	v10 =	vld [tilespmem:s12+$0x0]  }
0x377: {  	v1 =	vadd.f32 v1, v8;
	v63 =	vld [tilespmem:s0+$0x0]  }
0x378: {  	v3 =	vadd.f32 v3, v7;
	v2 =	vadd.f32 v2, v6  }
0x379: {  	v1 =	vadd.f32 v4, v1  }
0x37a: {  	v3 =	vadd.f32 v5, v3;
	v2 =	vadd.f32 v9, v2  }
0x37b: {  	s29 =	sadd.s32 $0x40, s2;
	v1 =	vadd.f32 v10, v1  }
0x37c: {  	[tilespmem:s29+$0x0] =	vst v2;
	v2 =	vadd.f32 v63, v3  }
0x37d: {  	[tilespmem:s18+$0x0] =	vst v1  }
0x37e: {  	s13 =	simm.s32 $0x0;
	[tilespmem:s16+$0x0] =	vst v2  }
0x37f: {  	s1 =	simm.s32 $0x1B380;
	s12 =	simm.s32 $0x3;
	s0 =	rddreg [dreg:$0x1f]  }
0x380: {  	[hbm4b:s0+s13] =	stream.linear.scatter [tilespmem:s1], [sflag:$0x3], $0x280, $0x38;
	[tilespmem:$0x1E080] =	vst v63  }
0x381: {  	_ =	swait.ge [sflag:s12], $0x280  }
0x382: {  	s30 =	sld [smem:$0x7F8]  }
0x383: {  	s31 =	sld [smem:$0x7F9];
	_ =	sdelay $0x1  }
0x384: {  	s1 =	sadd.s32 $0x1, s30  }
0x385: {  	p2 =	sne.s32 s1, s31  }
.Ltmp8:
0x386: {  	_ = 	snop;
	(pc) =	sbr.rel @p2 .LBB2_1-.Ltmp8, $3  }
0x387: {  	_ =	sdelay $0x1  }
0x388: {  	s15 =	simm.s32 $0x2800;
	[sflag:s12] =	ssyncset.done $0x0  }
0x389: {  	s16 =	simm.s32 $0x5000;
	s14 =	rddreg [dreg:$0x12];
	[sflag:s12] =	ssyncadd.s32 $0xFFFFFD80  }
0x38a: {  	_ =	sfence.sel $0x180000  }
0x38b: {  	[bflag:$0x0] =	sbarrier.arrive $0xFFFF  }
0x38c: {  	_ =	strace $0x90000047  }
0x38d: {  	[bflag:$0x2] =	sbarrier.arrive $0xFFFF  }
0x38e: {  	s0 =	rddreg [dreg:$0x5]  }
0x38f: {  	s0 =	sadd.s32 @!p0 $0x100000, s0  }
0x390: {  	[sflag:s0] =	ssyncadd.tile.s32 @!p0 $0x1;
	_ =	shalt  }
.Lfunc_end2:
_tile_overlayer_lowered:
.L_overlay_start_2:
0x391: {  	(tag) =	ssettag $0x2  }
0x392: {  	s0 =	rddreg [dreg:$0x0];
	s2 =	stileid.u32  }
0x393: {  	s1 =	rddreg [dreg:$0x1];
	p0 =	sne.s32 s2, $0x0  }
0x394: {  	s3 =	rddreg [dreg:$0x2];
	[bflag:$0x3] =	sbarrier.arrive $0xFFFF;
	s2 =	simm.s32 @!p0 $0x1C03  }
0x395: {  	[timem:s3], [sflag:s2] =	dma.local @!p0 [hbm:s0], s1  }
0x396: {  	s0 =	simm.s32 @!p0 $0x3  }
0x397: {  	_ =	swait.ge @!p0 [sflag:s0], s1  }
0x398: {  	s1 =	ssub.s32 @!p0 $0x0, s1;
	[sflag:s0] =	ssyncset.done @!p0 $0x0  }
0x399: {  	[sflag:s0] =	ssyncadd.s32 @!p0 s1  }
0x39a: {  	[bflag:$0x3] =	sbarrier.arrive $0xFFFF  }
0x39b: {  	_ =	shalt  }

</sc_bundles>
